<compile_context>
chip_gen: v7x
topology: tpu7x:2x2x1
jax: 0.10.2.dev20260603
libtpu: 0.0.44.dev20260713+nightly
codegen_flags: <defaults>
</compile_context>

<pallas_src>
import functools

import jax
import jax.numpy as jnp
from jax import lax
from jax.experimental import pallas as pl
from jax.experimental.pallas import tpu as pltpu
from jax.experimental.pallas import tpu_sc as plsc

T = 2048
H = 2048
FF = 5632
E = 8
K = 2
C = 640
SLOTS = E * C
SENT = SLOTS
AUX_COEF = 0.001
Z_COEF = 0.001

FB = 512
NFB = FF // FB

NC = 2
NS = 16
NW = NC * NS


def _cumsum0(a):
    n, e = a.shape
    s = 1
    while s < n:
        a = a + jnp.concatenate([jnp.zeros((s, e), a.dtype), a[:-s]], axis=0)
        s *= 2
    return a



def _router_body(x_ref, wr_ref, dest_ref, wts_ref, aux_ref):
    x = x_ref[...]
    wr = wr_ref[...]
    logits = jnp.dot(x, wr, preferred_element_type=jnp.float32)
    m = jnp.max(logits, axis=-1, keepdims=True)
    ex = jnp.exp(logits - m)
    se = jnp.sum(ex, axis=-1, keepdims=True)
    probs = ex / se
    lse = m + jnp.log(se)

    lane = jax.lax.broadcasted_iota(jnp.int32, (T, E), 1)
    m0 = jnp.max(probs, axis=-1, keepdims=True)
    i0 = jnp.min(jnp.where(probs == m0, lane, E), axis=-1, keepdims=True)
    oh0 = lane == i0
    probs1 = jnp.where(oh0, -jnp.inf, probs)
    m1 = jnp.max(probs1, axis=-1, keepdims=True)
    i1 = jnp.min(jnp.where(probs1 == m1, lane, E), axis=-1, keepdims=True)
    oh1 = lane == i1

    oh0f = oh0.astype(jnp.float32)
    oh1f = oh1.astype(jnp.float32)
    cs0 = _cumsum0(oh0f)
    cnt0 = cs0[T - 1:T, :]
    pos0 = cs0 - oh0f
    cs1 = _cumsum0(oh1f)
    cnt1 = cs1[T - 1:T, :]
    pos1 = cs1 - oh1f + cnt0

    p0 = jnp.sum(pos0 * oh0f, axis=-1, keepdims=True).astype(jnp.int32)
    p1 = jnp.sum(pos1 * oh1f, axis=-1, keepdims=True).astype(jnp.int32)
    keep0 = p0 < C
    keep1 = p1 < C
    sw = m0 + m1
    w0 = jnp.where(keep0, m0 / sw, 0.0)
    w1 = jnp.where(keep1, m1 / sw, 0.0)
    d0 = jnp.where(keep0, i0 * C + p0, SENT)
    d1 = jnp.where(keep1, i1 * C + p1, SENT)

    col = jax.lax.broadcasted_iota(jnp.int32, (T, 8), 1)
    dest_ref[...] = jnp.where(col == 0, d0, jnp.where(col == 1, d1, 0))
    wts_ref[...] = jnp.where(col == 0, w0, jnp.where(col == 1, w1, 0.0))

    f = (cnt0 + cnt1) / T
    p_mean = jnp.sum(probs, axis=0, keepdims=True) / T
    aux = (AUX_COEF * E * jnp.sum(f * p_mean)
           + Z_COEF * jnp.sum(lse * lse) / T)
    aux_ref[...] = jnp.full((1, 1), aux, jnp.float32)


def _router(x, w_router):
    return pl.pallas_call(
        _router_body,
        out_shape=[
            jax.ShapeDtypeStruct((T, 8), jnp.int32),
            jax.ShapeDtypeStruct((T, 8), jnp.float32),
            jax.ShapeDtypeStruct((1, 1), jnp.float32),
        ],
    )(x, w_router)



def _src_build(dest2):
    mesh = plsc.VectorSubcoreMesh(core_axis_name="c", subcore_axis_name="s")

    @functools.partial(
        pl.kernel,
        out_type=jax.ShapeDtypeStruct((SLOTS,), jnp.int32),
        mesh=mesh,
        scratch_types=[
            pltpu.VMEM((2, T), jnp.int32),
            pltpu.VMEM((SLOTS,), jnp.int32),
        ],
        compiler_params=pltpu.CompilerParams(needs_layout_passes=False),
    )
    def k(dest_hbm, src_hbm, d_v, s_v):
        wid = lax.axis_index("s") * NC + lax.axis_index("c")

        @pl.when(wid == 0)
        def _():
            pltpu.sync_copy(dest_hbm, d_v)

            def init(b, carry):
                s_v[pl.ds(b * 16, 16)] = jnp.zeros((16,), jnp.int32)
                return carry
            lax.fori_loop(0, SLOTS // 16, init, 0)

            for j in range(2):
                def scat(c, carry):
                    d = d_v[j, pl.ds(c * 16, 16)]
                    t = lax.iota(jnp.int32, 16) + c * 16
                    plsc.store_scatter(s_v, [d], t, mask=d < SLOTS)
                    return carry
                lax.fori_loop(0, T // 16, scat, 0)

            pltpu.sync_copy(s_v, src_hbm)

    return k(dest2)



ROWS_PER = SLOTS // NW
GCHUNK = 16
NCH = ROWS_PER // GCHUNK


def _dispatch_gather(x, src):
    mesh = plsc.VectorSubcoreMesh(core_axis_name="c", subcore_axis_name="s")

    @functools.partial(
        pl.kernel,
        out_type=jax.ShapeDtypeStruct((SLOTS, H), jnp.float32),
        mesh=mesh,
        scratch_types=[
            pltpu.VMEM((NCH, GCHUNK), jnp.int32),
            pltpu.VMEM((GCHUNK, H), jnp.float32),
            pltpu.VMEM((GCHUNK, H), jnp.float32),
            pltpu.SemaphoreType.DMA,
            pltpu.SemaphoreType.DMA,
        ],
        compiler_params=pltpu.CompilerParams(needs_layout_passes=False),
    )
    def k(x_hbm, src_hbm, out_hbm, idx_v, buf0, buf1, sem0, sem1):
        wid = lax.axis_index("s") * NC + lax.axis_index("c")
        base = wid * ROWS_PER
        for c in range(NCH):
            pltpu.sync_copy(src_hbm.at[pl.ds(base + c * GCHUNK, GCHUNK)],
                            idx_v.at[c])
        bufs = (buf0, buf1)
        sems = (sem0, sem1)
        cps = [None] * NCH
        cps[0] = pltpu.async_copy(x_hbm.at[idx_v.at[0]], bufs[0], sems[0])
        for c in range(NCH):
            if c + 1 < NCH:
                cps[c + 1] = pltpu.async_copy(
                    x_hbm.at[idx_v.at[c + 1]],
                    bufs[(c + 1) % 2], sems[(c + 1) % 2])
            cps[c].wait()
            pltpu.sync_copy(bufs[c % 2],
                            out_hbm.at[pl.ds(base + c * GCHUNK, GCHUNK)])

    return k(x, src)



def _ffn_body(dx_ref, wg_ref, wu_ref, wd_ref, out_ref, acc_ref):
    fb = pl.program_id(1)
    a = dx_ref[...]
    g = jnp.dot(a, wg_ref[0], preferred_element_type=jnp.float32)
    u = jnp.dot(a, wu_ref[0], preferred_element_type=jnp.float32)
    hh = g * jax.lax.logistic(g) * u
    contrib = jnp.dot(hh, wd_ref[0], preferred_element_type=jnp.float32)

    @pl.when(fb == 0)
    def _():
        acc_ref[...] = contrib

    @pl.when(fb > 0)
    def _():
        acc_ref[...] += contrib

    @pl.when(fb == NFB - 1)
    def _():
        out_ref[...] = acc_ref[...].astype(jnp.bfloat16)


def _expert_ffn(disp_x, w_gate, w_up, w_down):
    return pl.pallas_call(
        _ffn_body,
        grid=(E, NFB),
        in_specs=[
            pl.BlockSpec((C, H), lambda e, f: (e, 0)),
            pl.BlockSpec((1, H, FB), lambda e, f: (e, 0, f)),
            pl.BlockSpec((1, H, FB), lambda e, f: (e, 0, f)),
            pl.BlockSpec((1, FB, H), lambda e, f: (e, f, 0)),
        ],
        out_specs=pl.BlockSpec((C, H), lambda e, f: (e, 0)),
        out_shape=jax.ShapeDtypeStruct((SLOTS, H), jnp.bfloat16),
        scratch_shapes=[pltpu.VMEM((C, H), jnp.float32)],
        compiler_params=pltpu.CompilerParams(
            vmem_limit_bytes=100 * 1024 * 1024),
    )(disp_x, w_gate, w_up, w_down)



FBS = 256
NFBS = FF // FBS


def _shared_body(x_ref, wg_ref, wu_ref, wd_ref, out_ref):
    fb = pl.program_id(0)
    a = x_ref[...]
    g = jnp.dot(a, wg_ref[...], preferred_element_type=jnp.float32)
    u = jnp.dot(a, wu_ref[...], preferred_element_type=jnp.float32)
    hh = g * jax.lax.logistic(g) * u
    contrib = jnp.dot(hh, wd_ref[...], preferred_element_type=jnp.float32)

    @pl.when(fb == 0)
    def _():
        out_ref[...] = contrib

    @pl.when(fb > 0)
    def _():
        out_ref[...] += contrib


def _shared_ffn(x, ws_gate, ws_up, ws_down):
    return pl.pallas_call(
        _shared_body,
        grid=(NFBS,),
        in_specs=[
            pl.BlockSpec((T, H), lambda f: (0, 0)),
            pl.BlockSpec((H, FBS), lambda f: (0, f)),
            pl.BlockSpec((H, FBS), lambda f: (0, f)),
            pl.BlockSpec((FBS, H), lambda f: (f, 0)),
        ],
        out_specs=pl.BlockSpec((T, H), lambda f: (0, 0)),
        out_shape=jax.ShapeDtypeStruct((T, H), jnp.float32),
        compiler_params=pltpu.CompilerParams(
            vmem_limit_bytes=100 * 1024 * 1024),
    )(x, ws_gate, ws_up, ws_down)



def _combine_body(eo_ref, dest_ref, wts_ref, sh_ref, out_ref):
    sb = pl.program_id(0)
    d0 = dest_ref[...][:, 0:1]
    d1 = dest_ref[...][:, 1:2]
    w0 = wts_ref[...][:, 0:1]
    w1 = wts_ref[...][:, 1:2]
    slot = jax.lax.broadcasted_iota(jnp.int32, (T, C), 1) + sb * C
    D = (jnp.where(d0 == slot, w0, 0.0)
         + jnp.where(d1 == slot, w1, 0.0)).astype(jnp.bfloat16)
    contrib = jnp.dot(D, eo_ref[...], preferred_element_type=jnp.float32)

    @pl.when(sb == 0)
    def _():
        out_ref[...] = sh_ref[...] + contrib

    @pl.when(sb > 0)
    def _():
        out_ref[...] += contrib


def _combine(eo, dest, wts, shared):
    return pl.pallas_call(
        _combine_body,
        grid=(E,),
        in_specs=[
            pl.BlockSpec((C, H), lambda s: (s, 0)),
            pl.BlockSpec((T, 8), lambda s: (0, 0)),
            pl.BlockSpec((T, 8), lambda s: (0, 0)),
            pl.BlockSpec((T, H), lambda s: (0, 0)),
        ],
        out_specs=pl.BlockSpec((T, H), lambda s: (0, 0)),
        out_shape=jax.ShapeDtypeStruct((T, H), jnp.float32),
        compiler_params=pltpu.CompilerParams(
            vmem_limit_bytes=100 * 1024 * 1024),
    )(eo, dest, wts, shared)



def kernel(x, w_router, w_gate, w_up, w_down, ws_gate, ws_up, ws_down):
    dest, wts, aux = _router(x, w_router)
    dest2 = dest.T[:2]
    src = _src_build(dest2)
    disp_x = _dispatch_gather(x, src)
    shared = _shared_ffn(x, ws_gate, ws_up, ws_down)
    eo = _expert_ffn(disp_x, w_gate, w_up, w_down)
    out = _combine(eo, dest, wts, shared)
    return out, aux[0, 0]

# --- scband reference (transcript-rebuilt; emitter-appended) ---
"""Pipeline reference for scband-rms-e-model-76845554860059 (READ-ONLY COPY).

The authoritative reference and input builder live on the scoring server;
editing this copy changes nothing except your own understanding.
"""

import jax, jax.numpy as jnp
import numpy as np

H = 2048
FF = 5632
E = 8
K = 2
CAP_FACTOR = 1.25
AUX_COEF = 0.001
Z_COEF = 0.001


def setup_inputs(seed: int = 0):
    key = jax.random.key(seed)
    ks = jax.random.split(key, 9)
    T = 2048
    x = jax.random.normal(ks[0], (T, H), dtype=jnp.float32)
    w_router = jax.random.normal(ks[1], (H, E), dtype=jnp.float32) * 0.02
    w_gate = jax.random.normal(ks[2], (E, H, FF), dtype=jnp.float32) * 0.02
    w_up = jax.random.normal(ks[3], (E, H, FF), dtype=jnp.float32) * 0.02
    w_down = jax.random.normal(ks[4], (E, FF, H), dtype=jnp.float32) * 0.02
    ws_gate = jax.random.normal(ks[5], (H, FF), dtype=jnp.float32) * 0.02
    ws_up = jax.random.normal(ks[6], (H, FF), dtype=jnp.float32) * 0.02
    ws_down = jax.random.normal(ks[7], (FF, H), dtype=jnp.float32) * 0.02
    return {"x": x, "w_router": w_router, "w_gate": w_gate, "w_up": w_up,
            "w_down": w_down, "ws_gate": ws_gate, "ws_up": ws_up, "ws_down": ws_down}


def _moe_forward(x, w_router, w_gate, w_up, w_down, ws_gate, ws_up, ws_down):
    T = x.shape[0]
    C = int(CAP_FACTOR * T * K / E)
    logits = x @ w_router                      # [T, E]
    probs = jax.nn.softmax(logits, axis=-1)
    topw, topi = jax.lax.top_k(probs, K)       # [T, K]
    topw = topw / jnp.sum(topw, axis=-1, keepdims=True)
    # GShard-style capacity dispatch/combine tensors
    combine = jnp.zeros((T, E, C), dtype=x.dtype)
    counts = jnp.zeros((E,), dtype=jnp.int32)
    for j in range(K):
        oh = jax.nn.one_hot(topi[:, j], E, dtype=x.dtype)          # [T, E]
        pos_before = jnp.cumsum(oh, axis=0) - oh                   # position within expert queue
        pos = pos_before + counts[None, :].astype(x.dtype)
        pos_t = jnp.sum(pos * oh, axis=1).astype(jnp.int32)        # [T]
        keep = (pos_t < C).astype(x.dtype)
        w = topw[:, j] * keep
        slot_oh = jax.nn.one_hot(pos_t, C, dtype=x.dtype)          # [T, C] (zero if out of range)
        combine = combine + w[:, None, None] * oh[:, :, None] * slot_oh[:, None, :]
        counts = counts + jnp.sum(oh, axis=0).astype(jnp.int32)
    dispatch = (combine > 0).astype(x.dtype)                        # [T, E, C]
    disp_x = jnp.einsum('tec,td->ecd', dispatch, x)                 # all-to-all dispatch
    h = jax.nn.silu(jnp.einsum('ecd,edf->ecf', disp_x, w_gate)) * jnp.einsum('ecd,edf->ecf', disp_x, w_up)
    expert_out = jnp.einsum('ecf,efd->ecd', h, w_down)
    routed = jnp.einsum('tec,ecd->td', combine, expert_out)         # weighted combine
    shared = (jax.nn.silu(x @ ws_gate) * (x @ ws_up)) @ ws_down     # shared expert (always active)
    out = routed + shared
    # aux losses: load-balance + router z-loss
    f = jnp.mean(jnp.sum(jax.nn.one_hot(topi, E, dtype=x.dtype), axis=1), axis=0)
    p = jnp.mean(probs, axis=0)
    aux_loss = AUX_COEF * E * jnp.sum(f * p) + Z_COEF * jnp.mean(jax.nn.logsumexp(logits, axis=-1) ** 2)
    return out, aux_loss


def reference(x, w_router, w_gate, w_up, w_down, ws_gate, ws_up, ws_down):
    return _moe_forward(x, w_router, w_gate, w_up, w_down, ws_gate, ws_up, ws_down)

if __name__ == "__main__":
    import jax
    _d = setup_inputs()
    print(jax.jit(kernel)(*tuple(_d.values())))

</pallas_src>

<mosaic_0001>
#map = affine_map<(d0, d1) -> (0, 0)>
#map1 = affine_map<(d0, d1) -> (0)>
module attributes {stable_mosaic.version = 14 : i64} {
  func.func @k(%arg0: i32, %arg1: i32, %arg2: memref<2x2048xi32, #tpu.memory_space<hbm>>, %arg3: memref<5120xi32, #tpu.memory_space<hbm>>, %arg4: memref<2x2048xi32, #tpu.memory_space<vmem>>, %arg5: memref<5120xi32, #tpu.memory_space<vmem>>) attributes {dimension_semantics = [#tpu.dimension_semantics<core_parallel>, #tpu.dimension_semantics<subcore_parallel>], iteration_bounds = array<i64: 2, 16>, scalar_prefetch = 0 : i64, scratch_operands = 2 : i64, tpu.core_type = #tpu.core_type<sc_vector_subcore>, window_params = [{transform_indices = #map}, {transform_indices = #map1}]} {
    %mul3A = arith.constant 2 : i32
    %mul3A_0 = arith.muli %arg1, %mul3A : i32
    %add3A = arith.addi %mul3A_0, %arg0 : i32
    %eq3A = arith.constant 0 : i32
    %eq3A_1 = arith.cmpi eq, %add3A, %eq3A : i32
    %convert_element_type3A = arith.extui %eq3A_1 : i1 to i32
    %cond3A = arith.constant 0 : i32
    %cond3A_2 = arith.cmpi ne, %convert_element_type3A, %cond3A : i32
    scf.if %cond3A_2 {
      "tpu.region"() ({
        %run_scoped3A = tpu.sem_alloc : memref<!tpu.dma_semaphore, #tpu.memory_space<semaphore_mem>>
        tpu.enqueue_dma source(%arg2 : memref<2x2048xi32, #tpu.memory_space<hbm>>) target(%arg4 : memref<2x2048xi32, #tpu.memory_space<vmem>>) target_semaphore(%run_scoped3A : memref<!tpu.dma_semaphore, #tpu.memory_space<semaphore_mem>>)
        tpu.wait_dma2 semaphore(%run_scoped3A : memref<!tpu.dma_semaphore, #tpu.memory_space<semaphore_mem>>) src(%arg2 : memref<2x2048xi32, #tpu.memory_space<hbm>>) dst(%arg4 : memref<2x2048xi32, #tpu.memory_space<vmem>>)
        tpu.yield
      }) : () -> ()
      %scan3A = arith.constant 0 : i32
      %scan3A_3 = arith.constant 0 : i32
      %scan3A_4 = arith.constant 320 : i32
      %scan3A_5 = arith.addi %scan3A_3, %scan3A_4 : i32
      %scan3A_6 = arith.constant 1 : i32
      scf.for %scan3A_20 = %scan3A_3 to %scan3A_5 step %scan3A_6  : i32 {
        %broadcast_in_dim3A = arith.constant 0 : i32
        %broadcast_in_dim3A_21 = vector.broadcast %broadcast_in_dim3A : i32 to vector<16xi32>
        %mul3A_22 = arith.constant 16 : i32
        %mul3A_23 = arith.muli %scan3A_20, %mul3A_22 : i32
        %swap3A = arith.index_cast %mul3A_23 : i32 to index
        %swap3A_24 = tpu.vector_load %arg5[%swap3A] {strides = array<i32>} : memref<5120xi32, #tpu.memory_space<vmem>>, vector<16xi32>,
        tpu.vector_store %arg5[%swap3A], %broadcast_in_dim3A_21 {strides = array<i32>} : memref<5120xi32, #tpu.memory_space<vmem>>, vector<16xi32>,
      }
      %scan3A_7 = arith.constant 320 : i32
      %scan3A_8 = arith.constant 0 : i32
      %scan3A_9 = arith.constant 0 : i32
      %scan3A_10 = arith.constant 128 : i32
      %scan3A_11 = arith.addi %scan3A_9, %scan3A_10 : i32
      %scan3A_12 = arith.constant 1 : i32
      scf.for %scan3A_20 = %scan3A_9 to %scan3A_11 step %scan3A_12  : i32 {
        %mul3A_21 = arith.constant 16 : i32
        %mul3A_22 = arith.muli %scan3A_20, %mul3A_21 : i32
        %get3A = arith.constant 0 : i32
        %get3A_23 = arith.index_cast %get3A : i32 to index
        %get3A_24 = arith.index_cast %mul3A_22 : i32 to index
        %get3A_25 = tpu.vector_load %arg4[%get3A_23, %get3A_24] {strides = array<i32>} : memref<2x2048xi32, #tpu.memory_space<vmem>>, vector<16xi32>,
        %iota3A = tpu.iota {dimensions = array<i32: 0>} : vector<16xi32>
        %mul3A_26 = arith.constant 16 : i32
        %mul3A_27 = arith.muli %scan3A_20, %mul3A_26 : i32
        %add3A_28 = vector.broadcast %mul3A_27 : i32 to vector<16xi32>
        %add3A_29 = arith.addi %iota3A, %add3A_28 : vector<16xi32>
        %lt3A = arith.constant 5120 : i32
        %lt3A_30 = vector.broadcast %lt3A : i32 to vector<16xi32>
        %lt3A_31 = arith.cmpi slt, %get3A_25, %lt3A_30 : vector<16xi32>
        tpu.vector_store_idx %arg5[%get3A_25], %add3A_29 masked %lt3A_31 : memref<5120xi32, #tpu.memory_space<vmem>>[vector<16xi32>], vector<16xi32>, vector<16xi1>
      }
      %scan3A_13 = arith.constant 128 : i32
      %scan3A_14 = arith.constant 0 : i32
      %scan3A_15 = arith.constant 0 : i32
      %scan3A_16 = arith.constant 128 : i32
      %scan3A_17 = arith.addi %scan3A_15, %scan3A_16 : i32
      %scan3A_18 = arith.constant 1 : i32
      scf.for %scan3A_20 = %scan3A_15 to %scan3A_17 step %scan3A_18  : i32 {
        %mul3A_21 = arith.constant 16 : i32
        %mul3A_22 = arith.muli %scan3A_20, %mul3A_21 : i32
        %get3A = arith.constant 1 : i32
        %get3A_23 = arith.index_cast %get3A : i32 to index
        %get3A_24 = arith.index_cast %mul3A_22 : i32 to index
        %get3A_25 = tpu.vector_load %arg4[%get3A_23, %get3A_24] {strides = array<i32>} : memref<2x2048xi32, #tpu.memory_space<vmem>>, vector<16xi32>,
        %iota3A = tpu.iota {dimensions = array<i32: 0>} : vector<16xi32>
        %mul3A_26 = arith.constant 16 : i32
        %mul3A_27 = arith.muli %scan3A_20, %mul3A_26 : i32
        %add3A_28 = vector.broadcast %mul3A_27 : i32 to vector<16xi32>
        %add3A_29 = arith.addi %iota3A, %add3A_28 : vector<16xi32>
        %lt3A = arith.constant 5120 : i32
        %lt3A_30 = vector.broadcast %lt3A : i32 to vector<16xi32>
        %lt3A_31 = arith.cmpi slt, %get3A_25, %lt3A_30 : vector<16xi32>
        tpu.vector_store_idx %arg5[%get3A_25], %add3A_29 masked %lt3A_31 : memref<5120xi32, #tpu.memory_space<vmem>>[vector<16xi32>], vector<16xi32>, vector<16xi1>
      }
      %scan3A_19 = arith.constant 128 : i32
      "tpu.region"() ({
        %run_scoped3A = tpu.sem_alloc : memref<!tpu.dma_semaphore, #tpu.memory_space<semaphore_mem>>
        tpu.enqueue_dma source(%arg5 : memref<5120xi32, #tpu.memory_space<vmem>>) target(%arg3 : memref<5120xi32, #tpu.memory_space<hbm>>) target_semaphore(%run_scoped3A : memref<!tpu.dma_semaphore, #tpu.memory_space<semaphore_mem>>)
        tpu.wait_dma2 semaphore(%run_scoped3A : memref<!tpu.dma_semaphore, #tpu.memory_space<semaphore_mem>>) src(%arg5 : memref<5120xi32, #tpu.memory_space<vmem>>) dst(%arg3 : memref<5120xi32, #tpu.memory_space<hbm>>)
        tpu.yield
      }) : () -> ()
    } else {
    }
    return
  }
}

#map = affine_map<(d0, d1) -> (0, 0)>
#map1 = affine_map<(d0, d1) -> (0)>
module attributes {stable_mosaic.version = 14 : i64} {
  func.func @k(%arg0: i32, %arg1: i32, %arg2: memref<2048x2048xf32, #tpu.memory_space<hbm>>, %arg3: memref<5120xi32, #tpu.memory_space<hbm>>, %arg4: memref<5120x2048xf32, #tpu.memory_space<hbm>>, %arg5: memref<10x16xi32, #tpu.memory_space<vmem>>, %arg6: memref<16x2048xf32, #tpu.memory_space<vmem>>, %arg7: memref<16x2048xf32, #tpu.memory_space<vmem>>, %arg8: memref<!tpu.dma_semaphore, #tpu.memory_space<semaphore_mem>>, %arg9: memref<!tpu.dma_semaphore, #tpu.memory_space<semaphore_mem>>) attributes {dimension_semantics = [#tpu.dimension_semantics<core_parallel>, #tpu.dimension_semantics<subcore_parallel>], iteration_bounds = array<i64: 2, 16>, scalar_prefetch = 0 : i64, scratch_operands = 5 : i64, tpu.core_type = #tpu.core_type<sc_vector_subcore>, window_params = [{transform_indices = #map}, {transform_indices = #map1}, {transform_indices = #map}]} {
    %mul3A = arith.constant 2 : i32
    %mul3A_0 = arith.muli %arg1, %mul3A : i32
    %add3A = arith.addi %mul3A_0, %arg0 : i32
    %mul3A_1 = arith.constant 160 : i32
    %mul3A_2 = arith.muli %add3A, %mul3A_1 : i32
    %add3A_3 = arith.constant 0 : i32
    %add3A_4 = arith.addi %mul3A_2, %add3A_3 : i32
    %run_scoped3A = arith.constant 0 : i32
    "tpu.region"() ({
      %run_scoped3A_190 = tpu.sem_alloc : memref<!tpu.dma_semaphore, #tpu.memory_space<semaphore_mem>>
      %dma_start3A_191 = arith.constant 0 : i32
      %dma_start3A_192 = tpu.memref_slice %arg5[%run_scoped3A, %dma_start3A_191] : memref<10x16xi32, #tpu.memory_space<vmem>> -> memref<1x16xi32, #tpu.memory_space<vmem>>
      %dma_start3A_193 = tpu.memref_squeeze %dma_start3A_192 : memref<1x16xi32, #tpu.memory_space<vmem>> -> memref<16xi32, #tpu.memory_space<vmem>>
      %dma_start3A_194 = tpu.memref_slice %arg3[%add3A_4] : memref<5120xi32, #tpu.memory_space<hbm>> -> memref<16xi32, #tpu.memory_space<hbm>>
      %dma_start3A_195 = arith.constant 0 : i32
      %dma_start3A_196 = tpu.memref_slice %arg5[%run_scoped3A, %dma_start3A_195] : memref<10x16xi32, #tpu.memory_space<vmem>> -> memref<1x16xi32, #tpu.memory_space<vmem>>
      %dma_start3A_197 = tpu.memref_squeeze %dma_start3A_196 : memref<1x16xi32, #tpu.memory_space<vmem>> -> memref<16xi32, #tpu.memory_space<vmem>>
      %dma_start3A_198 = tpu.memref_slice %arg3[%add3A_4] : memref<5120xi32, #tpu.memory_space<hbm>> -> memref<16xi32, #tpu.memory_space<hbm>>
      tpu.enqueue_dma source(%dma_start3A_198 : memref<16xi32, #tpu.memory_space<hbm>>) target(%dma_start3A_197 : memref<16xi32, #tpu.memory_space<vmem>>) target_semaphore(%run_scoped3A_190 : memref<!tpu.dma_semaphore, #tpu.memory_space<semaphore_mem>>)
      %dma_wait3A_199 = arith.constant 0 : i32
      %dma_wait3A_200 = tpu.memref_slice %arg5[%run_scoped3A, %dma_wait3A_199] : memref<10x16xi32, #tpu.memory_space<vmem>> -> memref<1x16xi32, #tpu.memory_space<vmem>>
      %dma_wait3A_201 = tpu.memref_squeeze %dma_wait3A_200 : memref<1x16xi32, #tpu.memory_space<vmem>> -> memref<16xi32, #tpu.memory_space<vmem>>
      %dma_wait3A_202 = tpu.memref_slice %arg3[%add3A_4] : memref<5120xi32, #tpu.memory_space<hbm>> -> memref<16xi32, #tpu.memory_space<hbm>>
      %dma_wait3A_203 = arith.constant 0 : i32
      %dma_wait3A_204 = tpu.memref_slice %arg5[%run_scoped3A, %dma_wait3A_203] : memref<10x16xi32, #tpu.memory_space<vmem>> -> memref<1x16xi32, #tpu.memory_space<vmem>>
      %dma_wait3A_205 = tpu.memref_squeeze %dma_wait3A_204 : memref<1x16xi32, #tpu.memory_space<vmem>> -> memref<16xi32, #tpu.memory_space<vmem>>
      %dma_wait3A_206 = tpu.memref_slice %arg3[%add3A_4] : memref<5120xi32, #tpu.memory_space<hbm>> -> memref<16xi32, #tpu.memory_space<hbm>>
      tpu.wait_dma2 semaphore(%run_scoped3A_190 : memref<!tpu.dma_semaphore, #tpu.memory_space<semaphore_mem>>) src(%dma_wait3A_206 : memref<16xi32, #tpu.memory_space<hbm>>) dst(%dma_wait3A_205 : memref<16xi32, #tpu.memory_space<vmem>>)
      tpu.yield
    }) : () -> ()
    %add3A_5 = arith.constant 16 : i32
    %add3A_6 = arith.addi %mul3A_2, %add3A_5 : i32
    %run_scoped3A_7 = arith.constant 1 : i32
    "tpu.region"() ({
      %run_scoped3A_190 = tpu.sem_alloc : memref<!tpu.dma_semaphore, #tpu.memory_space<semaphore_mem>>
      %dma_start3A_191 = arith.constant 0 : i32
      %dma_start3A_192 = tpu.memref_slice %arg5[%run_scoped3A_7, %dma_start3A_191] : memref<10x16xi32, #tpu.memory_space<vmem>> -> memref<1x16xi32, #tpu.memory_space<vmem>>
      %dma_start3A_193 = tpu.memref_squeeze %dma_start3A_192 : memref<1x16xi32, #tpu.memory_space<vmem>> -> memref<16xi32, #tpu.memory_space<vmem>>
      %dma_start3A_194 = tpu.memref_slice %arg3[%add3A_6] : memref<5120xi32, #tpu.memory_space<hbm>> -> memref<16xi32, #tpu.memory_space<hbm>>
      %dma_start3A_195 = arith.constant 0 : i32
      %dma_start3A_196 = tpu.memref_slice %arg5[%run_scoped3A_7, %dma_start3A_195] : memref<10x16xi32, #tpu.memory_space<vmem>> -> memref<1x16xi32, #tpu.memory_space<vmem>>
      %dma_start3A_197 = tpu.memref_squeeze %dma_start3A_196 : memref<1x16xi32, #tpu.memory_space<vmem>> -> memref<16xi32, #tpu.memory_space<vmem>>
      %dma_start3A_198 = tpu.memref_slice %arg3[%add3A_6] : memref<5120xi32, #tpu.memory_space<hbm>> -> memref<16xi32, #tpu.memory_space<hbm>>
      tpu.enqueue_dma source(%dma_start3A_198 : memref<16xi32, #tpu.memory_space<hbm>>) target(%dma_start3A_197 : memref<16xi32, #tpu.memory_space<vmem>>) target_semaphore(%run_scoped3A_190 : memref<!tpu.dma_semaphore, #tpu.memory_space<semaphore_mem>>)
      %dma_wait3A_199 = arith.constant 0 : i32
      %dma_wait3A_200 = tpu.memref_slice %arg5[%run_scoped3A_7, %dma_wait3A_199] : memref<10x16xi32, #tpu.memory_space<vmem>> -> memref<1x16xi32, #tpu.memory_space<vmem>>
      %dma_wait3A_201 = tpu.memref_squeeze %dma_wait3A_200 : memref<1x16xi32, #tpu.memory_space<vmem>> -> memref<16xi32, #tpu.memory_space<vmem>>
      %dma_wait3A_202 = tpu.memref_slice %arg3[%add3A_6] : memref<5120xi32, #tpu.memory_space<hbm>> -> memref<16xi32, #tpu.memory_space<hbm>>
      %dma_wait3A_203 = arith.constant 0 : i32
      %dma_wait3A_204 = tpu.memref_slice %arg5[%run_scoped3A_7, %dma_wait3A_203] : memref<10x16xi32, #tpu.memory_space<vmem>> -> memref<1x16xi32, #tpu.memory_space<vmem>>
      %dma_wait3A_205 = tpu.memref_squeeze %dma_wait3A_204 : memref<1x16xi32, #tpu.memory_space<vmem>> -> memref<16xi32, #tpu.memory_space<vmem>>
      %dma_wait3A_206 = tpu.memref_slice %arg3[%add3A_6] : memref<5120xi32, #tpu.memory_space<hbm>> -> memref<16xi32, #tpu.memory_space<hbm>>
      tpu.wait_dma2 semaphore(%run_scoped3A_190 : memref<!tpu.dma_semaphore, #tpu.memory_space<semaphore_mem>>) src(%dma_wait3A_206 : memref<16xi32, #tpu.memory_space<hbm>>) dst(%dma_wait3A_205 : memref<16xi32, #tpu.memory_space<vmem>>)
      tpu.yield
    }) : () -> ()
    %add3A_8 = arith.constant 32 : i32
    %add3A_9 = arith.addi %mul3A_2, %add3A_8 : i32
    %run_scoped3A_10 = arith.constant 2 : i32
    "tpu.region"() ({
      %run_scoped3A_190 = tpu.sem_alloc : memref<!tpu.dma_semaphore, #tpu.memory_space<semaphore_mem>>
      %dma_start3A_191 = arith.constant 0 : i32
      %dma_start3A_192 = tpu.memref_slice %arg5[%run_scoped3A_10, %dma_start3A_191] : memref<10x16xi32, #tpu.memory_space<vmem>> -> memref<1x16xi32, #tpu.memory_space<vmem>>
      %dma_start3A_193 = tpu.memref_squeeze %dma_start3A_192 : memref<1x16xi32, #tpu.memory_space<vmem>> -> memref<16xi32, #tpu.memory_space<vmem>>
      %dma_start3A_194 = tpu.memref_slice %arg3[%add3A_9] : memref<5120xi32, #tpu.memory_space<hbm>> -> memref<16xi32, #tpu.memory_space<hbm>>
      %dma_start3A_195 = arith.constant 0 : i32
      %dma_start3A_196 = tpu.memref_slice %arg5[%run_scoped3A_10, %dma_start3A_195] : memref<10x16xi32, #tpu.memory_space<vmem>> -> memref<1x16xi32, #tpu.memory_space<vmem>>
      %dma_start3A_197 = tpu.memref_squeeze %dma_start3A_196 : memref<1x16xi32, #tpu.memory_space<vmem>> -> memref<16xi32, #tpu.memory_space<vmem>>
      %dma_start3A_198 = tpu.memref_slice %arg3[%add3A_9] : memref<5120xi32, #tpu.memory_space<hbm>> -> memref<16xi32, #tpu.memory_space<hbm>>
      tpu.enqueue_dma source(%dma_start3A_198 : memref<16xi32, #tpu.memory_space<hbm>>) target(%dma_start3A_197 : memref<16xi32, #tpu.memory_space<vmem>>) target_semaphore(%run_scoped3A_190 : memref<!tpu.dma_semaphore, #tpu.memory_space<semaphore_mem>>)
      %dma_wait3A_199 = arith.constant 0 : i32
      %dma_wait3A_200 = tpu.memref_slice %arg5[%run_scoped3A_10, %dma_wait3A_199] : memref<10x16xi32, #tpu.memory_space<vmem>> -> memref<1x16xi32, #tpu.memory_space<vmem>>
      %dma_wait3A_201 = tpu.memref_squeeze %dma_wait3A_200 : memref<1x16xi32, #tpu.memory_space<vmem>> -> memref<16xi32, #tpu.memory_space<vmem>>
      %dma_wait3A_202 = tpu.memref_slice %arg3[%add3A_9] : memref<5120xi32, #tpu.memory_space<hbm>> -> memref<16xi32, #tpu.memory_space<hbm>>
      %dma_wait3A_203 = arith.constant 0 : i32
      %dma_wait3A_204 = tpu.memref_slice %arg5[%run_scoped3A_10, %dma_wait3A_203] : memref<10x16xi32, #tpu.memory_space<vmem>> -> memref<1x16xi32, #tpu.memory_space<vmem>>
      %dma_wait3A_205 = tpu.memref_squeeze %dma_wait3A_204 : memref<1x16xi32, #tpu.memory_space<vmem>> -> memref<16xi32, #tpu.memory_space<vmem>>
      %dma_wait3A_206 = tpu.memref_slice %arg3[%add3A_9] : memref<5120xi32, #tpu.memory_space<hbm>> -> memref<16xi32, #tpu.memory_space<hbm>>
      tpu.wait_dma2 semaphore(%run_scoped3A_190 : memref<!tpu.dma_semaphore, #tpu.memory_space<semaphore_mem>>) src(%dma_wait3A_206 : memref<16xi32, #tpu.memory_space<hbm>>) dst(%dma_wait3A_205 : memref<16xi32, #tpu.memory_space<vmem>>)
      tpu.yield
    }) : () -> ()
    %add3A_11 = arith.constant 48 : i32
    %add3A_12 = arith.addi %mul3A_2, %add3A_11 : i32
    %run_scoped3A_13 = arith.constant 3 : i32
    "tpu.region"() ({
      %run_scoped3A_190 = tpu.sem_alloc : memref<!tpu.dma_semaphore, #tpu.memory_space<semaphore_mem>>
      %dma_start3A_191 = arith.constant 0 : i32
      %dma_start3A_192 = tpu.memref_slice %arg5[%run_scoped3A_13, %dma_start3A_191] : memref<10x16xi32, #tpu.memory_space<vmem>> -> memref<1x16xi32, #tpu.memory_space<vmem>>
      %dma_start3A_193 = tpu.memref_squeeze %dma_start3A_192 : memref<1x16xi32, #tpu.memory_space<vmem>> -> memref<16xi32, #tpu.memory_space<vmem>>
      %dma_start3A_194 = tpu.memref_slice %arg3[%add3A_12] : memref<5120xi32, #tpu.memory_space<hbm>> -> memref<16xi32, #tpu.memory_space<hbm>>
      %dma_start3A_195 = arith.constant 0 : i32
      %dma_start3A_196 = tpu.memref_slice %arg5[%run_scoped3A_13, %dma_start3A_195] : memref<10x16xi32, #tpu.memory_space<vmem>> -> memref<1x16xi32, #tpu.memory_space<vmem>>
      %dma_start3A_197 = tpu.memref_squeeze %dma_start3A_196 : memref<1x16xi32, #tpu.memory_space<vmem>> -> memref<16xi32, #tpu.memory_space<vmem>>
      %dma_start3A_198 = tpu.memref_slice %arg3[%add3A_12] : memref<5120xi32, #tpu.memory_space<hbm>> -> memref<16xi32, #tpu.memory_space<hbm>>
      tpu.enqueue_dma source(%dma_start3A_198 : memref<16xi32, #tpu.memory_space<hbm>>) target(%dma_start3A_197 : memref<16xi32, #tpu.memory_space<vmem>>) target_semaphore(%run_scoped3A_190 : memref<!tpu.dma_semaphore, #tpu.memory_space<semaphore_mem>>)
      %dma_wait3A_199 = arith.constant 0 : i32
      %dma_wait3A_200 = tpu.memref_slice %arg5[%run_scoped3A_13, %dma_wait3A_199] : memref<10x16xi32, #tpu.memory_space<vmem>> -> memref<1x16xi32, #tpu.memory_space<vmem>>
      %dma_wait3A_201 = tpu.memref_squeeze %dma_wait3A_200 : memref<1x16xi32, #tpu.memory_space<vmem>> -> memref<16xi32, #tpu.memory_space<vmem>>
      %dma_wait3A_202 = tpu.memref_slice %arg3[%add3A_12] : memref<5120xi32, #tpu.memory_space<hbm>> -> memref<16xi32, #tpu.memory_space<hbm>>
      %dma_wait3A_203 = arith.constant 0 : i32
      %dma_wait3A_204 = tpu.memref_slice %arg5[%run_scoped3A_13, %dma_wait3A_203] : memref<10x16xi32, #tpu.memory_space<vmem>> -> memref<1x16xi32, #tpu.memory_space<vmem>>
      %dma_wait3A_205 = tpu.memref_squeeze %dma_wait3A_204 : memref<1x16xi32, #tpu.memory_space<vmem>> -> memref<16xi32, #tpu.memory_space<vmem>>
      %dma_wait3A_206 = tpu.memref_slice %arg3[%add3A_12] : memref<5120xi32, #tpu.memory_space<hbm>> -> memref<16xi32, #tpu.memory_space<hbm>>
      tpu.wait_dma2 semaphore(%run_scoped3A_190 : memref<!tpu.dma_semaphore, #tpu.memory_space<semaphore_mem>>) src(%dma_wait3A_206 : memref<16xi32, #tpu.memory_space<hbm>>) dst(%dma_wait3A_205 : memref<16xi32, #tpu.memory_space<vmem>>)
      tpu.yield
    }) : () -> ()
    %add3A_14 = arith.constant 64 : i32
    %add3A_15 = arith.addi %mul3A_2, %add3A_14 : i32
    %run_scoped3A_16 = arith.constant 4 : i32
    "tpu.region"() ({
      %run_scoped3A_190 = tpu.sem_alloc : memref<!tpu.dma_semaphore, #tpu.memory_space<semaphore_mem>>
      %dma_start3A_191 = arith.constant 0 : i32
      %dma_start3A_192 = tpu.memref_slice %arg5[%run_scoped3A_16, %dma_start3A_191] : memref<10x16xi32, #tpu.memory_space<vmem>> -> memref<1x16xi32, #tpu.memory_space<vmem>>
      %dma_start3A_193 = tpu.memref_squeeze %dma_start3A_192 : memref<1x16xi32, #tpu.memory_space<vmem>> -> memref<16xi32, #tpu.memory_space<vmem>>
      %dma_start3A_194 = tpu.memref_slice %arg3[%add3A_15] : memref<5120xi32, #tpu.memory_space<hbm>> -> memref<16xi32, #tpu.memory_space<hbm>>
      %dma_start3A_195 = arith.constant 0 : i32
      %dma_start3A_196 = tpu.memref_slice %arg5[%run_scoped3A_16, %dma_start3A_195] : memref<10x16xi32, #tpu.memory_space<vmem>> -> memref<1x16xi32, #tpu.memory_space<vmem>>
      %dma_start3A_197 = tpu.memref_squeeze %dma_start3A_196 : memref<1x16xi32, #tpu.memory_space<vmem>> -> memref<16xi32, #tpu.memory_space<vmem>>
      %dma_start3A_198 = tpu.memref_slice %arg3[%add3A_15] : memref<5120xi32, #tpu.memory_space<hbm>> -> memref<16xi32, #tpu.memory_space<hbm>>
      tpu.enqueue_dma source(%dma_start3A_198 : memref<16xi32, #tpu.memory_space<hbm>>) target(%dma_start3A_197 : memref<16xi32, #tpu.memory_space<vmem>>) target_semaphore(%run_scoped3A_190 : memref<!tpu.dma_semaphore, #tpu.memory_space<semaphore_mem>>)
      %dma_wait3A_199 = arith.constant 0 : i32
      %dma_wait3A_200 = tpu.memref_slice %arg5[%run_scoped3A_16, %dma_wait3A_199] : memref<10x16xi32, #tpu.memory_space<vmem>> -> memref<1x16xi32, #tpu.memory_space<vmem>>
      %dma_wait3A_201 = tpu.memref_squeeze %dma_wait3A_200 : memref<1x16xi32, #tpu.memory_space<vmem>> -> memref<16xi32, #tpu.memory_space<vmem>>
      %dma_wait3A_202 = tpu.memref_slice %arg3[%add3A_15] : memref<5120xi32, #tpu.memory_space<hbm>> -> memref<16xi32, #tpu.memory_space<hbm>>
      %dma_wait3A_203 = arith.constant 0 : i32
      %dma_wait3A_204 = tpu.memref_slice %arg5[%run_scoped3A_16, %dma_wait3A_203] : memref<10x16xi32, #tpu.memory_space<vmem>> -> memref<1x16xi32, #tpu.memory_space<vmem>>
      %dma_wait3A_205 = tpu.memref_squeeze %dma_wait3A_204 : memref<1x16xi32, #tpu.memory_space<vmem>> -> memref<16xi32, #tpu.memory_space<vmem>>
      %dma_wait3A_206 = tpu.memref_slice %arg3[%add3A_15] : memref<5120xi32, #tpu.memory_space<hbm>> -> memref<16xi32, #tpu.memory_space<hbm>>
      tpu.wait_dma2 semaphore(%run_scoped3A_190 : memref<!tpu.dma_semaphore, #tpu.memory_space<semaphore_mem>>) src(%dma_wait3A_206 : memref<16xi32, #tpu.memory_space<hbm>>) dst(%dma_wait3A_205 : memref<16xi32, #tpu.memory_space<vmem>>)
      tpu.yield
    }) : () -> ()
    %add3A_17 = arith.constant 80 : i32
    %add3A_18 = arith.addi %mul3A_2, %add3A_17 : i32
    %run_scoped3A_19 = arith.constant 5 : i32
    "tpu.region"() ({
      %run_scoped3A_190 = tpu.sem_alloc : memref<!tpu.dma_semaphore, #tpu.memory_space<semaphore_mem>>
      %dma_start3A_191 = arith.constant 0 : i32
      %dma_start3A_192 = tpu.memref_slice %arg5[%run_scoped3A_19, %dma_start3A_191] : memref<10x16xi32, #tpu.memory_space<vmem>> -> memref<1x16xi32, #tpu.memory_space<vmem>>
      %dma_start3A_193 = tpu.memref_squeeze %dma_start3A_192 : memref<1x16xi32, #tpu.memory_space<vmem>> -> memref<16xi32, #tpu.memory_space<vmem>>
      %dma_start3A_194 = tpu.memref_slice %arg3[%add3A_18] : memref<5120xi32, #tpu.memory_space<hbm>> -> memref<16xi32, #tpu.memory_space<hbm>>
      %dma_start3A_195 = arith.constant 0 : i32
      %dma_start3A_196 = tpu.memref_slice %arg5[%run_scoped3A_19, %dma_start3A_195] : memref<10x16xi32, #tpu.memory_space<vmem>> -> memref<1x16xi32, #tpu.memory_space<vmem>>
      %dma_start3A_197 = tpu.memref_squeeze %dma_start3A_196 : memref<1x16xi32, #tpu.memory_space<vmem>> -> memref<16xi32, #tpu.memory_space<vmem>>
      %dma_start3A_198 = tpu.memref_slice %arg3[%add3A_18] : memref<5120xi32, #tpu.memory_space<hbm>> -> memref<16xi32, #tpu.memory_space<hbm>>
      tpu.enqueue_dma source(%dma_start3A_198 : memref<16xi32, #tpu.memory_space<hbm>>) target(%dma_start3A_197 : memref<16xi32, #tpu.memory_space<vmem>>) target_semaphore(%run_scoped3A_190 : memref<!tpu.dma_semaphore, #tpu.memory_space<semaphore_mem>>)
      %dma_wait3A_199 = arith.constant 0 : i32
      %dma_wait3A_200 = tpu.memref_slice %arg5[%run_scoped3A_19, %dma_wait3A_199] : memref<10x16xi32, #tpu.memory_space<vmem>> -> memref<1x16xi32, #tpu.memory_space<vmem>>
      %dma_wait3A_201 = tpu.memref_squeeze %dma_wait3A_200 : memref<1x16xi32, #tpu.memory_space<vmem>> -> memref<16xi32, #tpu.memory_space<vmem>>
      %dma_wait3A_202 = tpu.memref_slice %arg3[%add3A_18] : memref<5120xi32, #tpu.memory_space<hbm>> -> memref<16xi32, #tpu.memory_space<hbm>>
      %dma_wait3A_203 = arith.constant 0 : i32
      %dma_wait3A_204 = tpu.memref_slice %arg5[%run_scoped3A_19, %dma_wait3A_203] : memref<10x16xi32, #tpu.memory_space<vmem>> -> memref<1x16xi32, #tpu.memory_space<vmem>>
      %dma_wait3A_205 = tpu.memref_squeeze %dma_wait3A_204 : memref<1x16xi32, #tpu.memory_space<vmem>> -> memref<16xi32, #tpu.memory_space<vmem>>
      %dma_wait3A_206 = tpu.memref_slice %arg3[%add3A_18] : memref<5120xi32, #tpu.memory_space<hbm>> -> memref<16xi32, #tpu.memory_space<hbm>>
      tpu.wait_dma2 semaphore(%run_scoped3A_190 : memref<!tpu.dma_semaphore, #tpu.memory_space<semaphore_mem>>) src(%dma_wait3A_206 : memref<16xi32, #tpu.memory_space<hbm>>) dst(%dma_wait3A_205 : memref<16xi32, #tpu.memory_space<vmem>>)
      tpu.yield
    }) : () -> ()
    %add3A_20 = arith.constant 96 : i32
    %add3A_21 = arith.addi %mul3A_2, %add3A_20 : i32
    %run_scoped3A_22 = arith.constant 6 : i32
    "tpu.region"() ({
      %run_scoped3A_190 = tpu.sem_alloc : memref<!tpu.dma_semaphore, #tpu.memory_space<semaphore_mem>>
      %dma_start3A_191 = arith.constant 0 : i32
      %dma_start3A_192 = tpu.memref_slice %arg5[%run_scoped3A_22, %dma_start3A_191] : memref<10x16xi32, #tpu.memory_space<vmem>> -> memref<1x16xi32, #tpu.memory_space<vmem>>
      %dma_start3A_193 = tpu.memref_squeeze %dma_start3A_192 : memref<1x16xi32, #tpu.memory_space<vmem>> -> memref<16xi32, #tpu.memory_space<vmem>>
      %dma_start3A_194 = tpu.memref_slice %arg3[%add3A_21] : memref<5120xi32, #tpu.memory_space<hbm>> -> memref<16xi32, #tpu.memory_space<hbm>>
      %dma_start3A_195 = arith.constant 0 : i32
      %dma_start3A_196 = tpu.memref_slice %arg5[%run_scoped3A_22, %dma_start3A_195] : memref<10x16xi32, #tpu.memory_space<vmem>> -> memref<1x16xi32, #tpu.memory_space<vmem>>
      %dma_start3A_197 = tpu.memref_squeeze %dma_start3A_196 : memref<1x16xi32, #tpu.memory_space<vmem>> -> memref<16xi32, #tpu.memory_space<vmem>>
      %dma_start3A_198 = tpu.memref_slice %arg3[%add3A_21] : memref<5120xi32, #tpu.memory_space<hbm>> -> memref<16xi32, #tpu.memory_space<hbm>>
      tpu.enqueue_dma source(%dma_start3A_198 : memref<16xi32, #tpu.memory_space<hbm>>) target(%dma_start3A_197 : memref<16xi32, #tpu.memory_space<vmem>>) target_semaphore(%run_scoped3A_190 : memref<!tpu.dma_semaphore, #tpu.memory_space<semaphore_mem>>)
      %dma_wait3A_199 = arith.constant 0 : i32
      %dma_wait3A_200 = tpu.memref_slice %arg5[%run_scoped3A_22, %dma_wait3A_199] : memref<10x16xi32, #tpu.memory_space<vmem>> -> memref<1x16xi32, #tpu.memory_space<vmem>>
      %dma_wait3A_201 = tpu.memref_squeeze %dma_wait3A_200 : memref<1x16xi32, #tpu.memory_space<vmem>> -> memref<16xi32, #tpu.memory_space<vmem>>
      %dma_wait3A_202 = tpu.memref_slice %arg3[%add3A_21] : memref<5120xi32, #tpu.memory_space<hbm>> -> memref<16xi32, #tpu.memory_space<hbm>>
      %dma_wait3A_203 = arith.constant 0 : i32
      %dma_wait3A_204 = tpu.memref_slice %arg5[%run_scoped3A_22, %dma_wait3A_203] : memref<10x16xi32, #tpu.memory_space<vmem>> -> memref<1x16xi32, #tpu.memory_space<vmem>>
      %dma_wait3A_205 = tpu.memref_squeeze %dma_wait3A_204 : memref<1x16xi32, #tpu.memory_space<vmem>> -> memref<16xi32, #tpu.memory_space<vmem>>
      %dma_wait3A_206 = tpu.memref_slice %arg3[%add3A_21] : memref<5120xi32, #tpu.memory_space<hbm>> -> memref<16xi32, #tpu.memory_space<hbm>>
      tpu.wait_dma2 semaphore(%run_scoped3A_190 : memref<!tpu.dma_semaphore, #tpu.memory_space<semaphore_mem>>) src(%dma_wait3A_206 : memref<16xi32, #tpu.memory_space<hbm>>) dst(%dma_wait3A_205 : memref<16xi32, #tpu.memory_space<vmem>>)
      tpu.yield
    }) : () -> ()
    %add3A_23 = arith.constant 112 : i32
    %add3A_24 = arith.addi %mul3A_2, %add3A_23 : i32
    %run_scoped3A_25 = arith.constant 7 : i32
    "tpu.region"() ({
      %run_scoped3A_190 = tpu.sem_alloc : memref<!tpu.dma_semaphore, #tpu.memory_space<semaphore_mem>>
      %dma_start3A_191 = arith.constant 0 : i32
      %dma_start3A_192 = tpu.memref_slice %arg5[%run_scoped3A_25, %dma_start3A_191] : memref<10x16xi32, #tpu.memory_space<vmem>> -> memref<1x16xi32, #tpu.memory_space<vmem>>
      %dma_start3A_193 = tpu.memref_squeeze %dma_start3A_192 : memref<1x16xi32, #tpu.memory_space<vmem>> -> memref<16xi32, #tpu.memory_space<vmem>>
      %dma_start3A_194 = tpu.memref_slice %arg3[%add3A_24] : memref<5120xi32, #tpu.memory_space<hbm>> -> memref<16xi32, #tpu.memory_space<hbm>>
      %dma_start3A_195 = arith.constant 0 : i32
      %dma_start3A_196 = tpu.memref_slice %arg5[%run_scoped3A_25, %dma_start3A_195] : memref<10x16xi32, #tpu.memory_space<vmem>> -> memref<1x16xi32, #tpu.memory_space<vmem>>
      %dma_start3A_197 = tpu.memref_squeeze %dma_start3A_196 : memref<1x16xi32, #tpu.memory_space<vmem>> -> memref<16xi32, #tpu.memory_space<vmem>>
      %dma_start3A_198 = tpu.memref_slice %arg3[%add3A_24] : memref<5120xi32, #tpu.memory_space<hbm>> -> memref<16xi32, #tpu.memory_space<hbm>>
      tpu.enqueue_dma source(%dma_start3A_198 : memref<16xi32, #tpu.memory_space<hbm>>) target(%dma_start3A_197 : memref<16xi32, #tpu.memory_space<vmem>>) target_semaphore(%run_scoped3A_190 : memref<!tpu.dma_semaphore, #tpu.memory_space<semaphore_mem>>)
      %dma_wait3A_199 = arith.constant 0 : i32
      %dma_wait3A_200 = tpu.memref_slice %arg5[%run_scoped3A_25, %dma_wait3A_199] : memref<10x16xi32, #tpu.memory_space<vmem>> -> memref<1x16xi32, #tpu.memory_space<vmem>>
      %dma_wait3A_201 = tpu.memref_squeeze %dma_wait3A_200 : memref<1x16xi32, #tpu.memory_space<vmem>> -> memref<16xi32, #tpu.memory_space<vmem>>
      %dma_wait3A_202 = tpu.memref_slice %arg3[%add3A_24] : memref<5120xi32, #tpu.memory_space<hbm>> -> memref<16xi32, #tpu.memory_space<hbm>>
      %dma_wait3A_203 = arith.constant 0 : i32
      %dma_wait3A_204 = tpu.memref_slice %arg5[%run_scoped3A_25, %dma_wait3A_203] : memref<10x16xi32, #tpu.memory_space<vmem>> -> memref<1x16xi32, #tpu.memory_space<vmem>>
      %dma_wait3A_205 = tpu.memref_squeeze %dma_wait3A_204 : memref<1x16xi32, #tpu.memory_space<vmem>> -> memref<16xi32, #tpu.memory_space<vmem>>
      %dma_wait3A_206 = tpu.memref_slice %arg3[%add3A_24] : memref<5120xi32, #tpu.memory_space<hbm>> -> memref<16xi32, #tpu.memory_space<hbm>>
      tpu.wait_dma2 semaphore(%run_scoped3A_190 : memref<!tpu.dma_semaphore, #tpu.memory_space<semaphore_mem>>) src(%dma_wait3A_206 : memref<16xi32, #tpu.memory_space<hbm>>) dst(%dma_wait3A_205 : memref<16xi32, #tpu.memory_space<vmem>>)
      tpu.yield
    }) : () -> ()
    %add3A_26 = arith.constant 128 : i32
    %add3A_27 = arith.addi %mul3A_2, %add3A_26 : i32
    %run_scoped3A_28 = arith.constant 8 : i32
    "tpu.region"() ({
      %run_scoped3A_190 = tpu.sem_alloc : memref<!tpu.dma_semaphore, #tpu.memory_space<semaphore_mem>>
      %dma_start3A_191 = arith.constant 0 : i32
      %dma_start3A_192 = tpu.memref_slice %arg5[%run_scoped3A_28, %dma_start3A_191] : memref<10x16xi32, #tpu.memory_space<vmem>> -> memref<1x16xi32, #tpu.memory_space<vmem>>
      %dma_start3A_193 = tpu.memref_squeeze %dma_start3A_192 : memref<1x16xi32, #tpu.memory_space<vmem>> -> memref<16xi32, #tpu.memory_space<vmem>>
      %dma_start3A_194 = tpu.memref_slice %arg3[%add3A_27] : memref<5120xi32, #tpu.memory_space<hbm>> -> memref<16xi32, #tpu.memory_space<hbm>>
      %dma_start3A_195 = arith.constant 0 : i32
      %dma_start3A_196 = tpu.memref_slice %arg5[%run_scoped3A_28, %dma_start3A_195] : memref<10x16xi32, #tpu.memory_space<vmem>> -> memref<1x16xi32, #tpu.memory_space<vmem>>
      %dma_start3A_197 = tpu.memref_squeeze %dma_start3A_196 : memref<1x16xi32, #tpu.memory_space<vmem>> -> memref<16xi32, #tpu.memory_space<vmem>>
      %dma_start3A_198 = tpu.memref_slice %arg3[%add3A_27] : memref<5120xi32, #tpu.memory_space<hbm>> -> memref<16xi32, #tpu.memory_space<hbm>>
      tpu.enqueue_dma source(%dma_start3A_198 : memref<16xi32, #tpu.memory_space<hbm>>) target(%dma_start3A_197 : memref<16xi32, #tpu.memory_space<vmem>>) target_semaphore(%run_scoped3A_190 : memref<!tpu.dma_semaphore, #tpu.memory_space<semaphore_mem>>)
      %dma_wait3A_199 = arith.constant 0 : i32
      %dma_wait3A_200 = tpu.memref_slice %arg5[%run_scoped3A_28, %dma_wait3A_199] : memref<10x16xi32, #tpu.memory_space<vmem>> -> memref<1x16xi32, #tpu.memory_space<vmem>>
      %dma_wait3A_201 = tpu.memref_squeeze %dma_wait3A_200 : memref<1x16xi32, #tpu.memory_space<vmem>> -> memref<16xi32, #tpu.memory_space<vmem>>
      %dma_wait3A_202 = tpu.memref_slice %arg3[%add3A_27] : memref<5120xi32, #tpu.memory_space<hbm>> -> memref<16xi32, #tpu.memory_space<hbm>>
      %dma_wait3A_203 = arith.constant 0 : i32
      %dma_wait3A_204 = tpu.memref_slice %arg5[%run_scoped3A_28, %dma_wait3A_203] : memref<10x16xi32, #tpu.memory_space<vmem>> -> memref<1x16xi32, #tpu.memory_space<vmem>>
      %dma_wait3A_205 = tpu.memref_squeeze %dma_wait3A_204 : memref<1x16xi32, #tpu.memory_space<vmem>> -> memref<16xi32, #tpu.memory_space<vmem>>
      %dma_wait3A_206 = tpu.memref_slice %arg3[%add3A_27] : memref<5120xi32, #tpu.memory_space<hbm>> -> memref<16xi32, #tpu.memory_space<hbm>>
      tpu.wait_dma2 semaphore(%run_scoped3A_190 : memref<!tpu.dma_semaphore, #tpu.memory_space<semaphore_mem>>) src(%dma_wait3A_206 : memref<16xi32, #tpu.memory_space<hbm>>) dst(%dma_wait3A_205 : memref<16xi32, #tpu.memory_space<vmem>>)
      tpu.yield
    }) : () -> ()
    %add3A_29 = arith.constant 144 : i32
    %add3A_30 = arith.addi %mul3A_2, %add3A_29 : i32
    %run_scoped3A_31 = arith.constant 9 : i32
    "tpu.region"() ({
      %run_scoped3A_190 = tpu.sem_alloc : memref<!tpu.dma_semaphore, #tpu.memory_space<semaphore_mem>>
      %dma_start3A_191 = arith.constant 0 : i32
      %dma_start3A_192 = tpu.memref_slice %arg5[%run_scoped3A_31, %dma_start3A_191] : memref<10x16xi32, #tpu.memory_space<vmem>> -> memref<1x16xi32, #tpu.memory_space<vmem>>
      %dma_start3A_193 = tpu.memref_squeeze %dma_start3A_192 : memref<1x16xi32, #tpu.memory_space<vmem>> -> memref<16xi32, #tpu.memory_space<vmem>>
      %dma_start3A_194 = tpu.memref_slice %arg3[%add3A_30] : memref<5120xi32, #tpu.memory_space<hbm>> -> memref<16xi32, #tpu.memory_space<hbm>>
      %dma_start3A_195 = arith.constant 0 : i32
      %dma_start3A_196 = tpu.memref_slice %arg5[%run_scoped3A_31, %dma_start3A_195] : memref<10x16xi32, #tpu.memory_space<vmem>> -> memref<1x16xi32, #tpu.memory_space<vmem>>
      %dma_start3A_197 = tpu.memref_squeeze %dma_start3A_196 : memref<1x16xi32, #tpu.memory_space<vmem>> -> memref<16xi32, #tpu.memory_space<vmem>>
      %dma_start3A_198 = tpu.memref_slice %arg3[%add3A_30] : memref<5120xi32, #tpu.memory_space<hbm>> -> memref<16xi32, #tpu.memory_space<hbm>>
      tpu.enqueue_dma source(%dma_start3A_198 : memref<16xi32, #tpu.memory_space<hbm>>) target(%dma_start3A_197 : memref<16xi32, #tpu.memory_space<vmem>>) target_semaphore(%run_scoped3A_190 : memref<!tpu.dma_semaphore, #tpu.memory_space<semaphore_mem>>)
      %dma_wait3A_199 = arith.constant 0 : i32
      %dma_wait3A_200 = tpu.memref_slice %arg5[%run_scoped3A_31, %dma_wait3A_199] : memref<10x16xi32, #tpu.memory_space<vmem>> -> memref<1x16xi32, #tpu.memory_space<vmem>>
      %dma_wait3A_201 = tpu.memref_squeeze %dma_wait3A_200 : memref<1x16xi32, #tpu.memory_space<vmem>> -> memref<16xi32, #tpu.memory_space<vmem>>
      %dma_wait3A_202 = tpu.memref_slice %arg3[%add3A_30] : memref<5120xi32, #tpu.memory_space<hbm>> -> memref<16xi32, #tpu.memory_space<hbm>>
      %dma_wait3A_203 = arith.constant 0 : i32
      %dma_wait3A_204 = tpu.memref_slice %arg5[%run_scoped3A_31, %dma_wait3A_203] : memref<10x16xi32, #tpu.memory_space<vmem>> -> memref<1x16xi32, #tpu.memory_space<vmem>>
      %dma_wait3A_205 = tpu.memref_squeeze %dma_wait3A_204 : memref<1x16xi32, #tpu.memory_space<vmem>> -> memref<16xi32, #tpu.memory_space<vmem>>
      %dma_wait3A_206 = tpu.memref_slice %arg3[%add3A_30] : memref<5120xi32, #tpu.memory_space<hbm>> -> memref<16xi32, #tpu.memory_space<hbm>>
      tpu.wait_dma2 semaphore(%run_scoped3A_190 : memref<!tpu.dma_semaphore, #tpu.memory_space<semaphore_mem>>) src(%dma_wait3A_206 : memref<16xi32, #tpu.memory_space<hbm>>) dst(%dma_wait3A_205 : memref<16xi32, #tpu.memory_space<vmem>>)
      tpu.yield
    }) : () -> ()
    %dma_start3A = arith.constant 0 : i32
    %dma_start3A_32 = arith.constant 0 : i32
    %dma_start3A_33 = tpu.memref_slice %arg5[%dma_start3A, %dma_start3A_32] : memref<10x16xi32, #tpu.memory_space<vmem>> -> memref<1x16xi32, #tpu.memory_space<vmem>>
    %dma_start3A_34 = tpu.memref_squeeze %dma_start3A_33 : memref<1x16xi32, #tpu.memory_space<vmem>> -> memref<16xi32, #tpu.memory_space<vmem>>
    %dma_start3A_35 = arith.constant 0 : i32
    %dma_start3A_36 = arith.constant 0 : i32
    %dma_start3A_37 = tpu.memref_slice %arg2[%dma_start3A_35, %dma_start3A_36] : memref<2048x2048xf32, #tpu.memory_space<hbm>> -> memref<2048x2048xf32, #tpu.memory_space<hbm>>
    tpu.enqueue_indirect_dma source(%dma_start3A_37 : memref<2048x2048xf32, #tpu.memory_space<hbm>>) target(%arg6 : memref<16x2048xf32, #tpu.memory_space<vmem>>) offsets(%dma_start3A_34 : memref<16xi32, #tpu.memory_space<vmem>>) semaphore(%arg8 : memref<!tpu.dma_semaphore, #tpu.memory_space<semaphore_mem>>)
    %dma_start3A_38 = arith.constant 1 : i32
    %dma_start3A_39 = arith.constant 0 : i32
    %dma_start3A_40 = tpu.memref_slice %arg5[%dma_start3A_38, %dma_start3A_39] : memref<10x16xi32, #tpu.memory_space<vmem>> -> memref<1x16xi32, #tpu.memory_space<vmem>>
    %dma_start3A_41 = tpu.memref_squeeze %dma_start3A_40 : memref<1x16xi32, #tpu.memory_space<vmem>> -> memref<16xi32, #tpu.memory_space<vmem>>
    %dma_start3A_42 = arith.constant 0 : i32
    %dma_start3A_43 = arith.constant 0 : i32
    %dma_start3A_44 = tpu.memref_slice %arg2[%dma_start3A_42, %dma_start3A_43] : memref<2048x2048xf32, #tpu.memory_space<hbm>> -> memref<2048x2048xf32, #tpu.memory_space<hbm>>
    tpu.enqueue_indirect_dma source(%dma_start3A_44 : memref<2048x2048xf32, #tpu.memory_space<hbm>>) target(%arg7 : memref<16x2048xf32, #tpu.memory_space<vmem>>) offsets(%dma_start3A_41 : memref<16xi32, #tpu.memory_space<vmem>>) semaphore(%arg9 : memref<!tpu.dma_semaphore, #tpu.memory_space<semaphore_mem>>)
    %dma_wait3A = arith.constant 0 : i32
    %dma_wait3A_45 = arith.constant 0 : i32
    %dma_wait3A_46 = tpu.memref_slice %arg5[%dma_wait3A, %dma_wait3A_45] : memref<10x16xi32, #tpu.memory_space<vmem>> -> memref<1x16xi32, #tpu.memory_space<vmem>>
    %dma_wait3A_47 = tpu.memref_squeeze %dma_wait3A_46 : memref<1x16xi32, #tpu.memory_space<vmem>> -> memref<16xi32, #tpu.memory_space<vmem>>
    %dma_wait3A_48 = arith.constant 0 : i32
    %dma_wait3A_49 = arith.constant 0 : i32
    %dma_wait3A_50 = tpu.memref_slice %arg2[%dma_wait3A_48, %dma_wait3A_49] : memref<2048x2048xf32, #tpu.memory_space<hbm>> -> memref<2048x2048xf32, #tpu.memory_space<hbm>>
    tpu.wait_indirect_dma semaphore(%arg8 : memref<!tpu.dma_semaphore, #tpu.memory_space<semaphore_mem>>) src(%dma_wait3A_50 : memref<2048x2048xf32, #tpu.memory_space<hbm>>) dst(%arg6 : memref<16x2048xf32, #tpu.memory_space<vmem>>)
    %add3A_51 = arith.constant 0 : i32
    %add3A_52 = arith.addi %mul3A_2, %add3A_51 : i32
    "tpu.region"() ({
      %run_scoped3A_190 = tpu.sem_alloc : memref<!tpu.dma_semaphore, #tpu.memory_space<semaphore_mem>>
      %dma_start3A_191 = arith.constant 0 : i32
      %dma_start3A_192 = tpu.memref_slice %arg4[%add3A_52, %dma_start3A_191] : memref<5120x2048xf32, #tpu.memory_space<hbm>> -> memref<16x2048xf32, #tpu.memory_space<hbm>>
      %dma_start3A_193 = arith.constant 0 : i32
      %dma_start3A_194 = tpu.memref_slice %arg4[%add3A_52, %dma_start3A_193] : memref<5120x2048xf32, #tpu.memory_space<hbm>> -> memref<16x2048xf32, #tpu.memory_space<hbm>>
      tpu.enqueue_dma source(%arg6 : memref<16x2048xf32, #tpu.memory_space<vmem>>) target(%dma_start3A_194 : memref<16x2048xf32, #tpu.memory_space<hbm>>) target_semaphore(%run_scoped3A_190 : memref<!tpu.dma_semaphore, #tpu.memory_space<semaphore_mem>>)
      %dma_wait3A_195 = arith.constant 0 : i32
      %dma_wait3A_196 = tpu.memref_slice %arg4[%add3A_52, %dma_wait3A_195] : memref<5120x2048xf32, #tpu.memory_space<hbm>> -> memref<16x2048xf32, #tpu.memory_space<hbm>>
      %dma_wait3A_197 = arith.constant 0 : i32
      %dma_wait3A_198 = tpu.memref_slice %arg4[%add3A_52, %dma_wait3A_197] : memref<5120x2048xf32, #tpu.memory_space<hbm>> -> memref<16x2048xf32, #tpu.memory_space<hbm>>
      tpu.wait_dma2 semaphore(%run_scoped3A_190 : memref<!tpu.dma_semaphore, #tpu.memory_space<semaphore_mem>>) src(%arg6 : memref<16x2048xf32, #tpu.memory_space<vmem>>) dst(%dma_wait3A_198 : memref<16x2048xf32, #tpu.memory_space<hbm>>)
      tpu.yield
    }) : () -> ()
    %dma_start3A_53 = arith.constant 2 : i32
    %dma_start3A_54 = arith.constant 0 : i32
    %dma_start3A_55 = tpu.memref_slice %arg5[%dma_start3A_53, %dma_start3A_54] : memref<10x16xi32, #tpu.memory_space<vmem>> -> memref<1x16xi32, #tpu.memory_space<vmem>>
    %dma_start3A_56 = tpu.memref_squeeze %dma_start3A_55 : memref<1x16xi32, #tpu.memory_space<vmem>> -> memref<16xi32, #tpu.memory_space<vmem>>
    %dma_start3A_57 = arith.constant 0 : i32
    %dma_start3A_58 = arith.constant 0 : i32
    %dma_start3A_59 = tpu.memref_slice %arg2[%dma_start3A_57, %dma_start3A_58] : memref<2048x2048xf32, #tpu.memory_space<hbm>> -> memref<2048x2048xf32, #tpu.memory_space<hbm>>
    tpu.enqueue_indirect_dma source(%dma_start3A_59 : memref<2048x2048xf32, #tpu.memory_space<hbm>>) target(%arg6 : memref<16x2048xf32, #tpu.memory_space<vmem>>) offsets(%dma_start3A_56 : memref<16xi32, #tpu.memory_space<vmem>>) semaphore(%arg8 : memref<!tpu.dma_semaphore, #tpu.memory_space<semaphore_mem>>)
    %dma_wait3A_60 = arith.constant 1 : i32
    %dma_wait3A_61 = arith.constant 0 : i32
    %dma_wait3A_62 = tpu.memref_slice %arg5[%dma_wait3A_60, %dma_wait3A_61] : memref<10x16xi32, #tpu.memory_space<vmem>> -> memref<1x16xi32, #tpu.memory_space<vmem>>
    %dma_wait3A_63 = tpu.memref_squeeze %dma_wait3A_62 : memref<1x16xi32, #tpu.memory_space<vmem>> -> memref<16xi32, #tpu.memory_space<vmem>>
    %dma_wait3A_64 = arith.constant 0 : i32
    %dma_wait3A_65 = arith.constant 0 : i32
    %dma_wait3A_66 = tpu.memref_slice %arg2[%dma_wait3A_64, %dma_wait3A_65] : memref<2048x2048xf32, #tpu.memory_space<hbm>> -> memref<2048x2048xf32, #tpu.memory_space<hbm>>
    tpu.wait_indirect_dma semaphore(%arg9 : memref<!tpu.dma_semaphore, #tpu.memory_space<semaphore_mem>>) src(%dma_wait3A_66 : memref<2048x2048xf32, #tpu.memory_space<hbm>>) dst(%arg7 : memref<16x2048xf32, #tpu.memory_space<vmem>>)
    %add3A_67 = arith.constant 16 : i32
    %add3A_68 = arith.addi %mul3A_2, %add3A_67 : i32
    "tpu.region"() ({
      %run_scoped3A_190 = tpu.sem_alloc : memref<!tpu.dma_semaphore, #tpu.memory_space<semaphore_mem>>
      %dma_start3A_191 = arith.constant 0 : i32
      %dma_start3A_192 = tpu.memref_slice %arg4[%add3A_68, %dma_start3A_191] : memref<5120x2048xf32, #tpu.memory_space<hbm>> -> memref<16x2048xf32, #tpu.memory_space<hbm>>
      %dma_start3A_193 = arith.constant 0 : i32
      %dma_start3A_194 = tpu.memref_slice %arg4[%add3A_68, %dma_start3A_193] : memref<5120x2048xf32, #tpu.memory_space<hbm>> -> memref<16x2048xf32, #tpu.memory_space<hbm>>
      tpu.enqueue_dma source(%arg7 : memref<16x2048xf32, #tpu.memory_space<vmem>>) target(%dma_start3A_194 : memref<16x2048xf32, #tpu.memory_space<hbm>>) target_semaphore(%run_scoped3A_190 : memref<!tpu.dma_semaphore, #tpu.memory_space<semaphore_mem>>)
      %dma_wait3A_195 = arith.constant 0 : i32
      %dma_wait3A_196 = tpu.memref_slice %arg4[%add3A_68, %dma_wait3A_195] : memref<5120x2048xf32, #tpu.memory_space<hbm>> -> memref<16x2048xf32, #tpu.memory_space<hbm>>
      %dma_wait3A_197 = arith.constant 0 : i32
      %dma_wait3A_198 = tpu.memref_slice %arg4[%add3A_68, %dma_wait3A_197] : memref<5120x2048xf32, #tpu.memory_space<hbm>> -> memref<16x2048xf32, #tpu.memory_space<hbm>>
      tpu.wait_dma2 semaphore(%run_scoped3A_190 : memref<!tpu.dma_semaphore, #tpu.memory_space<semaphore_mem>>) src(%arg7 : memref<16x2048xf32, #tpu.memory_space<vmem>>) dst(%dma_wait3A_198 : memref<16x2048xf32, #tpu.memory_space<hbm>>)
      tpu.yield
    }) : () -> ()
    %dma_start3A_69 = arith.constant 3 : i32
    %dma_start3A_70 = arith.constant 0 : i32
    %dma_start3A_71 = tpu.memref_slice %arg5[%dma_start3A_69, %dma_start3A_70] : memref<10x16xi32, #tpu.memory_space<vmem>> -> memref<1x16xi32, #tpu.memory_space<vmem>>
    %dma_start3A_72 = tpu.memref_squeeze %dma_start3A_71 : memref<1x16xi32, #tpu.memory_space<vmem>> -> memref<16xi32, #tpu.memory_space<vmem>>
    %dma_start3A_73 = arith.constant 0 : i32
    %dma_start3A_74 = arith.constant 0 : i32
    %dma_start3A_75 = tpu.memref_slice %arg2[%dma_start3A_73, %dma_start3A_74] : memref<2048x2048xf32, #tpu.memory_space<hbm>> -> memref<2048x2048xf32, #tpu.memory_space<hbm>>
    tpu.enqueue_indirect_dma source(%dma_start3A_75 : memref<2048x2048xf32, #tpu.memory_space<hbm>>) target(%arg7 : memref<16x2048xf32, #tpu.memory_space<vmem>>) offsets(%dma_start3A_72 : memref<16xi32, #tpu.memory_space<vmem>>) semaphore(%arg9 : memref<!tpu.dma_semaphore, #tpu.memory_space<semaphore_mem>>)
    %dma_wait3A_76 = arith.constant 2 : i32
    %dma_wait3A_77 = arith.constant 0 : i32
    %dma_wait3A_78 = tpu.memref_slice %arg5[%dma_wait3A_76, %dma_wait3A_77] : memref<10x16xi32, #tpu.memory_space<vmem>> -> memref<1x16xi32, #tpu.memory_space<vmem>>
    %dma_wait3A_79 = tpu.memref_squeeze %dma_wait3A_78 : memref<1x16xi32, #tpu.memory_space<vmem>> -> memref<16xi32, #tpu.memory_space<vmem>>
    %dma_wait3A_80 = arith.constant 0 : i32
    %dma_wait3A_81 = arith.constant 0 : i32
    %dma_wait3A_82 = tpu.memref_slice %arg2[%dma_wait3A_80, %dma_wait3A_81] : memref<2048x2048xf32, #tpu.memory_space<hbm>> -> memref<2048x2048xf32, #tpu.memory_space<hbm>>
    tpu.wait_indirect_dma semaphore(%arg8 : memref<!tpu.dma_semaphore, #tpu.memory_space<semaphore_mem>>) src(%dma_wait3A_82 : memref<2048x2048xf32, #tpu.memory_space<hbm>>) dst(%arg6 : memref<16x2048xf32, #tpu.memory_space<vmem>>)
    %add3A_83 = arith.constant 32 : i32
    %add3A_84 = arith.addi %mul3A_2, %add3A_83 : i32
    "tpu.region"() ({
      %run_scoped3A_190 = tpu.sem_alloc : memref<!tpu.dma_semaphore, #tpu.memory_space<semaphore_mem>>
      %dma_start3A_191 = arith.constant 0 : i32
      %dma_start3A_192 = tpu.memref_slice %arg4[%add3A_84, %dma_start3A_191] : memref<5120x2048xf32, #tpu.memory_space<hbm>> -> memref<16x2048xf32, #tpu.memory_space<hbm>>
      %dma_start3A_193 = arith.constant 0 : i32
      %dma_start3A_194 = tpu.memref_slice %arg4[%add3A_84, %dma_start3A_193] : memref<5120x2048xf32, #tpu.memory_space<hbm>> -> memref<16x2048xf32, #tpu.memory_space<hbm>>
      tpu.enqueue_dma source(%arg6 : memref<16x2048xf32, #tpu.memory_space<vmem>>) target(%dma_start3A_194 : memref<16x2048xf32, #tpu.memory_space<hbm>>) target_semaphore(%run_scoped3A_190 : memref<!tpu.dma_semaphore, #tpu.memory_space<semaphore_mem>>)
      %dma_wait3A_195 = arith.constant 0 : i32
      %dma_wait3A_196 = tpu.memref_slice %arg4[%add3A_84, %dma_wait3A_195] : memref<5120x2048xf32, #tpu.memory_space<hbm>> -> memref<16x2048xf32, #tpu.memory_space<hbm>>
      %dma_wait3A_197 = arith.constant 0 : i32
      %dma_wait3A_198 = tpu.memref_slice %arg4[%add3A_84, %dma_wait3A_197] : memref<5120x2048xf32, #tpu.memory_space<hbm>> -> memref<16x2048xf32, #tpu.memory_space<hbm>>
      tpu.wait_dma2 semaphore(%run_scoped3A_190 : memref<!tpu.dma_semaphore, #tpu.memory_space<semaphore_mem>>) src(%arg6 : memref<16x2048xf32, #tpu.memory_space<vmem>>) dst(%dma_wait3A_198 : memref<16x2048xf32, #tpu.memory_space<hbm>>)
      tpu.yield
    }) : () -> ()
    %dma_start3A_85 = arith.constant 4 : i32
    %dma_start3A_86 = arith.constant 0 : i32
    %dma_start3A_87 = tpu.memref_slice %arg5[%dma_start3A_85, %dma_start3A_86] : memref<10x16xi32, #tpu.memory_space<vmem>> -> memref<1x16xi32, #tpu.memory_space<vmem>>
    %dma_start3A_88 = tpu.memref_squeeze %dma_start3A_87 : memref<1x16xi32, #tpu.memory_space<vmem>> -> memref<16xi32, #tpu.memory_space<vmem>>
    %dma_start3A_89 = arith.constant 0 : i32
    %dma_start3A_90 = arith.constant 0 : i32
    %dma_start3A_91 = tpu.memref_slice %arg2[%dma_start3A_89, %dma_start3A_90] : memref<2048x2048xf32, #tpu.memory_space<hbm>> -> memref<2048x2048xf32, #tpu.memory_space<hbm>>
    tpu.enqueue_indirect_dma source(%dma_start3A_91 : memref<2048x2048xf32, #tpu.memory_space<hbm>>) target(%arg6 : memref<16x2048xf32, #tpu.memory_space<vmem>>) offsets(%dma_start3A_88 : memref<16xi32, #tpu.memory_space<vmem>>) semaphore(%arg8 : memref<!tpu.dma_semaphore, #tpu.memory_space<semaphore_mem>>)
    %dma_wait3A_92 = arith.constant 3 : i32
    %dma_wait3A_93 = arith.constant 0 : i32
    %dma_wait3A_94 = tpu.memref_slice %arg5[%dma_wait3A_92, %dma_wait3A_93] : memref<10x16xi32, #tpu.memory_space<vmem>> -> memref<1x16xi32, #tpu.memory_space<vmem>>
    %dma_wait3A_95 = tpu.memref_squeeze %dma_wait3A_94 : memref<1x16xi32, #tpu.memory_space<vmem>> -> memref<16xi32, #tpu.memory_space<vmem>>
    %dma_wait3A_96 = arith.constant 0 : i32
    %dma_wait3A_97 = arith.constant 0 : i32
    %dma_wait3A_98 = tpu.memref_slice %arg2[%dma_wait3A_96, %dma_wait3A_97] : memref<2048x2048xf32, #tpu.memory_space<hbm>> -> memref<2048x2048xf32, #tpu.memory_space<hbm>>
    tpu.wait_indirect_dma semaphore(%arg9 : memref<!tpu.dma_semaphore, #tpu.memory_space<semaphore_mem>>) src(%dma_wait3A_98 : memref<2048x2048xf32, #tpu.memory_space<hbm>>) dst(%arg7 : memref<16x2048xf32, #tpu.memory_space<vmem>>)
    %add3A_99 = arith.constant 48 : i32
    %add3A_100 = arith.addi %mul3A_2, %add3A_99 : i32
    "tpu.region"() ({
      %run_scoped3A_190 = tpu.sem_alloc : memref<!tpu.dma_semaphore, #tpu.memory_space<semaphore_mem>>
      %dma_start3A_191 = arith.constant 0 : i32
      %dma_start3A_192 = tpu.memref_slice %arg4[%add3A_100, %dma_start3A_191] : memref<5120x2048xf32, #tpu.memory_space<hbm>> -> memref<16x2048xf32, #tpu.memory_space<hbm>>
      %dma_start3A_193 = arith.constant 0 : i32
      %dma_start3A_194 = tpu.memref_slice %arg4[%add3A_100, %dma_start3A_193] : memref<5120x2048xf32, #tpu.memory_space<hbm>> -> memref<16x2048xf32, #tpu.memory_space<hbm>>
      tpu.enqueue_dma source(%arg7 : memref<16x2048xf32, #tpu.memory_space<vmem>>) target(%dma_start3A_194 : memref<16x2048xf32, #tpu.memory_space<hbm>>) target_semaphore(%run_scoped3A_190 : memref<!tpu.dma_semaphore, #tpu.memory_space<semaphore_mem>>)
      %dma_wait3A_195 = arith.constant 0 : i32
      %dma_wait3A_196 = tpu.memref_slice %arg4[%add3A_100, %dma_wait3A_195] : memref<5120x2048xf32, #tpu.memory_space<hbm>> -> memref<16x2048xf32, #tpu.memory_space<hbm>>
      %dma_wait3A_197 = arith.constant 0 : i32
      %dma_wait3A_198 = tpu.memref_slice %arg4[%add3A_100, %dma_wait3A_197] : memref<5120x2048xf32, #tpu.memory_space<hbm>> -> memref<16x2048xf32, #tpu.memory_space<hbm>>
      tpu.wait_dma2 semaphore(%run_scoped3A_190 : memref<!tpu.dma_semaphore, #tpu.memory_space<semaphore_mem>>) src(%arg7 : memref<16x2048xf32, #tpu.memory_space<vmem>>) dst(%dma_wait3A_198 : memref<16x2048xf32, #tpu.memory_space<hbm>>)
      tpu.yield
    }) : () -> ()
    %dma_start3A_101 = arith.constant 5 : i32
    %dma_start3A_102 = arith.constant 0 : i32
    %dma_start3A_103 = tpu.memref_slice %arg5[%dma_start3A_101, %dma_start3A_102] : memref<10x16xi32, #tpu.memory_space<vmem>> -> memref<1x16xi32, #tpu.memory_space<vmem>>
    %dma_start3A_104 = tpu.memref_squeeze %dma_start3A_103 : memref<1x16xi32, #tpu.memory_space<vmem>> -> memref<16xi32, #tpu.memory_space<vmem>>
    %dma_start3A_105 = arith.constant 0 : i32
    %dma_start3A_106 = arith.constant 0 : i32
    %dma_start3A_107 = tpu.memref_slice %arg2[%dma_start3A_105, %dma_start3A_106] : memref<2048x2048xf32, #tpu.memory_space<hbm>> -> memref<2048x2048xf32, #tpu.memory_space<hbm>>
    tpu.enqueue_indirect_dma source(%dma_start3A_107 : memref<2048x2048xf32, #tpu.memory_space<hbm>>) target(%arg7 : memref<16x2048xf32, #tpu.memory_space<vmem>>) offsets(%dma_start3A_104 : memref<16xi32, #tpu.memory_space<vmem>>) semaphore(%arg9 : memref<!tpu.dma_semaphore, #tpu.memory_space<semaphore_mem>>)
    %dma_wait3A_108 = arith.constant 4 : i32
    %dma_wait3A_109 = arith.constant 0 : i32
    %dma_wait3A_110 = tpu.memref_slice %arg5[%dma_wait3A_108, %dma_wait3A_109] : memref<10x16xi32, #tpu.memory_space<vmem>> -> memref<1x16xi32, #tpu.memory_space<vmem>>
    %dma_wait3A_111 = tpu.memref_squeeze %dma_wait3A_110 : memref<1x16xi32, #tpu.memory_space<vmem>> -> memref<16xi32, #tpu.memory_space<vmem>>
    %dma_wait3A_112 = arith.constant 0 : i32
    %dma_wait3A_113 = arith.constant 0 : i32
    %dma_wait3A_114 = tpu.memref_slice %arg2[%dma_wait3A_112, %dma_wait3A_113] : memref<2048x2048xf32, #tpu.memory_space<hbm>> -> memref<2048x2048xf32, #tpu.memory_space<hbm>>
    tpu.wait_indirect_dma semaphore(%arg8 : memref<!tpu.dma_semaphore, #tpu.memory_space<semaphore_mem>>) src(%dma_wait3A_114 : memref<2048x2048xf32, #tpu.memory_space<hbm>>) dst(%arg6 : memref<16x2048xf32, #tpu.memory_space<vmem>>)
    %add3A_115 = arith.constant 64 : i32
    %add3A_116 = arith.addi %mul3A_2, %add3A_115 : i32
    "tpu.region"() ({
      %run_scoped3A_190 = tpu.sem_alloc : memref<!tpu.dma_semaphore, #tpu.memory_space<semaphore_mem>>
      %dma_start3A_191 = arith.constant 0 : i32
      %dma_start3A_192 = tpu.memref_slice %arg4[%add3A_116, %dma_start3A_191] : memref<5120x2048xf32, #tpu.memory_space<hbm>> -> memref<16x2048xf32, #tpu.memory_space<hbm>>
      %dma_start3A_193 = arith.constant 0 : i32
      %dma_start3A_194 = tpu.memref_slice %arg4[%add3A_116, %dma_start3A_193] : memref<5120x2048xf32, #tpu.memory_space<hbm>> -> memref<16x2048xf32, #tpu.memory_space<hbm>>
      tpu.enqueue_dma source(%arg6 : memref<16x2048xf32, #tpu.memory_space<vmem>>) target(%dma_start3A_194 : memref<16x2048xf32, #tpu.memory_space<hbm>>) target_semaphore(%run_scoped3A_190 : memref<!tpu.dma_semaphore, #tpu.memory_space<semaphore_mem>>)
      %dma_wait3A_195 = arith.constant 0 : i32
      %dma_wait3A_196 = tpu.memref_slice %arg4[%add3A_116, %dma_wait3A_195] : memref<5120x2048xf32, #tpu.memory_space<hbm>> -> memref<16x2048xf32, #tpu.memory_space<hbm>>
      %dma_wait3A_197 = arith.constant 0 : i32
      %dma_wait3A_198 = tpu.memref_slice %arg4[%add3A_116, %dma_wait3A_197] : memref<5120x2048xf32, #tpu.memory_space<hbm>> -> memref<16x2048xf32, #tpu.memory_space<hbm>>
      tpu.wait_dma2 semaphore(%run_scoped3A_190 : memref<!tpu.dma_semaphore, #tpu.memory_space<semaphore_mem>>) src(%arg6 : memref<16x2048xf32, #tpu.memory_space<vmem>>) dst(%dma_wait3A_198 : memref<16x2048xf32, #tpu.memory_space<hbm>>)
      tpu.yield
    }) : () -> ()
    %dma_start3A_117 = arith.constant 6 : i32
    %dma_start3A_118 = arith.constant 0 : i32
    %dma_start3A_119 = tpu.memref_slice %arg5[%dma_start3A_117, %dma_start3A_118] : memref<10x16xi32, #tpu.memory_space<vmem>> -> memref<1x16xi32, #tpu.memory_space<vmem>>
    %dma_start3A_120 = tpu.memref_squeeze %dma_start3A_119 : memref<1x16xi32, #tpu.memory_space<vmem>> -> memref<16xi32, #tpu.memory_space<vmem>>
    %dma_start3A_121 = arith.constant 0 : i32
    %dma_start3A_122 = arith.constant 0 : i32
    %dma_start3A_123 = tpu.memref_slice %arg2[%dma_start3A_121, %dma_start3A_122] : memref<2048x2048xf32, #tpu.memory_space<hbm>> -> memref<2048x2048xf32, #tpu.memory_space<hbm>>
    tpu.enqueue_indirect_dma source(%dma_start3A_123 : memref<2048x2048xf32, #tpu.memory_space<hbm>>) target(%arg6 : memref<16x2048xf32, #tpu.memory_space<vmem>>) offsets(%dma_start3A_120 : memref<16xi32, #tpu.memory_space<vmem>>) semaphore(%arg8 : memref<!tpu.dma_semaphore, #tpu.memory_space<semaphore_mem>>)
    %dma_wait3A_124 = arith.constant 5 : i32
    %dma_wait3A_125 = arith.constant 0 : i32
    %dma_wait3A_126 = tpu.memref_slice %arg5[%dma_wait3A_124, %dma_wait3A_125] : memref<10x16xi32, #tpu.memory_space<vmem>> -> memref<1x16xi32, #tpu.memory_space<vmem>>
    %dma_wait3A_127 = tpu.memref_squeeze %dma_wait3A_126 : memref<1x16xi32, #tpu.memory_space<vmem>> -> memref<16xi32, #tpu.memory_space<vmem>>
    %dma_wait3A_128 = arith.constant 0 : i32
    %dma_wait3A_129 = arith.constant 0 : i32
    %dma_wait3A_130 = tpu.memref_slice %arg2[%dma_wait3A_128, %dma_wait3A_129] : memref<2048x2048xf32, #tpu.memory_space<hbm>> -> memref<2048x2048xf32, #tpu.memory_space<hbm>>
    tpu.wait_indirect_dma semaphore(%arg9 : memref<!tpu.dma_semaphore, #tpu.memory_space<semaphore_mem>>) src(%dma_wait3A_130 : memref<2048x2048xf32, #tpu.memory_space<hbm>>) dst(%arg7 : memref<16x2048xf32, #tpu.memory_space<vmem>>)
    %add3A_131 = arith.constant 80 : i32
    %add3A_132 = arith.addi %mul3A_2, %add3A_131 : i32
    "tpu.region"() ({
      %run_scoped3A_190 = tpu.sem_alloc : memref<!tpu.dma_semaphore, #tpu.memory_space<semaphore_mem>>
      %dma_start3A_191 = arith.constant 0 : i32
      %dma_start3A_192 = tpu.memref_slice %arg4[%add3A_132, %dma_start3A_191] : memref<5120x2048xf32, #tpu.memory_space<hbm>> -> memref<16x2048xf32, #tpu.memory_space<hbm>>
      %dma_start3A_193 = arith.constant 0 : i32
      %dma_start3A_194 = tpu.memref_slice %arg4[%add3A_132, %dma_start3A_193] : memref<5120x2048xf32, #tpu.memory_space<hbm>> -> memref<16x2048xf32, #tpu.memory_space<hbm>>
      tpu.enqueue_dma source(%arg7 : memref<16x2048xf32, #tpu.memory_space<vmem>>) target(%dma_start3A_194 : memref<16x2048xf32, #tpu.memory_space<hbm>>) target_semaphore(%run_scoped3A_190 : memref<!tpu.dma_semaphore, #tpu.memory_space<semaphore_mem>>)
      %dma_wait3A_195 = arith.constant 0 : i32
      %dma_wait3A_196 = tpu.memref_slice %arg4[%add3A_132, %dma_wait3A_195] : memref<5120x2048xf32, #tpu.memory_space<hbm>> -> memref<16x2048xf32, #tpu.memory_space<hbm>>
      %dma_wait3A_197 = arith.constant 0 : i32
      %dma_wait3A_198 = tpu.memref_slice %arg4[%add3A_132, %dma_wait3A_197] : memref<5120x2048xf32, #tpu.memory_space<hbm>> -> memref<16x2048xf32, #tpu.memory_space<hbm>>
      tpu.wait_dma2 semaphore(%run_scoped3A_190 : memref<!tpu.dma_semaphore, #tpu.memory_space<semaphore_mem>>) src(%arg7 : memref<16x2048xf32, #tpu.memory_space<vmem>>) dst(%dma_wait3A_198 : memref<16x2048xf32, #tpu.memory_space<hbm>>)
      tpu.yield
    }) : () -> ()
    %dma_start3A_133 = arith.constant 7 : i32
    %dma_start3A_134 = arith.constant 0 : i32
    %dma_start3A_135 = tpu.memref_slice %arg5[%dma_start3A_133, %dma_start3A_134] : memref<10x16xi32, #tpu.memory_space<vmem>> -> memref<1x16xi32, #tpu.memory_space<vmem>>
    %dma_start3A_136 = tpu.memref_squeeze %dma_start3A_135 : memref<1x16xi32, #tpu.memory_space<vmem>> -> memref<16xi32, #tpu.memory_space<vmem>>
    %dma_start3A_137 = arith.constant 0 : i32
    %dma_start3A_138 = arith.constant 0 : i32
    %dma_start3A_139 = tpu.memref_slice %arg2[%dma_start3A_137, %dma_start3A_138] : memref<2048x2048xf32, #tpu.memory_space<hbm>> -> memref<2048x2048xf32, #tpu.memory_space<hbm>>
    tpu.enqueue_indirect_dma source(%dma_start3A_139 : memref<2048x2048xf32, #tpu.memory_space<hbm>>) target(%arg7 : memref<16x2048xf32, #tpu.memory_space<vmem>>) offsets(%dma_start3A_136 : memref<16xi32, #tpu.memory_space<vmem>>) semaphore(%arg9 : memref<!tpu.dma_semaphore, #tpu.memory_space<semaphore_mem>>)
    %dma_wait3A_140 = arith.constant 6 : i32
    %dma_wait3A_141 = arith.constant 0 : i32
    %dma_wait3A_142 = tpu.memref_slice %arg5[%dma_wait3A_140, %dma_wait3A_141] : memref<10x16xi32, #tpu.memory_space<vmem>> -> memref<1x16xi32, #tpu.memory_space<vmem>>
    %dma_wait3A_143 = tpu.memref_squeeze %dma_wait3A_142 : memref<1x16xi32, #tpu.memory_space<vmem>> -> memref<16xi32, #tpu.memory_space<vmem>>
    %dma_wait3A_144 = arith.constant 0 : i32
    %dma_wait3A_145 = arith.constant 0 : i32
    %dma_wait3A_146 = tpu.memref_slice %arg2[%dma_wait3A_144, %dma_wait3A_145] : memref<2048x2048xf32, #tpu.memory_space<hbm>> -> memref<2048x2048xf32, #tpu.memory_space<hbm>>
    tpu.wait_indirect_dma semaphore(%arg8 : memref<!tpu.dma_semaphore, #tpu.memory_space<semaphore_mem>>) src(%dma_wait3A_146 : memref<2048x2048xf32, #tpu.memory_space<hbm>>) dst(%arg6 : memref<16x2048xf32, #tpu.memory_space<vmem>>)
    %add3A_147 = arith.constant 96 : i32
    %add3A_148 = arith.addi %mul3A_2, %add3A_147 : i32
    "tpu.region"() ({
      %run_scoped3A_190 = tpu.sem_alloc : memref<!tpu.dma_semaphore, #tpu.memory_space<semaphore_mem>>
      %dma_start3A_191 = arith.constant 0 : i32
      %dma_start3A_192 = tpu.memref_slice %arg4[%add3A_148, %dma_start3A_191] : memref<5120x2048xf32, #tpu.memory_space<hbm>> -> memref<16x2048xf32, #tpu.memory_space<hbm>>
      %dma_start3A_193 = arith.constant 0 : i32
      %dma_start3A_194 = tpu.memref_slice %arg4[%add3A_148, %dma_start3A_193] : memref<5120x2048xf32, #tpu.memory_space<hbm>> -> memref<16x2048xf32, #tpu.memory_space<hbm>>
      tpu.enqueue_dma source(%arg6 : memref<16x2048xf32, #tpu.memory_space<vmem>>) target(%dma_start3A_194 : memref<16x2048xf32, #tpu.memory_space<hbm>>) target_semaphore(%run_scoped3A_190 : memref<!tpu.dma_semaphore, #tpu.memory_space<semaphore_mem>>)
      %dma_wait3A_195 = arith.constant 0 : i32
      %dma_wait3A_196 = tpu.memref_slice %arg4[%add3A_148, %dma_wait3A_195] : memref<5120x2048xf32, #tpu.memory_space<hbm>> -> memref<16x2048xf32, #tpu.memory_space<hbm>>
      %dma_wait3A_197 = arith.constant 0 : i32
      %dma_wait3A_198 = tpu.memref_slice %arg4[%add3A_148, %dma_wait3A_197] : memref<5120x2048xf32, #tpu.memory_space<hbm>> -> memref<16x2048xf32, #tpu.memory_space<hbm>>
      tpu.wait_dma2 semaphore(%run_scoped3A_190 : memref<!tpu.dma_semaphore, #tpu.memory_space<semaphore_mem>>) src(%arg6 : memref<16x2048xf32, #tpu.memory_space<vmem>>) dst(%dma_wait3A_198 : memref<16x2048xf32, #tpu.memory_space<hbm>>)
      tpu.yield
    }) : () -> ()
    %dma_start3A_149 = arith.constant 8 : i32
    %dma_start3A_150 = arith.constant 0 : i32
    %dma_start3A_151 = tpu.memref_slice %arg5[%dma_start3A_149, %dma_start3A_150] : memref<10x16xi32, #tpu.memory_space<vmem>> -> memref<1x16xi32, #tpu.memory_space<vmem>>
    %dma_start3A_152 = tpu.memref_squeeze %dma_start3A_151 : memref<1x16xi32, #tpu.memory_space<vmem>> -> memref<16xi32, #tpu.memory_space<vmem>>
    %dma_start3A_153 = arith.constant 0 : i32
    %dma_start3A_154 = arith.constant 0 : i32
    %dma_start3A_155 = tpu.memref_slice %arg2[%dma_start3A_153, %dma_start3A_154] : memref<2048x2048xf32, #tpu.memory_space<hbm>> -> memref<2048x2048xf32, #tpu.memory_space<hbm>>
    tpu.enqueue_indirect_dma source(%dma_start3A_155 : memref<2048x2048xf32, #tpu.memory_space<hbm>>) target(%arg6 : memref<16x2048xf32, #tpu.memory_space<vmem>>) offsets(%dma_start3A_152 : memref<16xi32, #tpu.memory_space<vmem>>) semaphore(%arg8 : memref<!tpu.dma_semaphore, #tpu.memory_space<semaphore_mem>>)
    %dma_wait3A_156 = arith.constant 7 : i32
    %dma_wait3A_157 = arith.constant 0 : i32
    %dma_wait3A_158 = tpu.memref_slice %arg5[%dma_wait3A_156, %dma_wait3A_157] : memref<10x16xi32, #tpu.memory_space<vmem>> -> memref<1x16xi32, #tpu.memory_space<vmem>>
    %dma_wait3A_159 = tpu.memref_squeeze %dma_wait3A_158 : memref<1x16xi32, #tpu.memory_space<vmem>> -> memref<16xi32, #tpu.memory_space<vmem>>
    %dma_wait3A_160 = arith.constant 0 : i32
    %dma_wait3A_161 = arith.constant 0 : i32
    %dma_wait3A_162 = tpu.memref_slice %arg2[%dma_wait3A_160, %dma_wait3A_161] : memref<2048x2048xf32, #tpu.memory_space<hbm>> -> memref<2048x2048xf32, #tpu.memory_space<hbm>>
    tpu.wait_indirect_dma semaphore(%arg9 : memref<!tpu.dma_semaphore, #tpu.memory_space<semaphore_mem>>) src(%dma_wait3A_162 : memref<2048x2048xf32, #tpu.memory_space<hbm>>) dst(%arg7 : memref<16x2048xf32, #tpu.memory_space<vmem>>)
    %add3A_163 = arith.constant 112 : i32
    %add3A_164 = arith.addi %mul3A_2, %add3A_163 : i32
    "tpu.region"() ({
      %run_scoped3A_190 = tpu.sem_alloc : memref<!tpu.dma_semaphore, #tpu.memory_space<semaphore_mem>>
      %dma_start3A_191 = arith.constant 0 : i32
      %dma_start3A_192 = tpu.memref_slice %arg4[%add3A_164, %dma_start3A_191] : memref<5120x2048xf32, #tpu.memory_space<hbm>> -> memref<16x2048xf32, #tpu.memory_space<hbm>>
      %dma_start3A_193 = arith.constant 0 : i32
      %dma_start3A_194 = tpu.memref_slice %arg4[%add3A_164, %dma_start3A_193] : memref<5120x2048xf32, #tpu.memory_space<hbm>> -> memref<16x2048xf32, #tpu.memory_space<hbm>>
      tpu.enqueue_dma source(%arg7 : memref<16x2048xf32, #tpu.memory_space<vmem>>) target(%dma_start3A_194 : memref<16x2048xf32, #tpu.memory_space<hbm>>) target_semaphore(%run_scoped3A_190 : memref<!tpu.dma_semaphore, #tpu.memory_space<semaphore_mem>>)
      %dma_wait3A_195 = arith.constant 0 : i32
      %dma_wait3A_196 = tpu.memref_slice %arg4[%add3A_164, %dma_wait3A_195] : memref<5120x2048xf32, #tpu.memory_space<hbm>> -> memref<16x2048xf32, #tpu.memory_space<hbm>>
      %dma_wait3A_197 = arith.constant 0 : i32
      %dma_wait3A_198 = tpu.memref_slice %arg4[%add3A_164, %dma_wait3A_197] : memref<5120x2048xf32, #tpu.memory_space<hbm>> -> memref<16x2048xf32, #tpu.memory_space<hbm>>
      tpu.wait_dma2 semaphore(%run_scoped3A_190 : memref<!tpu.dma_semaphore, #tpu.memory_space<semaphore_mem>>) src(%arg7 : memref<16x2048xf32, #tpu.memory_space<vmem>>) dst(%dma_wait3A_198 : memref<16x2048xf32, #tpu.memory_space<hbm>>)
      tpu.yield
    }) : () -> ()
    %dma_start3A_165 = arith.constant 9 : i32
    %dma_start3A_166 = arith.constant 0 : i32
    %dma_start3A_167 = tpu.memref_slice %arg5[%dma_start3A_165, %dma_start3A_166] : memref<10x16xi32, #tpu.memory_space<vmem>> -> memref<1x16xi32, #tpu.memory_space<vmem>>
    %dma_start3A_168 = tpu.memref_squeeze %dma_start3A_167 : memref<1x16xi32, #tpu.memory_space<vmem>> -> memref<16xi32, #tpu.memory_space<vmem>>
    %dma_start3A_169 = arith.constant 0 : i32
    %dma_start3A_170 = arith.constant 0 : i32
    %dma_start3A_171 = tpu.memref_slice %arg2[%dma_start3A_169, %dma_start3A_170] : memref<2048x2048xf32, #tpu.memory_space<hbm>> -> memref<2048x2048xf32, #tpu.memory_space<hbm>>
    tpu.enqueue_indirect_dma source(%dma_start3A_171 : memref<2048x2048xf32, #tpu.memory_space<hbm>>) target(%arg7 : memref<16x2048xf32, #tpu.memory_space<vmem>>) offsets(%dma_start3A_168 : memref<16xi32, #tpu.memory_space<vmem>>) semaphore(%arg9 : memref<!tpu.dma_semaphore, #tpu.memory_space<semaphore_mem>>)
    %dma_wait3A_172 = arith.constant 8 : i32
    %dma_wait3A_173 = arith.constant 0 : i32
    %dma_wait3A_174 = tpu.memref_slice %arg5[%dma_wait3A_172, %dma_wait3A_173] : memref<10x16xi32, #tpu.memory_space<vmem>> -> memref<1x16xi32, #tpu.memory_space<vmem>>
    %dma_wait3A_175 = tpu.memref_squeeze %dma_wait3A_174 : memref<1x16xi32, #tpu.memory_space<vmem>> -> memref<16xi32, #tpu.memory_space<vmem>>
    %dma_wait3A_176 = arith.constant 0 : i32
    %dma_wait3A_177 = arith.constant 0 : i32
    %dma_wait3A_178 = tpu.memref_slice %arg2[%dma_wait3A_176, %dma_wait3A_177] : memref<2048x2048xf32, #tpu.memory_space<hbm>> -> memref<2048x2048xf32, #tpu.memory_space<hbm>>
    tpu.wait_indirect_dma semaphore(%arg8 : memref<!tpu.dma_semaphore, #tpu.memory_space<semaphore_mem>>) src(%dma_wait3A_178 : memref<2048x2048xf32, #tpu.memory_space<hbm>>) dst(%arg6 : memref<16x2048xf32, #tpu.memory_space<vmem>>)
    %add3A_179 = arith.constant 128 : i32
    %add3A_180 = arith.addi %mul3A_2, %add3A_179 : i32
    "tpu.region"() ({
      %run_scoped3A_190 = tpu.sem_alloc : memref<!tpu.dma_semaphore, #tpu.memory_space<semaphore_mem>>
      %dma_start3A_191 = arith.constant 0 : i32
      %dma_start3A_192 = tpu.memref_slice %arg4[%add3A_180, %dma_start3A_191] : memref<5120x2048xf32, #tpu.memory_space<hbm>> -> memref<16x2048xf32, #tpu.memory_space<hbm>>
      %dma_start3A_193 = arith.constant 0 : i32
      %dma_start3A_194 = tpu.memref_slice %arg4[%add3A_180, %dma_start3A_193] : memref<5120x2048xf32, #tpu.memory_space<hbm>> -> memref<16x2048xf32, #tpu.memory_space<hbm>>
      tpu.enqueue_dma source(%arg6 : memref<16x2048xf32, #tpu.memory_space<vmem>>) target(%dma_start3A_194 : memref<16x2048xf32, #tpu.memory_space<hbm>>) target_semaphore(%run_scoped3A_190 : memref<!tpu.dma_semaphore, #tpu.memory_space<semaphore_mem>>)
      %dma_wait3A_195 = arith.constant 0 : i32
      %dma_wait3A_196 = tpu.memref_slice %arg4[%add3A_180, %dma_wait3A_195] : memref<5120x2048xf32, #tpu.memory_space<hbm>> -> memref<16x2048xf32, #tpu.memory_space<hbm>>
      %dma_wait3A_197 = arith.constant 0 : i32
      %dma_wait3A_198 = tpu.memref_slice %arg4[%add3A_180, %dma_wait3A_197] : memref<5120x2048xf32, #tpu.memory_space<hbm>> -> memref<16x2048xf32, #tpu.memory_space<hbm>>
      tpu.wait_dma2 semaphore(%run_scoped3A_190 : memref<!tpu.dma_semaphore, #tpu.memory_space<semaphore_mem>>) src(%arg6 : memref<16x2048xf32, #tpu.memory_space<vmem>>) dst(%dma_wait3A_198 : memref<16x2048xf32, #tpu.memory_space<hbm>>)
      tpu.yield
    }) : () -> ()
    %dma_wait3A_181 = arith.constant 9 : i32
    %dma_wait3A_182 = arith.constant 0 : i32
    %dma_wait3A_183 = tpu.memref_slice %arg5[%dma_wait3A_181, %dma_wait3A_182] : memref<10x16xi32, #tpu.memory_space<vmem>> -> memref<1x16xi32, #tpu.memory_space<vmem>>
    %dma_wait3A_184 = tpu.memref_squeeze %dma_wait3A_183 : memref<1x16xi32, #tpu.memory_space<vmem>> -> memref<16xi32, #tpu.memory_space<vmem>>
    %dma_wait3A_185 = arith.constant 0 : i32
    %dma_wait3A_186 = arith.constant 0 : i32
    %dma_wait3A_187 = tpu.memref_slice %arg2[%dma_wait3A_185, %dma_wait3A_186] : memref<2048x2048xf32, #tpu.memory_space<hbm>> -> memref<2048x2048xf32, #tpu.memory_space<hbm>>
    tpu.wait_indirect_dma semaphore(%arg9 : memref<!tpu.dma_semaphore, #tpu.memory_space<semaphore_mem>>) src(%dma_wait3A_187 : memref<2048x2048xf32, #tpu.memory_space<hbm>>) dst(%arg7 : memref<16x2048xf32, #tpu.memory_space<vmem>>)
    %add3A_188 = arith.constant 144 : i32
    %add3A_189 = arith.addi %mul3A_2, %add3A_188 : i32
    "tpu.region"() ({
      %run_scoped3A_190 = tpu.sem_alloc : memref<!tpu.dma_semaphore, #tpu.memory_space<semaphore_mem>>
      %dma_start3A_191 = arith.constant 0 : i32
      %dma_start3A_192 = tpu.memref_slice %arg4[%add3A_189, %dma_start3A_191] : memref<5120x2048xf32, #tpu.memory_space<hbm>> -> memref<16x2048xf32, #tpu.memory_space<hbm>>
      %dma_start3A_193 = arith.constant 0 : i32
      %dma_start3A_194 = tpu.memref_slice %arg4[%add3A_189, %dma_start3A_193] : memref<5120x2048xf32, #tpu.memory_space<hbm>> -> memref<16x2048xf32, #tpu.memory_space<hbm>>
      tpu.enqueue_dma source(%arg7 : memref<16x2048xf32, #tpu.memory_space<vmem>>) target(%dma_start3A_194 : memref<16x2048xf32, #tpu.memory_space<hbm>>) target_semaphore(%run_scoped3A_190 : memref<!tpu.dma_semaphore, #tpu.memory_space<semaphore_mem>>)
      %dma_wait3A_195 = arith.constant 0 : i32
      %dma_wait3A_196 = tpu.memref_slice %arg4[%add3A_189, %dma_wait3A_195] : memref<5120x2048xf32, #tpu.memory_space<hbm>> -> memref<16x2048xf32, #tpu.memory_space<hbm>>
      %dma_wait3A_197 = arith.constant 0 : i32
      %dma_wait3A_198 = tpu.memref_slice %arg4[%add3A_189, %dma_wait3A_197] : memref<5120x2048xf32, #tpu.memory_space<hbm>> -> memref<16x2048xf32, #tpu.memory_space<hbm>>
      tpu.wait_dma2 semaphore(%run_scoped3A_190 : memref<!tpu.dma_semaphore, #tpu.memory_space<semaphore_mem>>) src(%arg7 : memref<16x2048xf32, #tpu.memory_space<vmem>>) dst(%dma_wait3A_198 : memref<16x2048xf32, #tpu.memory_space<hbm>>)
      tpu.yield
    }) : () -> ()
    return
  }
}

module attributes {stable_mosaic.version = 14 : i64} {
  func.func @_router_body(%arg0: memref<2048x2048xf32, #tpu.memory_space<vmem>>, %arg1: memref<2048x8xf32, #tpu.memory_space<vmem>>, %arg2: memref<2048x8xi32, #tpu.memory_space<vmem>>, %arg3: memref<2048x8xf32, #tpu.memory_space<vmem>>, %arg4: memref<1x1xf32, #tpu.memory_space<vmem>>) attributes {dimension_semantics = [], scalar_prefetch = 0 : i64, scratch_operands = 0 : i64, tpu.core_type = #tpu.core_type<tc>} {
    %get3A = arith.constant 0 : index
    %get3A_0 = arith.constant 0 : index
    %get3A_1 = vector.load %arg0[%get3A, %get3A_0] : memref<2048x2048xf32, #tpu.memory_space<vmem>>, vector<2048x2048xf32>
    %get3A_2 = arith.constant 0 : index
    %get3A_3 = arith.constant 0 : index
    %get3A_4 = vector.load %arg1[%get3A_2, %get3A_3] : memref<2048x8xf32, #tpu.memory_space<vmem>>, vector<2048x8xf32>
    %dot_general3A = arith.constant dense<0.000000e+00> : vector<2048x8xf32>
    %dot_general3A_5 = tpu.matmul %get3A_1, %get3A_4, %dot_general3A {dimension_numbers = #tpu.dot_dimension_numbers<[1], [0], [0], [1], [0, 0, 1, 1], [], []>, transpose_lhs_hint = false} : vector<2048x2048xf32>, vector<2048x8xf32>, vector<2048x8xf32> -> vector<2048x8xf32>
    %reduce_max3A = arith.constant dense<0xFF800000> : vector<2048xf32>
    %reduce_max3A_6 = vector.multi_reduction <maximumf>, %dot_general3A_5, %reduce_max3A [1] : vector<2048x8xf32> to vector<2048xf32>
    %broadcast_in_dim3A = vector.shape_cast %reduce_max3A_6 : vector<2048xf32> to vector<2048x1xf32>
    %sub3A = vector.broadcast %broadcast_in_dim3A : vector<2048x1xf32> to vector<2048x8xf32>
    %sub3A_7 = arith.subf %dot_general3A_5, %sub3A : vector<2048x8xf32>
    %exp3A = math.exp %sub3A_7 : vector<2048x8xf32>
    %reduce_sum3A = arith.constant dense<0.000000e+00> : vector<2048xf32>
    %reduce_sum3A_8 = vector.multi_reduction <add>, %exp3A, %reduce_sum3A [1] : vector<2048x8xf32> to vector<2048xf32>
    %broadcast_in_dim3A_9 = vector.shape_cast %reduce_sum3A_8 : vector<2048xf32> to vector<2048x1xf32>
    %div3A = vector.broadcast %broadcast_in_dim3A_9 : vector<2048x1xf32> to vector<2048x8xf32>
    %div3A_10 = arith.divf %exp3A, %div3A : vector<2048x8xf32>
    %log3A = math.log %broadcast_in_dim3A_9 : vector<2048x1xf32>
    %add3A = arith.addf %broadcast_in_dim3A, %log3A : vector<2048x1xf32>
    %iota3A = tpu.iota {dimensions = array<i32: 1>} : vector<2048x8xi32>
    %reduce_max3A_11 = arith.constant dense<0xFF800000> : vector<2048xf32>
    %reduce_max3A_12 = vector.multi_reduction <maximumf>, %div3A_10, %reduce_max3A_11 [1] : vector<2048x8xf32> to vector<2048xf32>
    %broadcast_in_dim3A_13 = vector.shape_cast %reduce_max3A_12 : vector<2048xf32> to vector<2048x1xf32>
    %eq3A = vector.broadcast %broadcast_in_dim3A_13 : vector<2048x1xf32> to vector<2048x8xf32>
    %eq3A_14 = arith.cmpf oeq, %div3A_10, %eq3A : vector<2048x8xf32>
    %jit3A = arith.constant 8 : i32
    %broadcast_in_dim3A_15 = vector.broadcast %jit3A : i32 to vector<2048x8xi32>
    %select_n3A = arith.select %eq3A_14, %iota3A, %broadcast_in_dim3A_15 : vector<2048x8xi1>, vector<2048x8xi32>
    %reduce_min3A = arith.constant dense<2147483647> : vector<2048xi32>
    %reduce_min3A_16 = vector.multi_reduction <minsi>, %select_n3A, %reduce_min3A [1] : vector<2048x8xi32> to vector<2048xi32>
    %broadcast_in_dim3A_17 = vector.shape_cast %reduce_min3A_16 : vector<2048xi32> to vector<2048x1xi32>
    %eq3A_18 = vector.broadcast %broadcast_in_dim3A_17 : vector<2048x1xi32> to vector<2048x8xi32>
    %eq3A_19 = arith.cmpi eq, %iota3A, %eq3A_18 : vector<2048x8xi32>
    %jit3A_20 = arith.constant 0xFF800000 : f32
    %broadcast_in_dim3A_21 = vector.broadcast %jit3A_20 : f32 to vector<2048x8xf32>
    %select_n3A_22 = arith.select %eq3A_19, %broadcast_in_dim3A_21, %div3A_10 : vector<2048x8xi1>, vector<2048x8xf32>
    %reduce_max3A_23 = arith.constant dense<0xFF800000> : vector<2048xf32>
    %reduce_max3A_24 = vector.multi_reduction <maximumf>, %select_n3A_22, %reduce_max3A_23 [1] : vector<2048x8xf32> to vector<2048xf32>
    %broadcast_in_dim3A_25 = vector.shape_cast %reduce_max3A_24 : vector<2048xf32> to vector<2048x1xf32>
    %eq3A_26 = vector.broadcast %broadcast_in_dim3A_25 : vector<2048x1xf32> to vector<2048x8xf32>
    %eq3A_27 = arith.cmpf oeq, %select_n3A_22, %eq3A_26 : vector<2048x8xf32>
    %jit3A_28 = arith.constant 8 : i32
    %broadcast_in_dim3A_29 = vector.broadcast %jit3A_28 : i32 to vector<2048x8xi32>
    %select_n3A_30 = arith.select %eq3A_27, %iota3A, %broadcast_in_dim3A_29 : vector<2048x8xi1>, vector<2048x8xi32>
    %reduce_min3A_31 = arith.constant dense<2147483647> : vector<2048xi32>
    %reduce_min3A_32 = vector.multi_reduction <minsi>, %select_n3A_30, %reduce_min3A_31 [1] : vector<2048x8xi32> to vector<2048xi32>
    %broadcast_in_dim3A_33 = vector.shape_cast %reduce_min3A_32 : vector<2048xi32> to vector<2048x1xi32>
    %eq3A_34 = vector.broadcast %broadcast_in_dim3A_33 : vector<2048x1xi32> to vector<2048x8xi32>
    %eq3A_35 = arith.cmpi eq, %iota3A, %eq3A_34 : vector<2048x8xi32>
    %convert_element_type3A = arith.extui %eq3A_19 : vector<2048x8xi1> to vector<2048x8xi32>
    %convert_element_type3A_36 = arith.sitofp %convert_element_type3A : vector<2048x8xi32> to vector<2048x8xf32>
    %convert_element_type3A_37 = arith.extui %eq3A_35 : vector<2048x8xi1> to vector<2048x8xi32>
    %convert_element_type3A_38 = arith.sitofp %convert_element_type3A_37 : vector<2048x8xi32> to vector<2048x8xf32>
    %broadcast_in_dim3A_39 = arith.constant 0.000000e+00 : f32
    %broadcast_in_dim3A_40 = vector.broadcast %broadcast_in_dim3A_39 : f32 to vector<1x8xf32>
    %slice3A = vector.extract_strided_slice %convert_element_type3A_36 {offsets = [0, 0], sizes = [2047, 8], strides = [1, 1]} : vector<2048x8xf32> to vector<2047x8xf32>
    %concatenate3A = tpu.concatenate %broadcast_in_dim3A_40, %slice3A in 0 : vector<1x8xf32>, vector<2047x8xf32> -> vector<2048x8xf32>
    %add3A_41 = arith.addf %convert_element_type3A_36, %concatenate3A : vector<2048x8xf32>
    %broadcast_in_dim3A_42 = arith.constant 0.000000e+00 : f32
    %broadcast_in_dim3A_43 = vector.broadcast %broadcast_in_dim3A_42 : f32 to vector<2x8xf32>
    %slice3A_44 = vector.extract_strided_slice %add3A_41 {offsets = [0, 0], sizes = [2046, 8], strides = [1, 1]} : vector<2048x8xf32> to vector<2046x8xf32>
    %concatenate3A_45 = tpu.concatenate %broadcast_in_dim3A_43, %slice3A_44 in 0 : vector<2x8xf32>, vector<2046x8xf32> -> vector<2048x8xf32>
    %add3A_46 = arith.addf %add3A_41, %concatenate3A_45 : vector<2048x8xf32>
    %broadcast_in_dim3A_47 = arith.constant 0.000000e+00 : f32
    %broadcast_in_dim3A_48 = vector.broadcast %broadcast_in_dim3A_47 : f32 to vector<4x8xf32>
    %slice3A_49 = vector.extract_strided_slice %add3A_46 {offsets = [0, 0], sizes = [2044, 8], strides = [1, 1]} : vector<2048x8xf32> to vector<2044x8xf32>
    %concatenate3A_50 = tpu.concatenate %broadcast_in_dim3A_48, %slice3A_49 in 0 : vector<4x8xf32>, vector<2044x8xf32> -> vector<2048x8xf32>
    %add3A_51 = arith.addf %add3A_46, %concatenate3A_50 : vector<2048x8xf32>
    %broadcast_in_dim3A_52 = arith.constant 0.000000e+00 : f32
    %broadcast_in_dim3A_53 = vector.broadcast %broadcast_in_dim3A_52 : f32 to vector<8x8xf32>
    %slice3A_54 = vector.extract_strided_slice %add3A_51 {offsets = [0, 0], sizes = [2040, 8], strides = [1, 1]} : vector<2048x8xf32> to vector<2040x8xf32>
    %concatenate3A_55 = tpu.concatenate %broadcast_in_dim3A_53, %slice3A_54 in 0 : vector<8x8xf32>, vector<2040x8xf32> -> vector<2048x8xf32>
    %add3A_56 = arith.addf %add3A_51, %concatenate3A_55 : vector<2048x8xf32>
    %broadcast_in_dim3A_57 = arith.constant 0.000000e+00 : f32
    %broadcast_in_dim3A_58 = vector.broadcast %broadcast_in_dim3A_57 : f32 to vector<16x8xf32>
    %slice3A_59 = vector.extract_strided_slice %add3A_56 {offsets = [0, 0], sizes = [2032, 8], strides = [1, 1]} : vector<2048x8xf32> to vector<2032x8xf32>
    %concatenate3A_60 = tpu.concatenate %broadcast_in_dim3A_58, %slice3A_59 in 0 : vector<16x8xf32>, vector<2032x8xf32> -> vector<2048x8xf32>
    %add3A_61 = arith.addf %add3A_56, %concatenate3A_60 : vector<2048x8xf32>
    %broadcast_in_dim3A_62 = arith.constant 0.000000e+00 : f32
    %broadcast_in_dim3A_63 = vector.broadcast %broadcast_in_dim3A_62 : f32 to vector<32x8xf32>
    %slice3A_64 = vector.extract_strided_slice %add3A_61 {offsets = [0, 0], sizes = [2016, 8], strides = [1, 1]} : vector<2048x8xf32> to vector<2016x8xf32>
    %concatenate3A_65 = tpu.concatenate %broadcast_in_dim3A_63, %slice3A_64 in 0 : vector<32x8xf32>, vector<2016x8xf32> -> vector<2048x8xf32>
    %add3A_66 = arith.addf %add3A_61, %concatenate3A_65 : vector<2048x8xf32>
    %broadcast_in_dim3A_67 = arith.constant 0.000000e+00 : f32
    %broadcast_in_dim3A_68 = vector.broadcast %broadcast_in_dim3A_67 : f32 to vector<64x8xf32>
    %slice3A_69 = vector.extract_strided_slice %add3A_66 {offsets = [0, 0], sizes = [1984, 8], strides = [1, 1]} : vector<2048x8xf32> to vector<1984x8xf32>
    %concatenate3A_70 = tpu.concatenate %broadcast_in_dim3A_68, %slice3A_69 in 0 : vector<64x8xf32>, vector<1984x8xf32> -> vector<2048x8xf32>
    %add3A_71 = arith.addf %add3A_66, %concatenate3A_70 : vector<2048x8xf32>
    %broadcast_in_dim3A_72 = arith.constant 0.000000e+00 : f32
    %broadcast_in_dim3A_73 = vector.broadcast %broadcast_in_dim3A_72 : f32 to vector<128x8xf32>
    %slice3A_74 = vector.extract_strided_slice %add3A_71 {offsets = [0, 0], sizes = [1920, 8], strides = [1, 1]} : vector<2048x8xf32> to vector<1920x8xf32>
    %concatenate3A_75 = tpu.concatenate %broadcast_in_dim3A_73, %slice3A_74 in 0 : vector<128x8xf32>, vector<1920x8xf32> -> vector<2048x8xf32>
    %add3A_76 = arith.addf %add3A_71, %concatenate3A_75 : vector<2048x8xf32>
    %broadcast_in_dim3A_77 = arith.constant 0.000000e+00 : f32
    %broadcast_in_dim3A_78 = vector.broadcast %broadcast_in_dim3A_77 : f32 to vector<256x8xf32>
    %slice3A_79 = vector.extract_strided_slice %add3A_76 {offsets = [0, 0], sizes = [1792, 8], strides = [1, 1]} : vector<2048x8xf32> to vector<1792x8xf32>
    %concatenate3A_80 = tpu.concatenate %broadcast_in_dim3A_78, %slice3A_79 in 0 : vector<256x8xf32>, vector<1792x8xf32> -> vector<2048x8xf32>
    %add3A_81 = arith.addf %add3A_76, %concatenate3A_80 : vector<2048x8xf32>
    %broadcast_in_dim3A_82 = arith.constant 0.000000e+00 : f32
    %broadcast_in_dim3A_83 = vector.broadcast %broadcast_in_dim3A_82 : f32 to vector<512x8xf32>
    %slice3A_84 = vector.extract_strided_slice %add3A_81 {offsets = [0, 0], sizes = [1536, 8], strides = [1, 1]} : vector<2048x8xf32> to vector<1536x8xf32>
    %concatenate3A_85 = tpu.concatenate %broadcast_in_dim3A_83, %slice3A_84 in 0 : vector<512x8xf32>, vector<1536x8xf32> -> vector<2048x8xf32>
    %add3A_86 = arith.addf %add3A_81, %concatenate3A_85 : vector<2048x8xf32>
    %broadcast_in_dim3A_87 = arith.constant 0.000000e+00 : f32
    %broadcast_in_dim3A_88 = vector.broadcast %broadcast_in_dim3A_87 : f32 to vector<1024x8xf32>
    %slice3A_89 = vector.extract_strided_slice %add3A_86 {offsets = [0, 0], sizes = [1024, 8], strides = [1, 1]} : vector<2048x8xf32> to vector<1024x8xf32>
    %concatenate3A_90 = tpu.concatenate %broadcast_in_dim3A_88, %slice3A_89 in 0 : vector<1024x8xf32>, vector<1024x8xf32> -> vector<2048x8xf32>
    %add3A_91 = arith.addf %add3A_86, %concatenate3A_90 : vector<2048x8xf32>
    %slice3A_92 = vector.extract_strided_slice %add3A_91 {offsets = [2047, 0], sizes = [1, 8], strides = [1, 1]} : vector<2048x8xf32> to vector<1x8xf32>
    %sub3A_93 = arith.subf %add3A_91, %convert_element_type3A_36 : vector<2048x8xf32>
    %broadcast_in_dim3A_94 = arith.constant 0.000000e+00 : f32
    %broadcast_in_dim3A_95 = vector.broadcast %broadcast_in_dim3A_94 : f32 to vector<1x8xf32>
    %slice3A_96 = vector.extract_strided_slice %convert_element_type3A_38 {offsets = [0, 0], sizes = [2047, 8], strides = [1, 1]} : vector<2048x8xf32> to vector<2047x8xf32>
    %concatenate3A_97 = tpu.concatenate %broadcast_in_dim3A_95, %slice3A_96 in 0 : vector<1x8xf32>, vector<2047x8xf32> -> vector<2048x8xf32>
    %add3A_98 = arith.addf %convert_element_type3A_38, %concatenate3A_97 : vector<2048x8xf32>
    %broadcast_in_dim3A_99 = arith.constant 0.000000e+00 : f32
    %broadcast_in_dim3A_100 = vector.broadcast %broadcast_in_dim3A_99 : f32 to vector<2x8xf32>
    %slice3A_101 = vector.extract_strided_slice %add3A_98 {offsets = [0, 0], sizes = [2046, 8], strides = [1, 1]} : vector<2048x8xf32> to vector<2046x8xf32>
    %concatenate3A_102 = tpu.concatenate %broadcast_in_dim3A_100, %slice3A_101 in 0 : vector<2x8xf32>, vector<2046x8xf32> -> vector<2048x8xf32>
    %add3A_103 = arith.addf %add3A_98, %concatenate3A_102 : vector<2048x8xf32>
    %broadcast_in_dim3A_104 = arith.constant 0.000000e+00 : f32
    %broadcast_in_dim3A_105 = vector.broadcast %broadcast_in_dim3A_104 : f32 to vector<4x8xf32>
    %slice3A_106 = vector.extract_strided_slice %add3A_103 {offsets = [0, 0], sizes = [2044, 8], strides = [1, 1]} : vector<2048x8xf32> to vector<2044x8xf32>
    %concatenate3A_107 = tpu.concatenate %broadcast_in_dim3A_105, %slice3A_106 in 0 : vector<4x8xf32>, vector<2044x8xf32> -> vector<2048x8xf32>
    %add3A_108 = arith.addf %add3A_103, %concatenate3A_107 : vector<2048x8xf32>
    %broadcast_in_dim3A_109 = arith.constant 0.000000e+00 : f32
    %broadcast_in_dim3A_110 = vector.broadcast %broadcast_in_dim3A_109 : f32 to vector<8x8xf32>
    %slice3A_111 = vector.extract_strided_slice %add3A_108 {offsets = [0, 0], sizes = [2040, 8], strides = [1, 1]} : vector<2048x8xf32> to vector<2040x8xf32>
    %concatenate3A_112 = tpu.concatenate %broadcast_in_dim3A_110, %slice3A_111 in 0 : vector<8x8xf32>, vector<2040x8xf32> -> vector<2048x8xf32>
    %add3A_113 = arith.addf %add3A_108, %concatenate3A_112 : vector<2048x8xf32>
    %broadcast_in_dim3A_114 = arith.constant 0.000000e+00 : f32
    %broadcast_in_dim3A_115 = vector.broadcast %broadcast_in_dim3A_114 : f32 to vector<16x8xf32>
    %slice3A_116 = vector.extract_strided_slice %add3A_113 {offsets = [0, 0], sizes = [2032, 8], strides = [1, 1]} : vector<2048x8xf32> to vector<2032x8xf32>
    %concatenate3A_117 = tpu.concatenate %broadcast_in_dim3A_115, %slice3A_116 in 0 : vector<16x8xf32>, vector<2032x8xf32> -> vector<2048x8xf32>
    %add3A_118 = arith.addf %add3A_113, %concatenate3A_117 : vector<2048x8xf32>
    %broadcast_in_dim3A_119 = arith.constant 0.000000e+00 : f32
    %broadcast_in_dim3A_120 = vector.broadcast %broadcast_in_dim3A_119 : f32 to vector<32x8xf32>
    %slice3A_121 = vector.extract_strided_slice %add3A_118 {offsets = [0, 0], sizes = [2016, 8], strides = [1, 1]} : vector<2048x8xf32> to vector<2016x8xf32>
    %concatenate3A_122 = tpu.concatenate %broadcast_in_dim3A_120, %slice3A_121 in 0 : vector<32x8xf32>, vector<2016x8xf32> -> vector<2048x8xf32>
    %add3A_123 = arith.addf %add3A_118, %concatenate3A_122 : vector<2048x8xf32>
    %broadcast_in_dim3A_124 = arith.constant 0.000000e+00 : f32
    %broadcast_in_dim3A_125 = vector.broadcast %broadcast_in_dim3A_124 : f32 to vector<64x8xf32>
    %slice3A_126 = vector.extract_strided_slice %add3A_123 {offsets = [0, 0], sizes = [1984, 8], strides = [1, 1]} : vector<2048x8xf32> to vector<1984x8xf32>
    %concatenate3A_127 = tpu.concatenate %broadcast_in_dim3A_125, %slice3A_126 in 0 : vector<64x8xf32>, vector<1984x8xf32> -> vector<2048x8xf32>
    %add3A_128 = arith.addf %add3A_123, %concatenate3A_127 : vector<2048x8xf32>
    %broadcast_in_dim3A_129 = arith.constant 0.000000e+00 : f32
    %broadcast_in_dim3A_130 = vector.broadcast %broadcast_in_dim3A_129 : f32 to vector<128x8xf32>
    %slice3A_131 = vector.extract_strided_slice %add3A_128 {offsets = [0, 0], sizes = [1920, 8], strides = [1, 1]} : vector<2048x8xf32> to vector<1920x8xf32>
    %concatenate3A_132 = tpu.concatenate %broadcast_in_dim3A_130, %slice3A_131 in 0 : vector<128x8xf32>, vector<1920x8xf32> -> vector<2048x8xf32>
    %add3A_133 = arith.addf %add3A_128, %concatenate3A_132 : vector<2048x8xf32>
    %broadcast_in_dim3A_134 = arith.constant 0.000000e+00 : f32
    %broadcast_in_dim3A_135 = vector.broadcast %broadcast_in_dim3A_134 : f32 to vector<256x8xf32>
    %slice3A_136 = vector.extract_strided_slice %add3A_133 {offsets = [0, 0], sizes = [1792, 8], strides = [1, 1]} : vector<2048x8xf32> to vector<1792x8xf32>
    %concatenate3A_137 = tpu.concatenate %broadcast_in_dim3A_135, %slice3A_136 in 0 : vector<256x8xf32>, vector<1792x8xf32> -> vector<2048x8xf32>
    %add3A_138 = arith.addf %add3A_133, %concatenate3A_137 : vector<2048x8xf32>
    %broadcast_in_dim3A_139 = arith.constant 0.000000e+00 : f32
    %broadcast_in_dim3A_140 = vector.broadcast %broadcast_in_dim3A_139 : f32 to vector<512x8xf32>
    %slice3A_141 = vector.extract_strided_slice %add3A_138 {offsets = [0, 0], sizes = [1536, 8], strides = [1, 1]} : vector<2048x8xf32> to vector<1536x8xf32>
    %concatenate3A_142 = tpu.concatenate %broadcast_in_dim3A_140, %slice3A_141 in 0 : vector<512x8xf32>, vector<1536x8xf32> -> vector<2048x8xf32>
    %add3A_143 = arith.addf %add3A_138, %concatenate3A_142 : vector<2048x8xf32>
    %broadcast_in_dim3A_144 = arith.constant 0.000000e+00 : f32
    %broadcast_in_dim3A_145 = vector.broadcast %broadcast_in_dim3A_144 : f32 to vector<1024x8xf32>
    %slice3A_146 = vector.extract_strided_slice %add3A_143 {offsets = [0, 0], sizes = [1024, 8], strides = [1, 1]} : vector<2048x8xf32> to vector<1024x8xf32>
    %concatenate3A_147 = tpu.concatenate %broadcast_in_dim3A_145, %slice3A_146 in 0 : vector<1024x8xf32>, vector<1024x8xf32> -> vector<2048x8xf32>
    %add3A_148 = arith.addf %add3A_143, %concatenate3A_147 : vector<2048x8xf32>
    %slice3A_149 = vector.extract_strided_slice %add3A_148 {offsets = [2047, 0], sizes = [1, 8], strides = [1, 1]} : vector<2048x8xf32> to vector<1x8xf32>
    %sub3A_150 = arith.subf %add3A_148, %convert_element_type3A_38 : vector<2048x8xf32>
    %add3A_151 = vector.broadcast %slice3A_92 : vector<1x8xf32> to vector<2048x8xf32>
    %add3A_152 = arith.addf %sub3A_150, %add3A_151 : vector<2048x8xf32>
    %mul3A = arith.mulf %sub3A_93, %convert_element_type3A_36 : vector<2048x8xf32>
    %reduce_sum3A_153 = arith.constant dense<0.000000e+00> : vector<2048xf32>
    %reduce_sum3A_154 = vector.multi_reduction <add>, %mul3A, %reduce_sum3A_153 [1] : vector<2048x8xf32> to vector<2048xf32>
    %broadcast_in_dim3A_155 = vector.shape_cast %reduce_sum3A_154 : vector<2048xf32> to vector<2048x1xf32>
    %convert_element_type3A_156 = arith.fptosi %broadcast_in_dim3A_155 : vector<2048x1xf32> to vector<2048x1xi32>
    %mul3A_157 = arith.mulf %add3A_152, %convert_element_type3A_38 : vector<2048x8xf32>
    %reduce_sum3A_158 = arith.constant dense<0.000000e+00> : vector<2048xf32>
    %reduce_sum3A_159 = vector.multi_reduction <add>, %mul3A_157, %reduce_sum3A_158 [1] : vector<2048x8xf32> to vector<2048xf32>
    %broadcast_in_dim3A_160 = vector.shape_cast %reduce_sum3A_159 : vector<2048xf32> to vector<2048x1xf32>
    %convert_element_type3A_161 = arith.fptosi %broadcast_in_dim3A_160 : vector<2048x1xf32> to vector<2048x1xi32>
    %lt3A = arith.constant 640 : i32
    %lt3A_162 = vector.broadcast %lt3A : i32 to vector<2048x1xi32>
    %lt3A_163 = arith.cmpi slt, %convert_element_type3A_156, %lt3A_162 : vector<2048x1xi32>
    %lt3A_164 = arith.constant 640 : i32
    %lt3A_165 = vector.broadcast %lt3A_164 : i32 to vector<2048x1xi32>
    %lt3A_166 = arith.cmpi slt, %convert_element_type3A_161, %lt3A_165 : vector<2048x1xi32>
    %add3A_167 = arith.addf %broadcast_in_dim3A_13, %broadcast_in_dim3A_25 : vector<2048x1xf32>
    %div3A_168 = arith.divf %broadcast_in_dim3A_13, %add3A_167 : vector<2048x1xf32>
    %jit3A_169 = arith.constant 0.000000e+00 : f32
    %broadcast_in_dim3A_170 = vector.broadcast %jit3A_169 : f32 to vector<2048x1xf32>
    %select_n3A_171 = arith.select %lt3A_163, %div3A_168, %broadcast_in_dim3A_170 : vector<2048x1xi1>, vector<2048x1xf32>
    %div3A_172 = arith.divf %broadcast_in_dim3A_25, %add3A_167 : vector<2048x1xf32>
    %jit3A_173 = arith.constant 0.000000e+00 : f32
    %broadcast_in_dim3A_174 = vector.broadcast %jit3A_173 : f32 to vector<2048x1xf32>
    %select_n3A_175 = arith.select %lt3A_166, %div3A_172, %broadcast_in_dim3A_174 : vector<2048x1xi1>, vector<2048x1xf32>
    %mul3A_176 = arith.constant 640 : i32
    %mul3A_177 = vector.broadcast %mul3A_176 : i32 to vector<2048x1xi32>
    %mul3A_178 = arith.muli %broadcast_in_dim3A_17, %mul3A_177 : vector<2048x1xi32>
    %add3A_179 = arith.addi %mul3A_178, %convert_element_type3A_156 : vector<2048x1xi32>
    %jit3A_180 = arith.constant 5120 : i32
    %broadcast_in_dim3A_181 = vector.broadcast %jit3A_180 : i32 to vector<2048x1xi32>
    %select_n3A_182 = arith.select %lt3A_163, %add3A_179, %broadcast_in_dim3A_181 : vector<2048x1xi1>, vector<2048x1xi32>
    %mul3A_183 = arith.constant 640 : i32
    %mul3A_184 = vector.broadcast %mul3A_183 : i32 to vector<2048x1xi32>
    %mul3A_185 = arith.muli %broadcast_in_dim3A_33, %mul3A_184 : vector<2048x1xi32>
    %add3A_186 = arith.addi %mul3A_185, %convert_element_type3A_161 : vector<2048x1xi32>
    %jit3A_187 = arith.constant 5120 : i32
    %broadcast_in_dim3A_188 = vector.broadcast %jit3A_187 : i32 to vector<2048x1xi32>
    %select_n3A_189 = arith.select %lt3A_166, %add3A_186, %broadcast_in_dim3A_188 : vector<2048x1xi1>, vector<2048x1xi32>
    %iota3A_190 = tpu.iota {dimensions = array<i32: 1>} : vector<2048x8xi32>
    %eq3A_191 = arith.constant 0 : i32
    %eq3A_192 = vector.broadcast %eq3A_191 : i32 to vector<2048x8xi32>
    %eq3A_193 = arith.cmpi eq, %iota3A_190, %eq3A_192 : vector<2048x8xi32>
    %eq3A_194 = arith.constant 1 : i32
    %eq3A_195 = vector.broadcast %eq3A_194 : i32 to vector<2048x8xi32>
    %eq3A_196 = arith.cmpi eq, %iota3A_190, %eq3A_195 : vector<2048x8xi32>
    %jit3A_197 = arith.constant 0 : i32
    %broadcast_in_dim3A_198 = vector.shape_cast %select_n3A_189 : vector<2048x1xi32> to vector<2048x1xi32>
    %broadcast_in_dim3A_199 = vector.broadcast %broadcast_in_dim3A_198 : vector<2048x1xi32> to vector<2048x8xi32>
    %broadcast_in_dim3A_200 = vector.broadcast %jit3A_197 : i32 to vector<2048x8xi32>
    %select_n3A_201 = arith.select %eq3A_196, %broadcast_in_dim3A_199, %broadcast_in_dim3A_200 : vector<2048x8xi1>, vector<2048x8xi32>
    %broadcast_in_dim3A_202 = vector.shape_cast %select_n3A_182 : vector<2048x1xi32> to vector<2048x1xi32>
    %broadcast_in_dim3A_203 = vector.broadcast %broadcast_in_dim3A_202 : vector<2048x1xi32> to vector<2048x8xi32>
    %select_n3A_204 = arith.select %eq3A_193, %broadcast_in_dim3A_203, %select_n3A_201 : vector<2048x8xi1>, vector<2048x8xi32>
    %swap3A = arith.constant 0 : index
    %swap3A_205 = arith.constant 0 : index
    %swap3A_206 = vector.load %arg2[%swap3A, %swap3A_205] : memref<2048x8xi32, #tpu.memory_space<vmem>>, vector<2048x8xi32>
    tpu.vector_store %arg2[%swap3A, %swap3A_205], %select_n3A_204 {strides = array<i32>} : memref<2048x8xi32, #tpu.memory_space<vmem>>, vector<2048x8xi32>,
    %eq3A_207 = arith.constant 0 : i32
    %eq3A_208 = vector.broadcast %eq3A_207 : i32 to vector<2048x8xi32>
    %eq3A_209 = arith.cmpi eq, %iota3A_190, %eq3A_208 : vector<2048x8xi32>
    %eq3A_210 = arith.constant 1 : i32
    %eq3A_211 = vector.broadcast %eq3A_210 : i32 to vector<2048x8xi32>
    %eq3A_212 = arith.cmpi eq, %iota3A_190, %eq3A_211 : vector<2048x8xi32>
    %jit3A_213 = arith.constant 0.000000e+00 : f32
    %broadcast_in_dim3A_214 = vector.shape_cast %select_n3A_175 : vector<2048x1xf32> to vector<2048x1xf32>
    %broadcast_in_dim3A_215 = vector.broadcast %broadcast_in_dim3A_214 : vector<2048x1xf32> to vector<2048x8xf32>
    %broadcast_in_dim3A_216 = vector.broadcast %jit3A_213 : f32 to vector<2048x8xf32>
    %select_n3A_217 = arith.select %eq3A_212, %broadcast_in_dim3A_215, %broadcast_in_dim3A_216 : vector<2048x8xi1>, vector<2048x8xf32>
    %broadcast_in_dim3A_218 = vector.shape_cast %select_n3A_171 : vector<2048x1xf32> to vector<2048x1xf32>
    %broadcast_in_dim3A_219 = vector.broadcast %broadcast_in_dim3A_218 : vector<2048x1xf32> to vector<2048x8xf32>
    %select_n3A_220 = arith.select %eq3A_209, %broadcast_in_dim3A_219, %select_n3A_217 : vector<2048x8xi1>, vector<2048x8xf32>
    %swap3A_221 = arith.constant 0 : index
    %swap3A_222 = arith.constant 0 : index
    %swap3A_223 = vector.load %arg3[%swap3A_221, %swap3A_222] : memref<2048x8xf32, #tpu.memory_space<vmem>>, vector<2048x8xf32>
    tpu.vector_store %arg3[%swap3A_221, %swap3A_222], %select_n3A_220 {strides = array<i32>} : memref<2048x8xf32, #tpu.memory_space<vmem>>, vector<2048x8xf32>,
    %add3A_224 = arith.addf %slice3A_92, %slice3A_149 : vector<1x8xf32>
    %div3A_225 = arith.constant 2.048000e+03 : f32
    %div3A_226 = vector.broadcast %div3A_225 : f32 to vector<1x8xf32>
    %div3A_227 = arith.divf %add3A_224, %div3A_226 : vector<1x8xf32>
    %reduce_sum3A_228 = arith.constant dense<0.000000e+00> : vector<8xf32>
    %reduce_sum3A_229 = vector.multi_reduction <add>, %div3A_10, %reduce_sum3A_228 [0] : vector<2048x8xf32> to vector<8xf32>
    %broadcast_in_dim3A_230 = vector.shape_cast %reduce_sum3A_229 : vector<8xf32> to vector<1x8xf32>
    %div3A_231 = arith.constant 2.048000e+03 : f32
    %div3A_232 = vector.broadcast %div3A_231 : f32 to vector<1x8xf32>
    %div3A_233 = arith.divf %broadcast_in_dim3A_230, %div3A_232 : vector<1x8xf32>
    %mul3A_234 = arith.mulf %div3A_227, %div3A_233 : vector<1x8xf32>
    %reduce_sum3A_235 = vector.shape_cast %mul3A_234 : vector<1x8xf32> to vector<1x1x8xf32>
    %reduce_sum3A_236 = arith.constant dense<0.000000e+00> : vector<1xf32>
    %reduce_sum3A_237 = vector.multi_reduction <add>, %reduce_sum3A_235, %reduce_sum3A_236 [1, 2] : vector<1x1x8xf32> to vector<1xf32>
    %reduce_sum3A_238 = vector.shape_cast %reduce_sum3A_237 : vector<1xf32> to vector<1x1x1xf32>
    %reduce_sum3A_239 = vector.extract %reduce_sum3A_238[0, 0, 0] : f32 from vector<1x1x1xf32>
    %mul3A_240 = arith.constant 8.000000e-03 : f32
    %mul3A_241 = arith.mulf %mul3A_240, %reduce_sum3A_239 : f32
    %mul3A_242 = arith.mulf %add3A, %add3A : vector<2048x1xf32>
    %reduce_sum3A_243 = vector.shape_cast %mul3A_242 : vector<2048x1xf32> to vector<1x2048x1xf32>
    %reduce_sum3A_244 = arith.constant dense<0.000000e+00> : vector<1xf32>
    %reduce_sum3A_245 = vector.multi_reduction <add>, %reduce_sum3A_243, %reduce_sum3A_244 [1, 2] : vector<1x2048x1xf32> to vector<1xf32>
    %reduce_sum3A_246 = vector.shape_cast %reduce_sum3A_245 : vector<1xf32> to vector<1x1x1xf32>
    %reduce_sum3A_247 = vector.extract %reduce_sum3A_246[0, 0, 0] : f32 from vector<1x1x1xf32>
    %mul3A_248 = arith.constant 1.000000e-03 : f32
    %mul3A_249 = arith.mulf %mul3A_248, %reduce_sum3A_247 : f32
    %div3A_250 = arith.constant 2.048000e+03 : f32
    %div3A_251 = arith.divf %mul3A_249, %div3A_250 : f32
    %add3A_252 = arith.addf %mul3A_241, %div3A_251 : f32
    %broadcast_in_dim3A_253 = vector.broadcast %add3A_252 : f32 to vector<1x1xf32>
    %swap3A_254 = arith.constant 0 : index
    %swap3A_255 = arith.constant 0 : index
    %swap3A_256 = vector.load %arg4[%swap3A_254, %swap3A_255] : memref<1x1xf32, #tpu.memory_space<vmem>>, vector<1x1xf32>
    tpu.vector_store %arg4[%swap3A_254, %swap3A_255], %broadcast_in_dim3A_253 {strides = array<i32>} : memref<1x1xf32, #tpu.memory_space<vmem>>, vector<1x1xf32>,
    return
  }
}

module attributes {stable_mosaic.version = 14 : i64} {
  func.func @_shared_body(%arg0: i32, %arg1: memref<2048x2048xf32, #tpu.memory_space<vmem>>, %arg2: memref<2048x256xf32, #tpu.memory_space<vmem>>, %arg3: memref<2048x256xf32, #tpu.memory_space<vmem>>, %arg4: memref<256x2048xf32, #tpu.memory_space<vmem>>, %arg5: memref<2048x2048xf32, #tpu.memory_space<vmem>>) attributes {dimension_semantics = [#tpu.dimension_semantics<arbitrary>], iteration_bounds = array<i64: 22>, scalar_prefetch = 0 : i64, scratch_operands = 0 : i64, tpu.core_type = #tpu.core_type<tc>, window_params = [{pipeline_mode = #tpu.pipeline_mode<synchronous>, transform_indices = @transform_0, window_bounds = array<i64: 2048, 2048>}, {transform_indices = @transform_1, window_bounds = array<i64: 2048, 256>}, {transform_indices = @transform_2, window_bounds = array<i64: 2048, 256>}, {transform_indices = @transform_3, window_bounds = array<i64: 256, 2048>}, {pipeline_mode = #tpu.pipeline_mode<synchronous>, transform_indices = @transform_4, window_bounds = array<i64: 2048, 2048>}]} {
    %get3A = arith.constant 0 : index
    %get3A_0 = arith.constant 0 : index
    %get3A_1 = vector.load %arg1[%get3A, %get3A_0] : memref<2048x2048xf32, #tpu.memory_space<vmem>>, vector<2048x2048xf32>
    %get3A_2 = arith.constant 0 : index
    %get3A_3 = arith.constant 0 : index
    %get3A_4 = vector.load %arg2[%get3A_2, %get3A_3] : memref<2048x256xf32, #tpu.memory_space<vmem>>, vector<2048x256xf32>
    %dot_general3A = arith.constant dense<0.000000e+00> : vector<2048x256xf32>
    %dot_general3A_5 = tpu.matmul %get3A_1, %get3A_4, %dot_general3A {dimension_numbers = #tpu.dot_dimension_numbers<[1], [0], [0], [1], [0, 0, 1, 1], [], []>, transpose_lhs_hint = false} : vector<2048x2048xf32>, vector<2048x256xf32>, vector<2048x256xf32> -> vector<2048x256xf32>
    %get3A_6 = arith.constant 0 : index
    %get3A_7 = arith.constant 0 : index
    %get3A_8 = vector.load %arg3[%get3A_6, %get3A_7] : memref<2048x256xf32, #tpu.memory_space<vmem>>, vector<2048x256xf32>
    %dot_general3A_9 = arith.constant dense<0.000000e+00> : vector<2048x256xf32>
    %dot_general3A_10 = tpu.matmul %get3A_1, %get3A_8, %dot_general3A_9 {dimension_numbers = #tpu.dot_dimension_numbers<[1], [0], [0], [1], [0, 0, 1, 1], [], []>, transpose_lhs_hint = false} : vector<2048x2048xf32>, vector<2048x256xf32>, vector<2048x256xf32> -> vector<2048x256xf32>
    %logistic3A = arith.negf %dot_general3A_5 : vector<2048x256xf32>
    %logistic3A_11 = math.exp %logistic3A : vector<2048x256xf32>
    %logistic3A_12 = arith.constant 1.000000e+00 : f32
    %logistic3A_13 = vector.broadcast %logistic3A_12 : f32 to vector<2048x256xf32>
    %logistic3A_14 = arith.addf %logistic3A_13, %logistic3A_11 : vector<2048x256xf32>
    %logistic3A_15 = arith.divf %logistic3A_13, %logistic3A_14 : vector<2048x256xf32>
    %mul3A = arith.mulf %dot_general3A_5, %logistic3A_15 : vector<2048x256xf32>
    %mul3A_16 = arith.mulf %mul3A, %dot_general3A_10 : vector<2048x256xf32>
    %get3A_17 = arith.constant 0 : index
    %get3A_18 = arith.constant 0 : index
    %get3A_19 = vector.load %arg4[%get3A_17, %get3A_18] : memref<256x2048xf32, #tpu.memory_space<vmem>>, vector<256x2048xf32>
    %dot_general3A_20 = arith.constant dense<0.000000e+00> : vector<2048x2048xf32>
    %dot_general3A_21 = tpu.matmul %mul3A_16, %get3A_19, %dot_general3A_20 {dimension_numbers = #tpu.dot_dimension_numbers<[1], [0], [0], [1], [0, 0, 1, 1], [], []>, transpose_lhs_hint = false} : vector<2048x256xf32>, vector<256x2048xf32>, vector<2048x2048xf32> -> vector<2048x2048xf32>
    %eq3A = arith.constant 0 : i32
    %eq3A_22 = arith.cmpi eq, %arg0, %eq3A : i32
    %convert_element_type3A = arith.extui %eq3A_22 : i1 to i32
    %cond3A = arith.constant 0 : i32
    %cond3A_23 = arith.cmpi ne, %convert_element_type3A, %cond3A : i32
    scf.if %cond3A_23 {
      %swap3A = arith.constant 0 : index
      %swap3A_28 = arith.constant 0 : index
      %swap3A_29 = vector.load %arg5[%swap3A, %swap3A_28] : memref<2048x2048xf32, #tpu.memory_space<vmem>>, vector<2048x2048xf32>
      tpu.vector_store %arg5[%swap3A, %swap3A_28], %dot_general3A_21 {strides = array<i32>} : memref<2048x2048xf32, #tpu.memory_space<vmem>>, vector<2048x2048xf32>,
    } else {
    }
    %gt3A = arith.constant 0 : i32
    %gt3A_24 = arith.cmpi sgt, %arg0, %gt3A : i32
    %convert_element_type3A_25 = arith.extui %gt3A_24 : i1 to i32
    %cond3A_26 = arith.constant 0 : i32
    %cond3A_27 = arith.cmpi ne, %convert_element_type3A_25, %cond3A_26 : i32
    scf.if %cond3A_27 {
      %get3A_28 = arith.constant 0 : index
      %get3A_29 = arith.constant 0 : index
      %get3A_30 = vector.load %arg5[%get3A_28, %get3A_29] : memref<2048x2048xf32, #tpu.memory_space<vmem>>, vector<2048x2048xf32>
      %add3A = arith.addf %get3A_30, %dot_general3A_21 : vector<2048x2048xf32>
      %swap3A = arith.constant 0 : index
      %swap3A_31 = arith.constant 0 : index
      %swap3A_32 = vector.load %arg5[%swap3A, %swap3A_31] : memref<2048x2048xf32, #tpu.memory_space<vmem>>, vector<2048x2048xf32>
      tpu.vector_store %arg5[%swap3A, %swap3A_31], %add3A {strides = array<i32>} : memref<2048x2048xf32, #tpu.memory_space<vmem>>, vector<2048x2048xf32>,
    } else {
    }
    return
  }
  func.func @transform_0(%arg0: i32) -> (i32, i32) {
    %c0_i32 = arith.constant 0 : i32
    %c0_i32_0 = arith.constant 0 : i32
    %c0_i32_1 = arith.constant 0 : i32
    return %c0_i32, %c0_i32_0 : i32, i32
  }
  func.func @transform_1(%arg0: i32) -> (i32, i32) {
    %c0_i32 = arith.constant 0 : i32
    %c0_i32_0 = arith.constant 0 : i32
    return %c0_i32, %arg0 : i32, i32
  }
  func.func @transform_2(%arg0: i32) -> (i32, i32) {
    %c0_i32 = arith.constant 0 : i32
    %c0_i32_0 = arith.constant 0 : i32
    return %c0_i32, %arg0 : i32, i32
  }
  func.func @transform_3(%arg0: i32) -> (i32, i32) {
    %c0_i32 = arith.constant 0 : i32
    %c0_i32_0 = arith.constant 0 : i32
    return %arg0, %c0_i32 : i32, i32
  }
  func.func @transform_4(%arg0: i32) -> (i32, i32) {
    %c0_i32 = arith.constant 0 : i32
    %c0_i32_0 = arith.constant 0 : i32
    %c0_i32_1 = arith.constant 0 : i32
    return %c0_i32, %c0_i32_0 : i32, i32
  }
}

module attributes {stable_mosaic.version = 14 : i64} {
  func.func @_combine_body(%arg0: i32, %arg1: memref<640x2048xbf16, #tpu.memory_space<vmem>>, %arg2: memref<2048x8xi32, #tpu.memory_space<vmem>>, %arg3: memref<2048x8xf32, #tpu.memory_space<vmem>>, %arg4: memref<2048x2048xf32, #tpu.memory_space<vmem>>, %arg5: memref<2048x2048xf32, #tpu.memory_space<vmem>>) attributes {dimension_semantics = [#tpu.dimension_semantics<arbitrary>], iteration_bounds = array<i64: 8>, scalar_prefetch = 0 : i64, scratch_operands = 0 : i64, tpu.core_type = #tpu.core_type<tc>, window_params = [{transform_indices = @transform_0, window_bounds = array<i64: 640, 2048>}, {pipeline_mode = #tpu.pipeline_mode<synchronous>, transform_indices = @transform_1, window_bounds = array<i64: 2048, 8>}, {pipeline_mode = #tpu.pipeline_mode<synchronous>, transform_indices = @transform_2, window_bounds = array<i64: 2048, 8>}, {pipeline_mode = #tpu.pipeline_mode<synchronous>, transform_indices = @transform_3, window_bounds = array<i64: 2048, 2048>}, {pipeline_mode = #tpu.pipeline_mode<synchronous>, transform_indices = @transform_4, window_bounds = array<i64: 2048, 2048>}]} {
    %get3A = arith.constant 0 : index
    %get3A_0 = arith.constant 0 : index
    %get3A_1 = vector.load %arg2[%get3A, %get3A_0] : memref<2048x8xi32, #tpu.memory_space<vmem>>, vector<2048x8xi32>
    %slice3A = vector.extract_strided_slice %get3A_1 {offsets = [0, 0], sizes = [2048, 1], strides = [1, 1]} : vector<2048x8xi32> to vector<2048x1xi32>
    %get3A_2 = arith.constant 0 : index
    %get3A_3 = arith.constant 0 : index
    %get3A_4 = vector.load %arg2[%get3A_2, %get3A_3] : memref<2048x8xi32, #tpu.memory_space<vmem>>, vector<2048x8xi32>
    %slice3A_5 = vector.extract_strided_slice %get3A_4 {offsets = [0, 1], sizes = [2048, 1], strides = [1, 1]} : vector<2048x8xi32> to vector<2048x1xi32>
    %get3A_6 = arith.constant 0 : index
    %get3A_7 = arith.constant 0 : index
    %get3A_8 = vector.load %arg3[%get3A_6, %get3A_7] : memref<2048x8xf32, #tpu.memory_space<vmem>>, vector<2048x8xf32>
    %slice3A_9 = vector.extract_strided_slice %get3A_8 {offsets = [0, 0], sizes = [2048, 1], strides = [1, 1]} : vector<2048x8xf32> to vector<2048x1xf32>
    %get3A_10 = arith.constant 0 : index
    %get3A_11 = arith.constant 0 : index
    %get3A_12 = vector.load %arg3[%get3A_10, %get3A_11] : memref<2048x8xf32, #tpu.memory_space<vmem>>, vector<2048x8xf32>
    %slice3A_13 = vector.extract_strided_slice %get3A_12 {offsets = [0, 1], sizes = [2048, 1], strides = [1, 1]} : vector<2048x8xf32> to vector<2048x1xf32>
    %iota3A = tpu.iota {dimensions = array<i32: 1>} : vector<2048x640xi32>
    %mul3A = arith.constant 640 : i32
    %mul3A_14 = arith.muli %arg0, %mul3A : i32
    %add3A = vector.broadcast %mul3A_14 : i32 to vector<2048x640xi32>
    %add3A_15 = arith.addi %iota3A, %add3A : vector<2048x640xi32>
    %eq3A = vector.broadcast %slice3A : vector<2048x1xi32> to vector<2048x640xi32>
    %eq3A_16 = arith.cmpi eq, %eq3A, %add3A_15 : vector<2048x640xi32>
    %jit3A = arith.constant 0.000000e+00 : f32
    %broadcast_in_dim3A = vector.shape_cast %slice3A_9 : vector<2048x1xf32> to vector<2048x1xf32>
    %broadcast_in_dim3A_17 = vector.broadcast %broadcast_in_dim3A : vector<2048x1xf32> to vector<2048x640xf32>
    %broadcast_in_dim3A_18 = vector.broadcast %jit3A : f32 to vector<2048x640xf32>
    %select_n3A = arith.select %eq3A_16, %broadcast_in_dim3A_17, %broadcast_in_dim3A_18 : vector<2048x640xi1>, vector<2048x640xf32>
    %eq3A_19 = vector.broadcast %slice3A_5 : vector<2048x1xi32> to vector<2048x640xi32>
    %eq3A_20 = arith.cmpi eq, %eq3A_19, %add3A_15 : vector<2048x640xi32>
    %jit3A_21 = arith.constant 0.000000e+00 : f32
    %broadcast_in_dim3A_22 = vector.shape_cast %slice3A_13 : vector<2048x1xf32> to vector<2048x1xf32>
    %broadcast_in_dim3A_23 = vector.broadcast %broadcast_in_dim3A_22 : vector<2048x1xf32> to vector<2048x640xf32>
    %broadcast_in_dim3A_24 = vector.broadcast %jit3A_21 : f32 to vector<2048x640xf32>
    %select_n3A_25 = arith.select %eq3A_20, %broadcast_in_dim3A_23, %broadcast_in_dim3A_24 : vector<2048x640xi1>, vector<2048x640xf32>
    %add3A_26 = arith.addf %select_n3A, %select_n3A_25 : vector<2048x640xf32>
    %convert_element_type3A = arith.truncf %add3A_26 : vector<2048x640xf32> to vector<2048x640xbf16>
    %get3A_27 = arith.constant 0 : index
    %get3A_28 = arith.constant 0 : index
    %get3A_29 = vector.load %arg1[%get3A_27, %get3A_28] : memref<640x2048xbf16, #tpu.memory_space<vmem>>, vector<640x2048xbf16>
    %dot_general3A = arith.constant dense<0.000000e+00> : vector<2048x2048xf32>
    %dot_general3A_30 = tpu.matmul %convert_element_type3A, %get3A_29, %dot_general3A {dimension_numbers = #tpu.dot_dimension_numbers<[1], [0], [0], [1], [0, 0, 1, 1], [], []>, transpose_lhs_hint = false} : vector<2048x640xbf16>, vector<640x2048xbf16>, vector<2048x2048xf32> -> vector<2048x2048xf32>
    %eq3A_31 = arith.constant 0 : i32
    %eq3A_32 = arith.cmpi eq, %arg0, %eq3A_31 : i32
    %convert_element_type3A_33 = arith.extui %eq3A_32 : i1 to i32
    %cond3A = arith.constant 0 : i32
    %cond3A_34 = arith.cmpi ne, %convert_element_type3A_33, %cond3A : i32
    scf.if %cond3A_34 {
      %get3A_39 = arith.constant 0 : index
      %get3A_40 = arith.constant 0 : index
      %get3A_41 = vector.load %arg4[%get3A_39, %get3A_40] : memref<2048x2048xf32, #tpu.memory_space<vmem>>, vector<2048x2048xf32>
      %add3A_42 = arith.addf %get3A_41, %dot_general3A_30 : vector<2048x2048xf32>
      %swap3A = arith.constant 0 : index
      %swap3A_43 = arith.constant 0 : index
      %swap3A_44 = vector.load %arg5[%swap3A, %swap3A_43] : memref<2048x2048xf32, #tpu.memory_space<vmem>>, vector<2048x2048xf32>
      tpu.vector_store %arg5[%swap3A, %swap3A_43], %add3A_42 {strides = array<i32>} : memref<2048x2048xf32, #tpu.memory_space<vmem>>, vector<2048x2048xf32>,
    } else {
    }
    %gt3A = arith.constant 0 : i32
    %gt3A_35 = arith.cmpi sgt, %arg0, %gt3A : i32
    %convert_element_type3A_36 = arith.extui %gt3A_35 : i1 to i32
    %cond3A_37 = arith.constant 0 : i32
    %cond3A_38 = arith.cmpi ne, %convert_element_type3A_36, %cond3A_37 : i32
    scf.if %cond3A_38 {
      %get3A_39 = arith.constant 0 : index
      %get3A_40 = arith.constant 0 : index
      %get3A_41 = vector.load %arg5[%get3A_39, %get3A_40] : memref<2048x2048xf32, #tpu.memory_space<vmem>>, vector<2048x2048xf32>
      %add3A_42 = arith.addf %get3A_41, %dot_general3A_30 : vector<2048x2048xf32>
      %swap3A = arith.constant 0 : index
      %swap3A_43 = arith.constant 0 : index
      %swap3A_44 = vector.load %arg5[%swap3A, %swap3A_43] : memref<2048x2048xf32, #tpu.memory_space<vmem>>, vector<2048x2048xf32>
      tpu.vector_store %arg5[%swap3A, %swap3A_43], %add3A_42 {strides = array<i32>} : memref<2048x2048xf32, #tpu.memory_space<vmem>>, vector<2048x2048xf32>,
    } else {
    }
    return
  }
  func.func @transform_0(%arg0: i32) -> (i32, i32) {
    %c0_i32 = arith.constant 0 : i32
    %c0_i32_0 = arith.constant 0 : i32
    return %arg0, %c0_i32 : i32, i32
  }
  func.func @transform_1(%arg0: i32) -> (i32, i32) {
    %c0_i32 = arith.constant 0 : i32
    %c0_i32_0 = arith.constant 0 : i32
    %c0_i32_1 = arith.constant 0 : i32
    return %c0_i32, %c0_i32_0 : i32, i32
  }
  func.func @transform_2(%arg0: i32) -> (i32, i32) {
    %c0_i32 = arith.constant 0 : i32
    %c0_i32_0 = arith.constant 0 : i32
    %c0_i32_1 = arith.constant 0 : i32
    return %c0_i32, %c0_i32_0 : i32, i32
  }
  func.func @transform_3(%arg0: i32) -> (i32, i32) {
    %c0_i32 = arith.constant 0 : i32
    %c0_i32_0 = arith.constant 0 : i32
    %c0_i32_1 = arith.constant 0 : i32
    return %c0_i32, %c0_i32_0 : i32, i32
  }
  func.func @transform_4(%arg0: i32) -> (i32, i32) {
    %c0_i32 = arith.constant 0 : i32
    %c0_i32_0 = arith.constant 0 : i32
    %c0_i32_1 = arith.constant 0 : i32
    return %c0_i32, %c0_i32_0 : i32, i32
  }
}

module attributes {stable_mosaic.version = 14 : i64} {
  func.func @_ffn_body(%arg0: i32, %arg1: i32, %arg2: memref<640x2048xf32, #tpu.memory_space<vmem>>, %arg3: memref<1x2048x512xf32, #tpu.memory_space<vmem>>, %arg4: memref<1x2048x512xf32, #tpu.memory_space<vmem>>, %arg5: memref<1x512x2048xf32, #tpu.memory_space<vmem>>, %arg6: memref<640x2048xbf16, #tpu.memory_space<vmem>>, %arg7: memref<640x2048xf32, #tpu.memory_space<vmem>>) attributes {dimension_semantics = [#tpu.dimension_semantics<arbitrary>, #tpu.dimension_semantics<arbitrary>], iteration_bounds = array<i64: 8, 11>, scalar_prefetch = 0 : i64, scratch_operands = 1 : i64, tpu.core_type = #tpu.core_type<tc>, window_params = [{transform_indices = @transform_0, window_bounds = array<i64: 640, 2048>}, {transform_indices = @transform_1, window_bounds = array<i64: 1, 2048, 512>}, {transform_indices = @transform_2, window_bounds = array<i64: 1, 2048, 512>}, {transform_indices = @transform_3, window_bounds = array<i64: 1, 512, 2048>}, {transform_indices = @transform_4, window_bounds = array<i64: 640, 2048>}]} {
    %get3A = arith.constant 0 : index
    %get3A_0 = arith.constant 0 : index
    %get3A_1 = vector.load %arg2[%get3A, %get3A_0] : memref<640x2048xf32, #tpu.memory_space<vmem>>, vector<640x2048xf32>
    %get3A_2 = arith.constant 0 : index
    %get3A_3 = arith.constant 0 : index
    %get3A_4 = arith.constant 0 : index
    %get3A_5 = vector.load %arg3[%get3A_2, %get3A_3, %get3A_4] : memref<1x2048x512xf32, #tpu.memory_space<vmem>>, vector<1x2048x512xf32>
    %get3A_6 = vector.shape_cast %get3A_5 : vector<1x2048x512xf32> to vector<2048x512xf32>
    %dot_general3A = arith.constant dense<0.000000e+00> : vector<640x512xf32>
    %dot_general3A_7 = tpu.matmul %get3A_1, %get3A_6, %dot_general3A {dimension_numbers = #tpu.dot_dimension_numbers<[1], [0], [0], [1], [0, 0, 1, 1], [], []>, transpose_lhs_hint = false} : vector<640x2048xf32>, vector<2048x512xf32>, vector<640x512xf32> -> vector<640x512xf32>
    %get3A_8 = arith.constant 0 : index
    %get3A_9 = arith.constant 0 : index
    %get3A_10 = arith.constant 0 : index
    %get3A_11 = vector.load %arg4[%get3A_8, %get3A_9, %get3A_10] : memref<1x2048x512xf32, #tpu.memory_space<vmem>>, vector<1x2048x512xf32>
    %get3A_12 = vector.shape_cast %get3A_11 : vector<1x2048x512xf32> to vector<2048x512xf32>
    %dot_general3A_13 = arith.constant dense<0.000000e+00> : vector<640x512xf32>
    %dot_general3A_14 = tpu.matmul %get3A_1, %get3A_12, %dot_general3A_13 {dimension_numbers = #tpu.dot_dimension_numbers<[1], [0], [0], [1], [0, 0, 1, 1], [], []>, transpose_lhs_hint = false} : vector<640x2048xf32>, vector<2048x512xf32>, vector<640x512xf32> -> vector<640x512xf32>
    %logistic3A = arith.negf %dot_general3A_7 : vector<640x512xf32>
    %logistic3A_15 = math.exp %logistic3A : vector<640x512xf32>
    %logistic3A_16 = arith.constant 1.000000e+00 : f32
    %logistic3A_17 = vector.broadcast %logistic3A_16 : f32 to vector<640x512xf32>
    %logistic3A_18 = arith.addf %logistic3A_17, %logistic3A_15 : vector<640x512xf32>
    %logistic3A_19 = arith.divf %logistic3A_17, %logistic3A_18 : vector<640x512xf32>
    %mul3A = arith.mulf %dot_general3A_7, %logistic3A_19 : vector<640x512xf32>
    %mul3A_20 = arith.mulf %mul3A, %dot_general3A_14 : vector<640x512xf32>
    %get3A_21 = arith.constant 0 : index
    %get3A_22 = arith.constant 0 : index
    %get3A_23 = arith.constant 0 : index
    %get3A_24 = vector.load %arg5[%get3A_21, %get3A_22, %get3A_23] : memref<1x512x2048xf32, #tpu.memory_space<vmem>>, vector<1x512x2048xf32>
    %get3A_25 = vector.shape_cast %get3A_24 : vector<1x512x2048xf32> to vector<512x2048xf32>
    %dot_general3A_26 = arith.constant dense<0.000000e+00> : vector<640x2048xf32>
    %dot_general3A_27 = tpu.matmul %mul3A_20, %get3A_25, %dot_general3A_26 {dimension_numbers = #tpu.dot_dimension_numbers<[1], [0], [0], [1], [0, 0, 1, 1], [], []>, transpose_lhs_hint = false} : vector<640x512xf32>, vector<512x2048xf32>, vector<640x2048xf32> -> vector<640x2048xf32>
    %eq3A = arith.constant 0 : i32
    %eq3A_28 = arith.cmpi eq, %arg1, %eq3A : i32
    %convert_element_type3A = arith.extui %eq3A_28 : i1 to i32
    %cond3A = arith.constant 0 : i32
    %cond3A_29 = arith.cmpi ne, %convert_element_type3A, %cond3A : i32
    scf.if %cond3A_29 {
      %swap3A = arith.constant 0 : index
      %swap3A_39 = arith.constant 0 : index
      %swap3A_40 = vector.load %arg7[%swap3A, %swap3A_39] : memref<640x2048xf32, #tpu.memory_space<vmem>>, vector<640x2048xf32>
      tpu.vector_store %arg7[%swap3A, %swap3A_39], %dot_general3A_27 {strides = array<i32>} : memref<640x2048xf32, #tpu.memory_space<vmem>>, vector<640x2048xf32>,
    } else {
    }
    %gt3A = arith.constant 0 : i32
    %gt3A_30 = arith.cmpi sgt, %arg1, %gt3A : i32
    %convert_element_type3A_31 = arith.extui %gt3A_30 : i1 to i32
    %cond3A_32 = arith.constant 0 : i32
    %cond3A_33 = arith.cmpi ne, %convert_element_type3A_31, %cond3A_32 : i32
    scf.if %cond3A_33 {
      %get3A_39 = arith.constant 0 : index
      %get3A_40 = arith.constant 0 : index
      %get3A_41 = vector.load %arg7[%get3A_39, %get3A_40] : memref<640x2048xf32, #tpu.memory_space<vmem>>, vector<640x2048xf32>
      %add3A = arith.addf %get3A_41, %dot_general3A_27 : vector<640x2048xf32>
      %swap3A = arith.constant 0 : index
      %swap3A_42 = arith.constant 0 : index
      %swap3A_43 = vector.load %arg7[%swap3A, %swap3A_42] : memref<640x2048xf32, #tpu.memory_space<vmem>>, vector<640x2048xf32>
      tpu.vector_store %arg7[%swap3A, %swap3A_42], %add3A {strides = array<i32>} : memref<640x2048xf32, #tpu.memory_space<vmem>>, vector<640x2048xf32>,
    } else {
    }
    %eq3A_34 = arith.constant 10 : i32
    %eq3A_35 = arith.cmpi eq, %arg1, %eq3A_34 : i32
    %convert_element_type3A_36 = arith.extui %eq3A_35 : i1 to i32
    %cond3A_37 = arith.constant 0 : i32
    %cond3A_38 = arith.cmpi ne, %convert_element_type3A_36, %cond3A_37 : i32
    scf.if %cond3A_38 {
      %get3A_39 = arith.constant 0 : index
      %get3A_40 = arith.constant 0 : index
      %get3A_41 = vector.load %arg7[%get3A_39, %get3A_40] : memref<640x2048xf32, #tpu.memory_space<vmem>>, vector<640x2048xf32>
      %convert_element_type3A_42 = arith.truncf %get3A_41 : vector<640x2048xf32> to vector<640x2048xbf16>
      %swap3A = arith.constant 0 : index
      %swap3A_43 = arith.constant 0 : index
      %swap3A_44 = vector.load %arg6[%swap3A, %swap3A_43] : memref<640x2048xbf16, #tpu.memory_space<vmem>>, vector<640x2048xbf16>
      tpu.vector_store %arg6[%swap3A, %swap3A_43], %convert_element_type3A_42 {strides = array<i32>} : memref<640x2048xbf16, #tpu.memory_space<vmem>>, vector<640x2048xbf16>,
    } else {
    }
    return
  }
  func.func @transform_0(%arg0: i32, %arg1: i32) -> (i32, i32) {
    %c0_i32 = arith.constant 0 : i32
    %c0_i32_0 = arith.constant 0 : i32
    return %arg0, %c0_i32 : i32, i32
  }
  func.func @transform_1(%arg0: i32, %arg1: i32) -> (i32, i32, i32) {
    %c0_i32 = arith.constant 0 : i32
    %c0_i32_0 = arith.constant 0 : i32
    return %arg0, %c0_i32, %arg1 : i32, i32, i32
  }
  func.func @transform_2(%arg0: i32, %arg1: i32) -> (i32, i32, i32) {
    %c0_i32 = arith.constant 0 : i32
    %c0_i32_0 = arith.constant 0 : i32
    return %arg0, %c0_i32, %arg1 : i32, i32, i32
  }
  func.func @transform_3(%arg0: i32, %arg1: i32) -> (i32, i32, i32) {
    %c0_i32 = arith.constant 0 : i32
    %c0_i32_0 = arith.constant 0 : i32
    return %arg0, %arg1, %c0_i32 : i32, i32, i32
  }
  func.func @transform_4(%arg0: i32, %arg1: i32) -> (i32, i32) {
    %c0_i32 = arith.constant 0 : i32
    %c0_i32_0 = arith.constant 0 : i32
    return %arg0, %c0_i32 : i32, i32
  }
}

</mosaic_0001>

<sc_bundles>
// kernel: kernel.11.cloned.1.call-start
scs
__scs_entry_jumppad:
0x0: {  	(pc) =	sbr.rel $0x88, $3  }
0x1: {  	(tag) =	ssettag $0x0;
	lr =	simm.s32 $0x1  }
0x2: {  	[smem:$0x3F99] =	sst lr;
	_ =	strace $0xD0000000  }
0x3: {  	_ = 	snop  }
0x4: {  	_ = 	snop  }
0x5: {  	_ = 	snop  }
0x6: {  	_ = 	snop  }
0x7: {  	_ = 	snop  }
__scs_overlays_trampoline_lowered:
0x8: {  	[smem:$0x3FA8] =	sst s0  }
0x9: {  	[smem:$0x3FA9] =	sst s1  }
0xa: {  	[smem:$0x3FAA] =	sst s2  }
0xb: {  	[smem:$0x3FAB] =	sst s3  }
0xc: {  	[smem:$0x3FAC] =	sst s4  }
0xd: {  	[smem:$0x3FAD] =	sst s5  }
0xe: {  	[smem:$0x3FAE] =	sst s6  }
0xf: {  	[smem:$0x3FAF] =	sst s7  }
0x10: {  	[smem:$0x3FB0] =	sst s8  }
0x11: {  	[smem:$0x3FB1] =	sst s9;
	s0 =	simm.s32 @!p0 $0x0  }
0x12: {  	s1 =	sld [smem:$0x3F97];
	s0 =	simm.s32 @p0 $0x1  }
0x13: {  	[smem:$0x3FB2] =	sst s0;
	s0 =	simm.s32 @!p1 $0x0  }
0x14: {  	s2 =	sld [smem:$0x3F96];
	s0 =	simm.s32 @p1 $0x1  }
0x15: {  	[smem:$0x3FB3] =	sst s0;
	s0 =	simm.s32 @!p2 $0x0  }
0x16: {  	s3 =	sld [smem:$0x3FDB];
	s0 =	simm.s32 @p2 $0x1  }
0x17: {  	s4 =	simm.s32 $0x1BF5;
	[smem:$0x3FB5] =	sst s0  }
0x18: {  	s0 =	sld [smem:$0x3F98];
	_ =	swait.ge [sflag:s4], $0x0  }
0x19: {  	s7 =	sld [smem:$0x3F99]  }
0x1a: {  	s8 =	sadd.s32 $0xFFFFE003, lr  }
0x1b: {  	s9 =	sadd.s32 $0xFFFFFEF7, lr;
	s5 =	simm.s32 $0xFFFFFFFF;
	p2 =	slt.u32 s8, $0xFFFFF086  }
0x1c: {  	p1 =	slt.u32 s9, $0xF7A;
	s5 =	simm.s32 @!p2 $0x0  }
0x1d: {  	s5 =	simm.s32 @p1 $0x1;
	p0 =	seq.s32 s7, s2  }
0x1e: {  	s7 =	smul.u32 @!p0 $0xF7A, s2;
	p2 =	seq.s32 @!p0 s5, $0x0  }
0x1f: {  	s9 =	smul.u32 $0xF7A, s1;
	s8 =	simm.s32 @!p0 $0x1BF5;
	p2 =	por !p2, p0  }
0x20: {  	[sflag:s8] =	ssyncset.s32 @!p0 $0xFFFFF086;
	s6 =	sadd.s32 @!p0 s3, s7;
	s7 =	simm.s32 @!p0 $0x108  }
0x21: {  	s3 =	sadd.s32 s3, s9;
	s6 =	sadd.s32 @!p0 $0x88, s6;
	s7 =	simm.s32 @p2 $0x1082  }
0x22: {  	[simem:s7], [sflag:s8] =	dma.local @!p0 [hbm:s6], $0xF7A  }
0x23: {  	s9 =	sor.u32 $0xD0000000, s2;
	s6 =	simm.s32 $0x108;
	_ =	swait.ge @!p0 [sflag:s8], $0x0  }
0x24: {  	s3 =	sadd.s32 $0x88, s3;
	s6 =	simm.s32 @!p1 $0x1082;
	[sflag:s4] =	ssyncset.s32 $0xFFFFF086  }
0x25: {  	[simem:s6], [sflag:s4] =	dma.local [hbm:s3], $0xF7A  }
0x26: {  	[smem:$0x3F99] =	sst s1;
	(tag) =	ssettag s2;
	_ =	strace s9  }
0x27: {  	s1 =	sld [smem:$0x3FA9]  }
0x28: {  	s2 =	sld [smem:$0x3FAA]  }
0x29: {  	s4 =	sld [smem:$0x3FAC]  }
0x2a: {  	p0 =	seq.s32 s5, $0x0;
	s5 =	sld [smem:$0x3FAD]  }
0x2b: {  	s6 =	sld [smem:$0x3FAE]  }
0x2c: {  	s7 =	sld [smem:$0x3FAF]  }
0x2d: {  	s3 =	simm.s32 $0x108;
	s8 =	sld [smem:$0x3FB0]  }
0x2e: {  	s3 =	simm.s32 @!p0 $0x1082;
	s9 =	sld [smem:$0x3FB1]  }
0x2f: {  	lr =	sadd.s32 s0, s3;
	s0 =	sld [smem:$0x3FA8]  }
0x30: {  	s3 =	sld [smem:$0x3FAB]  }
0x31: {  	[smem:$0x3FB4] =	sst s10  }
0x32: {  	s10 =	sld [smem:$0x3FB2];
	_ =	sdelay $0x3  }
0x33: {  	p0 =	seq.s32 s10, $0x1;
	s10 =	sld [smem:$0x3FB4];
	_ =	sdelay $0x3  }
0x34: {  	[smem:$0x3FB4] =	sst s10  }
0x35: {  	s10 =	sld [smem:$0x3FB3];
	_ =	sdelay $0x3  }
0x36: {  	p1 =	seq.s32 s10, $0x1;
	s10 =	sld [smem:$0x3FB4];
	_ =	sdelay $0x3  }
0x37: {  	[smem:$0x3FB4] =	sst s10  }
0x38: {  	s10 =	sld [smem:$0x3FB5]  }
0x39: {  	_ = 	snop;
	(pc) =	sbr.ind lr, $3  }
0x3a: {  	_ = 	snop  }
0x3b: {  	_ = 	snop  }
0x3c: {  	p2 =	seq.s32 s10, $0x1;
	s10 =	sld [smem:$0x3FB4]  }
0x3d: {  	_ =	shalt  }
0x3e: {  	_ =	shalt  }
0x3f: {  	_ =	shalt  }
0x40: {  	_ =	shalt  }
0x41: {  	_ =	shalt  }
0x42: {  	_ =	shalt  }
0x43: {  	_ =	shalt  }
0x44: {  	_ =	shalt  }
0x45: {  	_ =	shalt  }
0x46: {  	_ =	shalt  }
0x47: {  	_ =	shalt  }
0x48: {  	_ =	shalt  }
0x49: {  	_ =	shalt  }
0x4a: {  	_ =	shalt  }
0x4b: {  	_ =	shalt  }
0x4c: {  	_ =	shalt  }
0x4d: {  	_ =	shalt  }
0x4e: {  	_ =	shalt  }
0x4f: {  	_ =	shalt  }
0x50: {  	_ =	shalt  }
0x51: {  	_ =	shalt  }
0x52: {  	_ =	shalt  }
0x53: {  	_ =	shalt  }
0x54: {  	_ =	shalt  }
0x55: {  	_ =	shalt  }
0x56: {  	_ =	shalt  }
0x57: {  	_ =	shalt  }
0x58: {  	_ =	shalt  }
0x59: {  	_ =	shalt  }
0x5a: {  	_ =	shalt  }
0x5b: {  	_ =	shalt  }
0x5c: {  	_ =	shalt  }
0x5d: {  	_ =	shalt  }
0x5e: {  	_ =	shalt  }
0x5f: {  	_ =	shalt  }
0x60: {  	_ =	shalt  }
0x61: {  	_ =	shalt  }
0x62: {  	_ =	shalt  }
0x63: {  	_ =	shalt  }
0x64: {  	_ =	shalt  }
0x65: {  	_ =	shalt  }
0x66: {  	_ =	shalt  }
0x67: {  	_ =	shalt  }
0x68: {  	_ =	shalt  }
0x69: {  	_ =	shalt  }
0x6a: {  	_ =	shalt  }
0x6b: {  	_ =	shalt  }
0x6c: {  	_ =	shalt  }
0x6d: {  	_ =	shalt  }
0x6e: {  	_ =	shalt  }
0x6f: {  	_ =	shalt  }
0x70: {  	_ =	shalt  }
0x71: {  	_ =	shalt  }
0x72: {  	_ =	shalt  }
0x73: {  	_ =	shalt  }
0x74: {  	_ =	shalt  }
0x75: {  	_ =	shalt  }
0x76: {  	_ =	shalt  }
0x77: {  	_ =	shalt  }
0x78: {  	_ =	shalt  }
0x79: {  	_ =	shalt  }
0x7a: {  	_ =	shalt  }
0x7b: {  	_ =	shalt  }
0x7c: {  	_ =	shalt  }
0x7d: {  	_ =	shalt  }
0x7e: {  	_ =	shalt  }
0x7f: {  	_ =	shalt  }
0x80: {  	_ =	shalt  }
0x81: {  	_ =	shalt  }
0x82: {  	_ =	shalt  }
0x83: {  	_ =	shalt  }
0x84: {  	_ =	shalt  }
0x85: {  	_ =	shalt  }
0x86: {  	_ =	shalt  }
0x87: {  	_ =	shalt  }
.Lfunc_end0:
.L_simem_size_0:
called_computation.1_lowered:
.L_overlay_start_0:
0x88: {  	s2 =	sld [smem:$0x3FD9]  }
0x89: {  	s3 =	sld [smem:$0x3FFE];
	_ =	sdelay $0x1  }
0x8a: {  	s1 =	srdreg.scid  }
0x8b: {  	s0 =	sand.u32 $0x1, s1  }
0x8c: {  	s14 =	sshll.u32 s0, $0xA;
	s2 =	sadd.s32 s3, s2  }
0x8d: {  	s2 =	sadd.s32 s2, s14  }
0x8e: {  	[smem:$0x3FC0] =	sst s2  }
0x8f: {  	_ = 	snop  }
0x90: {  	s2 =	sld [smem:$0x3FD0];
	_ =	sdelay $0x2  }
0x91: {  	s4 =	simm.s32 $0xA;
	s5 =	simm.s32 $0x10;
	s15 =	sld [smem:$0x3FC9]  }
0x92: {  	[smem:s5], [sflag:s4] =	dma.local [hbm:s2], $0x1  }
0x93: {  	_ =	swait.eq [sflag:s4], $0x1  }
0x94: {  	[sflag:s4] =	ssyncset.done $0x0  }
0x95: {  	[sflag:s4] =	ssyncadd.s32 $0xFFFFFFFF  }
0x96: {  	s16 =	sld [smem:$0x10];
	(tm) =	ssettm $0x1  }
0x97: {  	s17 =	sld [smem:$0x3FFB];
	_ =	sdelay $0x3  }
0x98: {  	_ =	strace s17  }
0x99: {  	s4 =	sld [smem:$0x3FFC];
	_ =	sdelay $0x3  }
0x9a: {  	_ =	strace s4  }
0x9b: {  	s4 =	sld [smem:$0x3FFD];
	_ =	sdelay $0x3  }
0x9c: {  	_ =	strace s4  }
0x9d: {  	_ =	strace $0x8FFFFFFF  }
0x9e: {  	s18 =	sld [smem:$0x3FDB];
	_ =	sdelay $0x1  }
0x9f: {  	s19 =	simm.s32 $_scs_section_size  }
0xa0: {  	s6 =	simm.s32 $_size__tile_overlayer_lowered;
	s7 =	simm.s32 $_tile_overlayer_lowered  }
0xa1: {  	s22 =	simm.s32 $0x1BFF;
	s21 =	sshll.u32 s7, $0x1;
	s4 =	sadd.s32 s19, s18  }
0xa2: {  	s8 =	simm.s32 $0x0;
	s20 =	sshll.u32 s6, $0x1;
	s6 =	sadd.s32 s21, s4  }
0xa3: {  	[timem:s8], [sflag:s22] =	dma.local [hbm:s6], s20  }
0xa4: {  	_ =	swait.ge [sflag:s22], s20  }
0xa5: {  	s5 =	ssub.s32 $0x0, s20;
	[sflag:s22] =	ssyncset.done $0x0  }
0xa6: {  	[sflag:s22] =	ssyncadd.s32 s5;
	_ =	sdelay $0x1  }
0xa7: {  	s23 =	simm.s32 $0x1B8B  }
0xa8: {  	_ =	swait.ge [sflag:s23], $0x1  }
0xa9: {  	[sflag:s23] =	ssyncset.done $0x0  }
0xaa: {  	s25 =	simm.s32 $0x1B8E;
	s24 =	sld [smem:$0x3FFE];
	[sflag:s23] =	ssyncadd.s32 $0xFFFFFFFF  }
0xab: {  	s26 =	simm.s32 $execute0_lowered;
	[smem:$0x3FD2] =	sst s25  }
0xac: {  	s6 =	sshll.u32 s26, $0x1;
	_ =	strace $0x80000049;
	[dreg:$0x1] =	wrdreg $0xFFFFFFFF  }
0xad: {  	s28 =	simm.s32 $_size_execute0_lowered;
	s4 =	sadd.s32 s4, s6;
	[dreg:$0x0] =	wrdreg $0x0  }
0xae: {  	s6 =	sshll.u32 s28, $0x1;
	[dreg:$0x2] =	wrdreg s4  }
0xaf: {  	[dreg:$0x3] =	wrdreg s6  }
0xb0: {  	[dreg:$0x4] =	wrdreg $0xC0  }
0xb1: {  	_ =	task [dreg:s8], $0x5FFFF  }
0xb2: {  	[dreg:$0x1] =	wrdreg $0xFFFFFFFF  }
0xb3: {  	[dreg:$0x0] =	wrdreg $0x60  }
0xb4: {  	[dreg:$0x2] =	wrdreg s15  }
0xb5: {  	[dreg:$0x3] =	wrdreg s16  }
0xb6: {  	[dreg:$0x4] =	wrdreg s24  }
0xb7: {  	[dreg:$0x5] =	wrdreg $0x9  }
0xb8: {  	_ =	task.clear_ibuf [dreg:s8], $0x6FFFF;
	_ =	strace $0x90000049  }
0xb9: {  	s29 =	simm.s32 $0x9;
	_ =	strace $0x8000004B  }
0xba: {  	_ =	swait.ge [sflag:s29], $0x1  }
0xbb: {  	[sflag:s29] =	ssyncadd.s32 $0xFFFFFFFF  }
0xbc: {  	_ =	strace $0x9000004B  }
0xbd: {  	_ =	sfence  }
0xbe: {  	s30 =	sld [smem:$0x0];
	_ =	sdelay $0x2  }
0xbf: {  	s31 =	sshll.u32 s1, $0xD;
	s1 =	sshrl.u32 s1, $0x2  }
0xc0: {  	s3 =	sand.u32 $0x4000, s31;
	s1 =	sadd.s32 s1, s30  }
0xc1: {  	s0 =	sor.u32 s3, s0;
	s1 =	sshll.u32 s1, $0x11  }
0xc2: {  	s0 =	sor.u32 s1, s0  }
0xc3: {  	s0 =	sadd.s32 $0x8F2B, s0  }
0xc4: {  	[sflag:s0] =	ssyncadd.remote.s32 $0x1  }
0xc5: {  	_ =	sfence.sel $0xFFFF  }
0xc6: {  	[dreg:$0x0] =	wrdreg $0xFFFFFFFF;
	(pc) =	sbr.abs _section_cstart, $3  }
0xc7: {  	[dreg:$0x1] =	wrdreg $0xFFFFFFFF  }
0xc8: {  	_ =	task.clear_ibuf [dreg:s8], $0x2FFFF;
	_ =	strace $0x9FFFFFFF  }
0xc9: {  	(tm) =	ssettm $0x7FFFFFFF  }
tec
execute0_lowered:
.L_overlay_start_1:
0x0: {  	(tag) =	ssettag $0x1  }
0x1: {  	s1 =	rddreg [dreg:$0x0]  }
0x2: {  	s0 =	srdreg.scid;
	s3 =	stileid.u32  }
0x3: {  	s2 =	rddreg [dreg:$0x1];
	s4 =	sand.u32 $0x1, s0;
	s25 =	sshll.u32 s3, $0x1  }
0x4: {  	s5 =	rddreg [dreg:$0x2];
	s6 =	sor.u32 s4, s25  }
0x5: {  	s28 =	simm.s32 $0x2;
	s3 =	simm.s32 $0x0;
	s7 =	smul.u32 $0xA0, s6  }
0x6: {  	s0 =	sadd.s32 $0x11000, s5;
	[smem:$0x7FF] =	sst s3;
	s4 =	ssub.s32 $0x2, s4  }
0x7: {  	_ =	strace $0x8000004A;
	s6 =	smul.u32 $0xA000, s6;
	s8 =	sshrl.u32 s7, $0x3  }
0x8: {  	s9 =	sor.u32 $0x10, s7;
	s31 =	sadd.s32 $0x20, s7;
	s10 =	sadd.s32 $0x30, s7  }
0x9: {  	s12 =	sadd.s32 $0x40, s7;
	s17 =	sadd.s32 $0x50, s7;
	s22 =	sadd.s32 $0x80, s7  }
0xa: {  	s24 =	sadd.s32 s0, s6;
	s26 =	sadd.s32 s2, s8;
	s29 =	sshrl.u32 s9, $0x3  }
0xb: {  	s13 =	sshrl.u32 s31, $0x3;
	s11 =	sshrl.u32 s10, $0x3;
	s15 =	sshrl.u32 s12, $0x3  }
0xc: {  	s18 =	sshrl.u32 s17, $0x3;
	s23 =	sshrl.u32 s22, $0x3;
	[dreg:$0xe] =	wrdreg s24  }
0xd: {  	s25 =	sshll.u32 s9, $0x8;
	s24 =	simm.s32 $0x200;
	[dreg:$0x4] =	wrdreg s26  }
0xe: {  	s6 =	sshll.u32 s12, $0x8;
	s30 =	sadd.s32 s2, s29;
	[dreg:$0x1b] =	wrdreg s24  }
0xf: {  	s9 =	sshll.u32 s17, $0x8;
	s5 =	sadd.s32 s2, s13;
	[dreg:$0x5] =	wrdreg s30  }
0x10: {  	s14 =	sadd.s32 s2, s11;
	s16 =	sadd.s32 s2, s15;
	[dreg:$0x6] =	wrdreg s5  }
0x11: {  	s13 =	sadd.s32 $0x60, s7;
	s15 =	sadd.s32 $0x70, s7;
	[dreg:$0x7] =	wrdreg s14  }
0x12: {  	s7 =	sadd.s32 $0x90, s7;
	s26 =	sadd.s32 s0, s25;
	[dreg:$0x8] =	wrdreg s16  }
0x13: {  	s29 =	sshll.u32 s31, $0x8;
	s8 =	sadd.s32 s0, s6;
	[dreg:$0xf] =	wrdreg s26  }
0x14: {  	s31 =	sshll.u32 s10, $0x8;
	s10 =	sadd.s32 s0, s9;
	[dreg:$0x12] =	wrdreg s8  }
0x15: {  	s6 =	sadd.s32 $0x300, s1;
	s25 =	simm.s32 $0x280;
	[dreg:$0x13] =	wrdreg s10  }
0x16: {  	s9 =	sadd.s32 $0x600, s1;
	s5 =	sadd.s32 s2, s18;
	[dreg:$0x1c] =	wrdreg s25  }
0x17: {  	s24 =	simm.s32 $0x8800;
	s30 =	sadd.s32 s0, s29;
	[dreg:$0x9] =	wrdreg s5  }
0x18: {  	s14 =	sshrl.u32 s13, $0x3;
	s26 =	simm.s32 $0x300;
	[dreg:$0x10] =	wrdreg s30  }
0x19: {  	s20 =	sshrl.u32 s15, $0x3;
	s29 =	simm.s32 $0x380;
	[dreg:$0x1d] =	wrdreg s26  }
0x1a: {  	s16 =	sshrl.u32 s7, $0x3;
	s19 =	sadd.s32 s2, s14;
	[dreg:$0x1e] =	wrdreg s29  }
0x1b: {  	s11 =	sshll.u32 s13, $0x8;
	s21 =	sadd.s32 s2, s20;
	[dreg:$0xa] =	wrdreg s19  }
0x1c: {  	s13 =	sshll.u32 s15, $0x8;
	s5 =	sadd.s32 s2, s23;
	[dreg:$0xb] =	wrdreg s21  }
0x1d: {  	s18 =	sshll.u32 s7, $0x8;
	s2 =	sadd.s32 s2, s16;
	[dreg:$0xc] =	wrdreg s5  }
0x1e: {  	s7 =	sadd.s32 $0x400, s1;
	s12 =	sadd.s32 s0, s11;
	[dreg:$0xd] =	wrdreg s2  }
0x1f: {  	s8 =	sadd.s32 $0x500, s1;
	s15 =	sadd.s32 s0, s13;
	[dreg:$0x14] =	wrdreg s12  }
0x20: {  	s16 =	sshll.u32 s22, $0x8;
	s22 =	simm.s32 $0x100;
	[dreg:$0x15] =	wrdreg s15  }
0x21: {  	s10 =	sadd.s32 $0x700, s1;
	s23 =	simm.s32 $0x180;
	[dreg:$0x19] =	wrdreg s22  }
0x22: {  	s30 =	simm.s32 $0x400;
	s26 =	simm.s32 $0x1;
	[dreg:$0x1a] =	wrdreg s23  }
0x23: {  	s5 =	sadd.s32 s0, s31;
	s17 =	sadd.s32 s0, s16;
	[dreg:$0x1f] =	wrdreg s30  }
0x24: {  	s19 =	sshrl.u32 s4, $0x1;
	s0 =	sadd.s32 s0, s18;
	[dreg:$0x11] =	wrdreg s5  }
0x25: {  	s21 =	simm.s32 $0x80;
	s31 =	simm.s32 $0x480;
	[dreg:$0x16] =	wrdreg s17  }
0x26: {  	v2 =	vlaneseq.u32;
	s12 =	simm.s32 $0x3;
	s20 =	ssub.s32 s4, s19;
	[dreg:$0x17] =	wrdreg s0  }
0x27: {  	vm0 =	vmmov $0xffff;
	v1 =	vshrl.u32 v2, $0x3;
	s4 =	sadd.s32 $0x100, s1;
	[dreg:$0x18] =	wrdreg s21;
	s5 =	sadd.s32 $0x200, s1  }
0x28: {  	v0 =	vand.u32 $0x7, v2;
	v2 =	vor.u32 $0x8, v2;
	v1 =	vmul.u32 $0x8, v1;
	[smem:$0x7FD] =	sst s31;
	s0 =	simm.s32 $0x800;
	s11 =	smax.u32 s20, $0x1  }
.LBB2_1:
0x29: {  	s29 =	rddreg [dreg:$0x4]  }
0x2a: {  	[tilespmem:s3], [sflag:$0x3] =	stream.linear.gather [hbm4b:s29+s3], $0x10, $0x38;
	[tilespmem:$0x10800] =	vst v63  }
0x2b: {  	_ =	swait.ge [sflag:s12], $0x10  }
0x2c: {  	s18 =	rddreg [dreg:$0x5];
	[sflag:s12] =	ssyncset.done $0x0  }
0x2d: {  	s31 =	rddreg [dreg:$0x18];
	[sflag:s12] =	ssyncadd.s32 $0xFFFFFFF0  }
0x2e: {  	[tilespmem:s31], [sflag:$0x3] =	stream.linear.gather [hbm4b:s18+s3], $0x10, $0x38;
	[tilespmem:$0x10800] =	vst v63  }
0x2f: {  	_ =	swait.ge [sflag:s12], $0x10  }
0x30: {  	s19 =	rddreg [dreg:$0x6];
	[sflag:s12] =	ssyncset.done $0x0  }
0x31: {  	s20 =	rddreg [dreg:$0x19];
	[sflag:s12] =	ssyncadd.s32 $0xFFFFFFF0  }
0x32: {  	[tilespmem:s20], [sflag:$0x3] =	stream.linear.gather [hbm4b:s19+s3], $0x10, $0x38;
	[tilespmem:$0x10800] =	vst v63  }
0x33: {  	_ =	swait.ge [sflag:s12], $0x10  }
0x34: {  	s21 =	rddreg [dreg:$0x7];
	[sflag:s12] =	ssyncset.done $0x0  }
0x35: {  	s22 =	rddreg [dreg:$0x1a];
	[sflag:s12] =	ssyncadd.s32 $0xFFFFFFF0  }
0x36: {  	[tilespmem:s22], [sflag:$0x3] =	stream.linear.gather [hbm4b:s21+s3], $0x10, $0x38;
	[tilespmem:$0x10800] =	vst v63  }
0x37: {  	_ =	swait.ge [sflag:s12], $0x10  }
0x38: {  	s23 =	rddreg [dreg:$0x8];
	[sflag:s12] =	ssyncset.done $0x0  }
0x39: {  	s25 =	rddreg [dreg:$0x1b];
	[sflag:s12] =	ssyncadd.s32 $0xFFFFFFF0  }
0x3a: {  	[tilespmem:s25], [sflag:$0x3] =	stream.linear.gather [hbm4b:s23+s3], $0x10, $0x38;
	[tilespmem:$0x10800] =	vst v63  }
0x3b: {  	_ =	swait.ge [sflag:s12], $0x10  }
0x3c: {  	s30 =	rddreg [dreg:$0x9];
	[sflag:s12] =	ssyncset.done $0x0  }
0x3d: {  	s2 =	rddreg [dreg:$0x1c];
	[sflag:s12] =	ssyncadd.s32 $0xFFFFFFF0  }
0x3e: {  	[tilespmem:s2], [sflag:$0x3] =	stream.linear.gather [hbm4b:s30+s3], $0x10, $0x38;
	[tilespmem:$0x10800] =	vst v63  }
0x3f: {  	_ =	swait.ge [sflag:s12], $0x10  }
0x40: {  	s13 =	rddreg [dreg:$0xa];
	[sflag:s12] =	ssyncset.done $0x0  }
0x41: {  	s14 =	rddreg [dreg:$0x1d];
	[sflag:s12] =	ssyncadd.s32 $0xFFFFFFF0  }
0x42: {  	[tilespmem:s14], [sflag:$0x3] =	stream.linear.gather [hbm4b:s13+s3], $0x10, $0x38;
	[tilespmem:$0x10800] =	vst v63  }
0x43: {  	_ =	swait.ge [sflag:s12], $0x10  }
0x44: {  	s15 =	rddreg [dreg:$0xb];
	[sflag:s12] =	ssyncset.done $0x0  }
0x45: {  	s16 =	rddreg [dreg:$0x1e];
	[sflag:s12] =	ssyncadd.s32 $0xFFFFFFF0  }
0x46: {  	[tilespmem:s16], [sflag:$0x3] =	stream.linear.gather [hbm4b:s15+s3], $0x10, $0x38;
	[tilespmem:$0x10800] =	vst v63  }
0x47: {  	_ =	swait.ge [sflag:s12], $0x10  }
0x48: {  	s17 =	rddreg [dreg:$0xc];
	[sflag:s12] =	ssyncset.done $0x0  }
0x49: {  	s18 =	rddreg [dreg:$0x1f];
	[sflag:s12] =	ssyncadd.s32 $0xFFFFFFF0  }
0x4a: {  	[tilespmem:s18], [sflag:$0x3] =	stream.linear.gather [hbm4b:s17+s3], $0x10, $0x38;
	[tilespmem:$0x10800] =	vst v63  }
0x4b: {  	_ =	swait.ge [sflag:s12], $0x10  }
0x4c: {  	s20 =	sld [smem:$0x7FD]  }
0x4d: {  	[sflag:s12] =	ssyncset.done $0x0  }
0x4e: {  	s19 =	rddreg [dreg:$0xd];
	[sflag:s12] =	ssyncadd.s32 $0xFFFFFFF0  }
0x4f: {  	[tilespmem:s20], [sflag:$0x3] =	stream.linear.gather [hbm4b:s19+s3], $0x10, $0x38;
	[tilespmem:$0x10800] =	vst v63  }
0x50: {  	_ =	swait.ge [sflag:s12], $0x10  }
0x51: {  	[sflag:s12] =	ssyncset.done $0x0  }
0x52: {  	[sflag:s12] =	ssyncadd.s32 $0xFFFFFFF0  }
0x53: {  	v3 =	vld [tilespmem:$0x0];
	_ =	sdelay $0x4  }
0x54: {  	v4 =	vshll.u32 v3, $0x4  }
0x55: {  	v3 =	vand.u32 $0x7, v3;
	v4 =	vand.u32 $0xFFFFFF80, v4  }
0x56: {  	v3 =	vor.u32 v3, v4  }
0x57: {  	v4 =	vperm.xlane v3, v0;
	_ =	sdelay $0x1  }
0x58: {  	v4 =	vadd.s32 v1, v4;
	_ =	sdelay $0x4  }
0x59: {  	[tilespmem:s0], [sflag:$0x1] =	stream.indirect_vreg.gather [hbm4b:s1+s3], $0x80, v4, vm0, $0xb8;
	[tilespmem:$0x10800] =	vst v63  }
0x5a: {  	s2 =	simm.s32 $0x1000  }
0x5b: {  	[tilespmem:s2], [sflag:$0x1] =	stream.indirect_vreg.gather [hbm4b:s4+s3], $0x80, v4, vm0, $0xb8;
	[tilespmem:$0x10800] =	vst v63  }
0x5c: {  	s21 =	simm.s32 $0x1800  }
0x5d: {  	[tilespmem:s21], [sflag:$0x1] =	stream.indirect_vreg.gather [hbm4b:s5+s3], $0x80, v4, vm0, $0xb8;
	[tilespmem:$0x10800] =	vst v63  }
0x5e: {  	s22 =	simm.s32 $0x2000  }
0x5f: {  	[tilespmem:s22], [sflag:$0x1] =	stream.indirect_vreg.gather [hbm4b:s6+s3], $0x80, v4, vm0, $0xb8;
	[tilespmem:$0x10800] =	vst v63  }
0x60: {  	s23 =	simm.s32 $0x2800  }
0x61: {  	[tilespmem:s23], [sflag:$0x1] =	stream.indirect_vreg.gather [hbm4b:s7+s3], $0x80, v4, vm0, $0xb8;
	[tilespmem:$0x10800] =	vst v63  }
0x62: {  	s25 =	simm.s32 $0x3000;
	v3 =	vperm.xlane v3, v2  }
0x63: {  	[tilespmem:s25], [sflag:$0x1] =	stream.indirect_vreg.gather [hbm4b:s8+s3], $0x80, v4, vm0, $0xb8;
	[tilespmem:$0x10800] =	vst v63  }
0x64: {  	s29 =	simm.s32 $0x3800;
	v3 =	vadd.s32 v1, v3  }
0x65: {  	[tilespmem:s29], [sflag:$0x1] =	stream.indirect_vreg.gather [hbm4b:s9+s3], $0x80, v4, vm0, $0xb8;
	[tilespmem:$0x10800] =	vst v63  }
0x66: {  	s30 =	simm.s32 $0x4000  }
0x67: {  	[tilespmem:s30], [sflag:$0x1] =	stream.indirect_vreg.gather [hbm4b:s10+s3], $0x80, v4, vm0, $0xb8;
	[tilespmem:$0x10800] =	vst v63  }
0x68: {  	s31 =	simm.s32 $0x4800  }
0x69: {  	[tilespmem:s31], [sflag:$0x1] =	stream.indirect_vreg.gather [hbm4b:s1+s3], $0x80, v3, vm0, $0xb8;
	[tilespmem:$0x10800] =	vst v63  }
0x6a: {  	s13 =	simm.s32 $0x5000  }
0x6b: {  	[tilespmem:s13], [sflag:$0x1] =	stream.indirect_vreg.gather [hbm4b:s4+s3], $0x80, v3, vm0, $0xb8;
	[tilespmem:$0x10800] =	vst v63  }
0x6c: {  	s14 =	simm.s32 $0x5800  }
0x6d: {  	[tilespmem:s14], [sflag:$0x1] =	stream.indirect_vreg.gather [hbm4b:s5+s3], $0x80, v3, vm0, $0xb8;
	[tilespmem:$0x10800] =	vst v63  }
0x6e: {  	s17 =	simm.s32 $0x6000  }
0x6f: {  	[tilespmem:s17], [sflag:$0x1] =	stream.indirect_vreg.gather [hbm4b:s6+s3], $0x80, v3, vm0, $0xb8;
	[tilespmem:$0x10800] =	vst v63  }
0x70: {  	s18 =	simm.s32 $0x6800  }
0x71: {  	[tilespmem:s18], [sflag:$0x1] =	stream.indirect_vreg.gather [hbm4b:s7+s3], $0x80, v3, vm0, $0xb8;
	[tilespmem:$0x10800] =	vst v63  }
0x72: {  	s19 =	simm.s32 $0x7000  }
0x73: {  	[tilespmem:s19], [sflag:$0x1] =	stream.indirect_vreg.gather [hbm4b:s8+s3], $0x80, v3, vm0, $0xb8;
	[tilespmem:$0x10800] =	vst v63  }
0x74: {  	s20 =	simm.s32 $0x7800  }
0x75: {  	[tilespmem:s20], [sflag:$0x1] =	stream.indirect_vreg.gather [hbm4b:s9+s3], $0x80, v3, vm0, $0xb8;
	[tilespmem:$0x10800] =	vst v63  }
0x76: {  	s21 =	simm.s32 $0x8000  }
0x77: {  	[tilespmem:s21], [sflag:$0x1] =	stream.indirect_vreg.gather [hbm4b:s10+s3], $0x80, v3, vm0, $0xb8;
	[tilespmem:$0x10800] =	vst v63  }
0x78: {  	v3 =	vld [tilespmem:$0x80];
	_ =	sdelay $0x4  }
0x79: {  	v55 =	vshll.u32 v3, $0x4  }
0x7a: {  	v3 =	vand.u32 $0x7, v3;
	v4 =	vand.u32 $0xFFFFFF80, v55  }
0x7b: {  	v3 =	vor.u32 v3, v4  }
0x7c: {  	v4 =	vperm.xlane v3, v0;
	_ =	sdelay $0x1  }
0x7d: {  	v4 =	vadd.s32 v1, v4;
	_ =	sdelay $0x4  }
0x7e: {  	[tilespmem:s24], [sflag:$0x2] =	stream.indirect_vreg.gather [hbm4b:s1+s3], $0x80, v4, vm0, $0xb8;
	[tilespmem:$0x10800] =	vst v63  }
0x7f: {  	s22 =	simm.s32 $0x9000  }
0x80: {  	[tilespmem:s22], [sflag:$0x2] =	stream.indirect_vreg.gather [hbm4b:s4+s3], $0x80, v4, vm0, $0xb8;
	[tilespmem:$0x10800] =	vst v63  }
0x81: {  	s23 =	simm.s32 $0x9800  }
0x82: {  	[tilespmem:s23], [sflag:$0x2] =	stream.indirect_vreg.gather [hbm4b:s5+s3], $0x80, v4, vm0, $0xb8;
	[tilespmem:$0x10800] =	vst v63  }
0x83: {  	s25 =	simm.s32 $0xA000  }
0x84: {  	[tilespmem:s25], [sflag:$0x2] =	stream.indirect_vreg.gather [hbm4b:s6+s3], $0x80, v4, vm0, $0xb8;
	[tilespmem:$0x10800] =	vst v63  }
0x85: {  	s30 =	simm.s32 $0xA800  }
0x86: {  	[tilespmem:s30], [sflag:$0x2] =	stream.indirect_vreg.gather [hbm4b:s7+s3], $0x80, v4, vm0, $0xb8;
	[tilespmem:$0x10800] =	vst v63  }
0x87: {  	s31 =	simm.s32 $0xB000;
	v3 =	vperm.xlane v3, v2  }
0x88: {  	[tilespmem:s31], [sflag:$0x2] =	stream.indirect_vreg.gather [hbm4b:s8+s3], $0x80, v4, vm0, $0xb8;
	[tilespmem:$0x10800] =	vst v63  }
0x89: {  	s13 =	simm.s32 $0xB800;
	v3 =	vadd.s32 v1, v3  }
0x8a: {  	[tilespmem:s13], [sflag:$0x2] =	stream.indirect_vreg.gather [hbm4b:s9+s3], $0x80, v4, vm0, $0xb8;
	[tilespmem:$0x10800] =	vst v63  }
0x8b: {  	s14 =	simm.s32 $0xC000  }
0x8c: {  	[tilespmem:s14], [sflag:$0x2] =	stream.indirect_vreg.gather [hbm4b:s10+s3], $0x80, v4, vm0, $0xb8;
	[tilespmem:$0x10800] =	vst v63  }
0x8d: {  	s17 =	simm.s32 $0xC800  }
0x8e: {  	[tilespmem:s17], [sflag:$0x2] =	stream.indirect_vreg.gather [hbm4b:s1+s3], $0x80, v3, vm0, $0xb8;
	[tilespmem:$0x10800] =	vst v63  }
0x8f: {  	s18 =	simm.s32 $0xD000  }
0x90: {  	[tilespmem:s18], [sflag:$0x2] =	stream.indirect_vreg.gather [hbm4b:s4+s3], $0x80, v3, vm0, $0xb8;
	[tilespmem:$0x10800] =	vst v63  }
0x91: {  	s19 =	simm.s32 $0xD800  }
0x92: {  	[tilespmem:s19], [sflag:$0x2] =	stream.indirect_vreg.gather [hbm4b:s5+s3], $0x80, v3, vm0, $0xb8;
	[tilespmem:$0x10800] =	vst v63  }
0x93: {  	s20 =	simm.s32 $0xE000  }
0x94: {  	[tilespmem:s20], [sflag:$0x2] =	stream.indirect_vreg.gather [hbm4b:s6+s3], $0x80, v3, vm0, $0xb8;
	[tilespmem:$0x10800] =	vst v63  }
0x95: {  	s21 =	simm.s32 $0xE800  }
0x96: {  	[tilespmem:s21], [sflag:$0x2] =	stream.indirect_vreg.gather [hbm4b:s7+s3], $0x80, v3, vm0, $0xb8;
	[tilespmem:$0x10800] =	vst v63  }
0x97: {  	s22 =	simm.s32 $0xF000  }
0x98: {  	[tilespmem:s22], [sflag:$0x2] =	stream.indirect_vreg.gather [hbm4b:s8+s3], $0x80, v3, vm0, $0xb8;
	[tilespmem:$0x10800] =	vst v63  }
0x99: {  	s23 =	simm.s32 $0xF800  }
0x9a: {  	[tilespmem:s23], [sflag:$0x2] =	stream.indirect_vreg.gather [hbm4b:s9+s3], $0x80, v3, vm0, $0xb8;
	[tilespmem:$0x10800] =	vst v63  }
0x9b: {  	s25 =	simm.s32 $0x10000  }
0x9c: {  	[tilespmem:s25], [sflag:$0x2] =	stream.indirect_vreg.gather [hbm4b:s10+s3], $0x80, v3, vm0, $0xb8;
	[tilespmem:$0x10800] =	vst v63  }
0x9d: {  	_ =	swait.ge [sflag:s26], $0x8000  }
0x9e: {  	[sflag:s26] =	ssyncset.done $0x0  }
0x9f: {  	s30 =	rddreg [dreg:$0xe];
	[sflag:s26] =	ssyncadd.s32 $0xFFFF8000  }
0xa0: {  	[hbm4b:s30+s3] =	stream.linear.scatter [tilespmem:s0], [sflag:$0x3], $0x8000, $0x38;
	[tilespmem:$0x10800] =	vst v63  }
0xa1: {  	_ =	swait.ge [sflag:s12], $0x8000  }
0xa2: {  	[sflag:s12] =	ssyncset.done $0x0  }
0xa3: {  	[sflag:s12] =	ssyncadd.s32 $0xFFFF8000  }
0xa4: {  	v3 =	vld [tilespmem:$0x100];
	_ =	sdelay $0x4  }
0xa5: {  	v56 =	vshll.u32 v3, $0x4  }
0xa6: {  	v3 =	vand.u32 $0x7, v3;
	v4 =	vand.u32 $0xFFFFFF80, v56  }
0xa7: {  	v3 =	vor.u32 v3, v4  }
0xa8: {  	v4 =	vperm.xlane v3, v0;
	_ =	sdelay $0x1  }
0xa9: {  	v4 =	vadd.s32 v1, v4;
	_ =	sdelay $0x4  }
0xaa: {  	[tilespmem:s0], [sflag:$0x1] =	stream.indirect_vreg.gather [hbm4b:s1+s3], $0x80, v4, vm0, $0xb8;
	[tilespmem:$0x10800] =	vst v63  }
0xab: {  	s30 =	simm.s32 $0x1000  }
0xac: {  	[tilespmem:s30], [sflag:$0x1] =	stream.indirect_vreg.gather [hbm4b:s4+s3], $0x80, v4, vm0, $0xb8;
	[tilespmem:$0x10800] =	vst v63  }
0xad: {  	s13 =	simm.s32 $0x1800  }
0xae: {  	[tilespmem:s13], [sflag:$0x1] =	stream.indirect_vreg.gather [hbm4b:s5+s3], $0x80, v4, vm0, $0xb8;
	[tilespmem:$0x10800] =	vst v63  }
0xaf: {  	s14 =	simm.s32 $0x2000  }
0xb0: {  	[tilespmem:s14], [sflag:$0x1] =	stream.indirect_vreg.gather [hbm4b:s6+s3], $0x80, v4, vm0, $0xb8;
	[tilespmem:$0x10800] =	vst v63  }
0xb1: {  	s15 =	simm.s32 $0x2800  }
0xb2: {  	[tilespmem:s15], [sflag:$0x1] =	stream.indirect_vreg.gather [hbm4b:s7+s3], $0x80, v4, vm0, $0xb8;
	[tilespmem:$0x10800] =	vst v63  }
0xb3: {  	s16 =	simm.s32 $0x3000;
	v3 =	vperm.xlane v3, v2  }
0xb4: {  	[tilespmem:s16], [sflag:$0x1] =	stream.indirect_vreg.gather [hbm4b:s8+s3], $0x80, v4, vm0, $0xb8;
	[tilespmem:$0x10800] =	vst v63  }
0xb5: {  	v3 =	vadd.s32 v1, v3;
	s15 =	simm.s32 $0x3800  }
0xb6: {  	[tilespmem:s15], [sflag:$0x1] =	stream.indirect_vreg.gather [hbm4b:s9+s3], $0x80, v4, vm0, $0xb8;
	[tilespmem:$0x10800] =	vst v63  }
0xb7: {  	s16 =	simm.s32 $0x4000  }
0xb8: {  	[tilespmem:s16], [sflag:$0x1] =	stream.indirect_vreg.gather [hbm4b:s10+s3], $0x80, v4, vm0, $0xb8;
	[tilespmem:$0x10800] =	vst v63  }
0xb9: {  	s17 =	simm.s32 $0x4800  }
0xba: {  	[tilespmem:s17], [sflag:$0x1] =	stream.indirect_vreg.gather [hbm4b:s1+s3], $0x80, v3, vm0, $0xb8;
	[tilespmem:$0x10800] =	vst v63  }
0xbb: {  	s18 =	simm.s32 $0x5000  }
0xbc: {  	[tilespmem:s18], [sflag:$0x1] =	stream.indirect_vreg.gather [hbm4b:s4+s3], $0x80, v3, vm0, $0xb8;
	[tilespmem:$0x10800] =	vst v63  }
0xbd: {  	s19 =	simm.s32 $0x5800  }
0xbe: {  	[tilespmem:s19], [sflag:$0x1] =	stream.indirect_vreg.gather [hbm4b:s5+s3], $0x80, v3, vm0, $0xb8;
	[tilespmem:$0x10800] =	vst v63  }
0xbf: {  	s20 =	simm.s32 $0x6000  }
0xc0: {  	[tilespmem:s20], [sflag:$0x1] =	stream.indirect_vreg.gather [hbm4b:s6+s3], $0x80, v3, vm0, $0xb8;
	[tilespmem:$0x10800] =	vst v63  }
0xc1: {  	s21 =	simm.s32 $0x6800  }
0xc2: {  	[tilespmem:s21], [sflag:$0x1] =	stream.indirect_vreg.gather [hbm4b:s7+s3], $0x80, v3, vm0, $0xb8;
	[tilespmem:$0x10800] =	vst v63  }
0xc3: {  	s22 =	simm.s32 $0x7000  }
0xc4: {  	[tilespmem:s22], [sflag:$0x1] =	stream.indirect_vreg.gather [hbm4b:s8+s3], $0x80, v3, vm0, $0xb8;
	[tilespmem:$0x10800] =	vst v63  }
0xc5: {  	s23 =	simm.s32 $0x7800  }
0xc6: {  	[tilespmem:s23], [sflag:$0x1] =	stream.indirect_vreg.gather [hbm4b:s9+s3], $0x80, v3, vm0, $0xb8;
	[tilespmem:$0x10800] =	vst v63  }
0xc7: {  	s2 =	simm.s32 $0x8000  }
0xc8: {  	[tilespmem:s2], [sflag:$0x1] =	stream.indirect_vreg.gather [hbm4b:s10+s3], $0x80, v3, vm0, $0xb8;
	[tilespmem:$0x10800] =	vst v63  }
0xc9: {  	_ =	swait.ge [sflag:s28], $0x8000  }
0xca: {  	[sflag:s28] =	ssyncset.done $0x0  }
0xcb: {  	s2 =	rddreg [dreg:$0xf];
	[sflag:s28] =	ssyncadd.s32 $0xFFFF8000  }
0xcc: {  	[hbm4b:s2+s3] =	stream.linear.scatter [tilespmem:s24], [sflag:$0x3], $0x8000, $0x38;
	[tilespmem:$0x10800] =	vst v63  }
0xcd: {  	_ =	swait.ge [sflag:s12], $0x8000  }
0xce: {  	[sflag:s12] =	ssyncset.done $0x0  }
0xcf: {  	[sflag:s12] =	ssyncadd.s32 $0xFFFF8000  }
0xd0: {  	v3 =	vld [tilespmem:$0x180];
	_ =	sdelay $0x4  }
0xd1: {  	v57 =	vshll.u32 v3, $0x4  }
0xd2: {  	v3 =	vand.u32 $0x7, v3;
	v4 =	vand.u32 $0xFFFFFF80, v57  }
0xd3: {  	v3 =	vor.u32 v3, v4  }
0xd4: {  	v4 =	vperm.xlane v3, v0;
	_ =	sdelay $0x1  }
0xd5: {  	v4 =	vadd.s32 v1, v4;
	_ =	sdelay $0x4  }
0xd6: {  	[tilespmem:s24], [sflag:$0x2] =	stream.indirect_vreg.gather [hbm4b:s1+s3], $0x80, v4, vm0, $0xb8;
	[tilespmem:$0x10800] =	vst v63  }
0xd7: {  	s29 =	simm.s32 $0x9000  }
0xd8: {  	[tilespmem:s29], [sflag:$0x2] =	stream.indirect_vreg.gather [hbm4b:s4+s3], $0x80, v4, vm0, $0xb8;
	[tilespmem:$0x10800] =	vst v63  }
0xd9: {  	s29 =	simm.s32 $0x9800  }
0xda: {  	[tilespmem:s29], [sflag:$0x2] =	stream.indirect_vreg.gather [hbm4b:s5+s3], $0x80, v4, vm0, $0xb8;
	[tilespmem:$0x10800] =	vst v63  }
0xdb: {  	s29 =	simm.s32 $0xA000  }
0xdc: {  	[tilespmem:s29], [sflag:$0x2] =	stream.indirect_vreg.gather [hbm4b:s6+s3], $0x80, v4, vm0, $0xb8;
	[tilespmem:$0x10800] =	vst v63  }
0xdd: {  	s29 =	simm.s32 $0xA800  }
0xde: {  	[tilespmem:s29], [sflag:$0x2] =	stream.indirect_vreg.gather [hbm4b:s7+s3], $0x80, v4, vm0, $0xb8;
	[tilespmem:$0x10800] =	vst v63  }
0xdf: {  	s31 =	simm.s32 $0xB000;
	v3 =	vperm.xlane v3, v2  }
0xe0: {  	[tilespmem:s31], [sflag:$0x2] =	stream.indirect_vreg.gather [hbm4b:s8+s3], $0x80, v4, vm0, $0xb8;
	[tilespmem:$0x10800] =	vst v63  }
0xe1: {  	v3 =	vadd.s32 v1, v3;
	s31 =	simm.s32 $0xB800  }
0xe2: {  	[tilespmem:s31], [sflag:$0x2] =	stream.indirect_vreg.gather [hbm4b:s9+s3], $0x80, v4, vm0, $0xb8;
	[tilespmem:$0x10800] =	vst v63  }
0xe3: {  	s29 =	simm.s32 $0xC000  }
0xe4: {  	[tilespmem:s29], [sflag:$0x2] =	stream.indirect_vreg.gather [hbm4b:s10+s3], $0x80, v4, vm0, $0xb8;
	[tilespmem:$0x10800] =	vst v63  }
0xe5: {  	s29 =	simm.s32 $0xC800  }
0xe6: {  	[tilespmem:s29], [sflag:$0x2] =	stream.indirect_vreg.gather [hbm4b:s1+s3], $0x80, v3, vm0, $0xb8;
	[tilespmem:$0x10800] =	vst v63  }
0xe7: {  	s29 =	simm.s32 $0xD000  }
0xe8: {  	[tilespmem:s29], [sflag:$0x2] =	stream.indirect_vreg.gather [hbm4b:s4+s3], $0x80, v3, vm0, $0xb8;
	[tilespmem:$0x10800] =	vst v63  }
0xe9: {  	s29 =	simm.s32 $0xD800  }
0xea: {  	[tilespmem:s29], [sflag:$0x2] =	stream.indirect_vreg.gather [hbm4b:s5+s3], $0x80, v3, vm0, $0xb8;
	[tilespmem:$0x10800] =	vst v63  }
0xeb: {  	s29 =	simm.s32 $0xE000  }
0xec: {  	[tilespmem:s29], [sflag:$0x2] =	stream.indirect_vreg.gather [hbm4b:s6+s3], $0x80, v3, vm0, $0xb8;
	[tilespmem:$0x10800] =	vst v63  }
0xed: {  	s29 =	simm.s32 $0xE800  }
0xee: {  	[tilespmem:s29], [sflag:$0x2] =	stream.indirect_vreg.gather [hbm4b:s7+s3], $0x80, v3, vm0, $0xb8;
	[tilespmem:$0x10800] =	vst v63  }
0xef: {  	s29 =	simm.s32 $0xF000  }
0xf0: {  	[tilespmem:s29], [sflag:$0x2] =	stream.indirect_vreg.gather [hbm4b:s8+s3], $0x80, v3, vm0, $0xb8;
	[tilespmem:$0x10800] =	vst v63  }
0xf1: {  	s29 =	simm.s32 $0xF800  }
0xf2: {  	[tilespmem:s29], [sflag:$0x2] =	stream.indirect_vreg.gather [hbm4b:s9+s3], $0x80, v3, vm0, $0xb8;
	[tilespmem:$0x10800] =	vst v63  }
0xf3: {  	s25 =	simm.s32 $0x10000  }
0xf4: {  	[tilespmem:s25], [sflag:$0x2] =	stream.indirect_vreg.gather [hbm4b:s10+s3], $0x80, v3, vm0, $0xb8;
	[tilespmem:$0x10800] =	vst v63  }
0xf5: {  	_ =	swait.ge [sflag:s26], $0x8000  }
0xf6: {  	[sflag:s26] =	ssyncset.done $0x0  }
0xf7: {  	s29 =	rddreg [dreg:$0x10];
	[sflag:s26] =	ssyncadd.s32 $0xFFFF8000  }
0xf8: {  	[hbm4b:s29+s3] =	stream.linear.scatter [tilespmem:s0], [sflag:$0x3], $0x8000, $0x38;
	[tilespmem:$0x10800] =	vst v63  }
0xf9: {  	_ =	swait.ge [sflag:s12], $0x8000  }
0xfa: {  	[sflag:s12] =	ssyncset.done $0x0  }
0xfb: {  	[sflag:s12] =	ssyncadd.s32 $0xFFFF8000  }
0xfc: {  	v3 =	vld [tilespmem:$0x200];
	_ =	sdelay $0x4  }
0xfd: {  	v58 =	vshll.u32 v3, $0x4  }
0xfe: {  	v3 =	vand.u32 $0x7, v3;
	v4 =	vand.u32 $0xFFFFFF80, v58  }
0xff: {  	v3 =	vor.u32 v3, v4  }
0x100: {  	v4 =	vperm.xlane v3, v0;
	_ =	sdelay $0x1  }
0x101: {  	v4 =	vadd.s32 v1, v4;
	_ =	sdelay $0x4  }
0x102: {  	[tilespmem:s0], [sflag:$0x1] =	stream.indirect_vreg.gather [hbm4b:s1+s3], $0x80, v4, vm0, $0xb8;
	[tilespmem:$0x10800] =	vst v63  }
0x103: {  	_ = 	snop  }
0x104: {  	[tilespmem:s30], [sflag:$0x1] =	stream.indirect_vreg.gather [hbm4b:s4+s3], $0x80, v4, vm0, $0xb8;
	[tilespmem:$0x10800] =	vst v63  }
0x105: {  	_ = 	snop  }
0x106: {  	[tilespmem:s13], [sflag:$0x1] =	stream.indirect_vreg.gather [hbm4b:s5+s3], $0x80, v4, vm0, $0xb8;
	[tilespmem:$0x10800] =	vst v63  }
0x107: {  	_ = 	snop  }
0x108: {  	[tilespmem:s14], [sflag:$0x1] =	stream.indirect_vreg.gather [hbm4b:s6+s3], $0x80, v4, vm0, $0xb8;
	[tilespmem:$0x10800] =	vst v63  }
0x109: {  	s30 =	simm.s32 $0x2800  }
0x10a: {  	[tilespmem:s30], [sflag:$0x1] =	stream.indirect_vreg.gather [hbm4b:s7+s3], $0x80, v4, vm0, $0xb8;
	[tilespmem:$0x10800] =	vst v63  }
0x10b: {  	v3 =	vperm.xlane v3, v2;
	s30 =	simm.s32 $0x3000  }
0x10c: {  	[tilespmem:s30], [sflag:$0x1] =	stream.indirect_vreg.gather [hbm4b:s8+s3], $0x80, v4, vm0, $0xb8;
	[tilespmem:$0x10800] =	vst v63  }
0x10d: {  	v3 =	vadd.s32 v1, v3  }
0x10e: {  	[tilespmem:s15], [sflag:$0x1] =	stream.indirect_vreg.gather [hbm4b:s9+s3], $0x80, v4, vm0, $0xb8;
	[tilespmem:$0x10800] =	vst v63  }
0x10f: {  	_ = 	snop  }
0x110: {  	[tilespmem:s16], [sflag:$0x1] =	stream.indirect_vreg.gather [hbm4b:s10+s3], $0x80, v4, vm0, $0xb8;
	[tilespmem:$0x10800] =	vst v63  }
0x111: {  	_ = 	snop  }
0x112: {  	[tilespmem:s17], [sflag:$0x1] =	stream.indirect_vreg.gather [hbm4b:s1+s3], $0x80, v3, vm0, $0xb8;
	[tilespmem:$0x10800] =	vst v63  }
0x113: {  	_ = 	snop  }
0x114: {  	[tilespmem:s18], [sflag:$0x1] =	stream.indirect_vreg.gather [hbm4b:s4+s3], $0x80, v3, vm0, $0xb8;
	[tilespmem:$0x10800] =	vst v63  }
0x115: {  	_ = 	snop  }
0x116: {  	[tilespmem:s19], [sflag:$0x1] =	stream.indirect_vreg.gather [hbm4b:s5+s3], $0x80, v3, vm0, $0xb8;
	[tilespmem:$0x10800] =	vst v63  }
0x117: {  	_ = 	snop  }
0x118: {  	[tilespmem:s20], [sflag:$0x1] =	stream.indirect_vreg.gather [hbm4b:s6+s3], $0x80, v3, vm0, $0xb8;
	[tilespmem:$0x10800] =	vst v63  }
0x119: {  	_ = 	snop  }
0x11a: {  	[tilespmem:s21], [sflag:$0x1] =	stream.indirect_vreg.gather [hbm4b:s7+s3], $0x80, v3, vm0, $0xb8;
	[tilespmem:$0x10800] =	vst v63  }
0x11b: {  	_ = 	snop  }
0x11c: {  	[tilespmem:s22], [sflag:$0x1] =	stream.indirect_vreg.gather [hbm4b:s8+s3], $0x80, v3, vm0, $0xb8;
	[tilespmem:$0x10800] =	vst v63  }
0x11d: {  	_ = 	snop  }
0x11e: {  	[tilespmem:s23], [sflag:$0x1] =	stream.indirect_vreg.gather [hbm4b:s9+s3], $0x80, v3, vm0, $0xb8;
	[tilespmem:$0x10800] =	vst v63  }
0x11f: {  	s29 =	simm.s32 $0x8000  }
0x120: {  	[tilespmem:s29], [sflag:$0x1] =	stream.indirect_vreg.gather [hbm4b:s10+s3], $0x80, v3, vm0, $0xb8;
	[tilespmem:$0x10800] =	vst v63  }
0x121: {  	_ =	swait.ge [sflag:s28], $0x8000  }
0x122: {  	[sflag:s28] =	ssyncset.done $0x0  }
0x123: {  	s23 =	rddreg [dreg:$0x11];
	[sflag:s28] =	ssyncadd.s32 $0xFFFF8000  }
0x124: {  	[hbm4b:s23+s3] =	stream.linear.scatter [tilespmem:s24], [sflag:$0x3], $0x8000, $0x38;
	[tilespmem:$0x10800] =	vst v63  }
0x125: {  	_ =	swait.ge [sflag:s12], $0x8000  }
0x126: {  	[sflag:s12] =	ssyncset.done $0x0  }
0x127: {  	[sflag:s12] =	ssyncadd.s32 $0xFFFF8000  }
0x128: {  	v3 =	vld [tilespmem:$0x280];
	_ =	sdelay $0x4  }
0x129: {  	v59 =	vshll.u32 v3, $0x4  }
0x12a: {  	v3 =	vand.u32 $0x7, v3;
	v4 =	vand.u32 $0xFFFFFF80, v59  }
0x12b: {  	v3 =	vor.u32 v3, v4  }
0x12c: {  	v4 =	vperm.xlane v3, v0;
	_ =	sdelay $0x1  }
0x12d: {  	v4 =	vadd.s32 v1, v4;
	_ =	sdelay $0x4  }
0x12e: {  	[tilespmem:s24], [sflag:$0x2] =	stream.indirect_vreg.gather [hbm4b:s1+s3], $0x80, v4, vm0, $0xb8;
	[tilespmem:$0x10800] =	vst v63  }
0x12f: {  	s2 =	simm.s32 $0x9000  }
0x130: {  	[tilespmem:s2], [sflag:$0x2] =	stream.indirect_vreg.gather [hbm4b:s4+s3], $0x80, v4, vm0, $0xb8;
	[tilespmem:$0x10800] =	vst v63  }
0x131: {  	s29 =	simm.s32 $0x9800  }
0x132: {  	[tilespmem:s29], [sflag:$0x2] =	stream.indirect_vreg.gather [hbm4b:s5+s3], $0x80, v4, vm0, $0xb8;
	[tilespmem:$0x10800] =	vst v63  }
0x133: {  	s29 =	simm.s32 $0xA000  }
0x134: {  	[tilespmem:s29], [sflag:$0x2] =	stream.indirect_vreg.gather [hbm4b:s6+s3], $0x80, v4, vm0, $0xb8;
	[tilespmem:$0x10800] =	vst v63  }
0x135: {  	s29 =	simm.s32 $0xA800  }
0x136: {  	[tilespmem:s29], [sflag:$0x2] =	stream.indirect_vreg.gather [hbm4b:s7+s3], $0x80, v4, vm0, $0xb8;
	[tilespmem:$0x10800] =	vst v63  }
0x137: {  	v3 =	vperm.xlane v3, v2;
	s29 =	simm.s32 $0xB000  }
0x138: {  	[tilespmem:s29], [sflag:$0x2] =	stream.indirect_vreg.gather [hbm4b:s8+s3], $0x80, v4, vm0, $0xb8;
	[tilespmem:$0x10800] =	vst v63  }
0x139: {  	s31 =	simm.s32 $0xB800;
	v3 =	vadd.s32 v1, v3  }
0x13a: {  	[tilespmem:s31], [sflag:$0x2] =	stream.indirect_vreg.gather [hbm4b:s9+s3], $0x80, v4, vm0, $0xb8;
	[tilespmem:$0x10800] =	vst v63  }
0x13b: {  	s31 =	simm.s32 $0xC000  }
0x13c: {  	[tilespmem:s31], [sflag:$0x2] =	stream.indirect_vreg.gather [hbm4b:s10+s3], $0x80, v4, vm0, $0xb8;
	[tilespmem:$0x10800] =	vst v63  }
0x13d: {  	s31 =	simm.s32 $0xC800  }
0x13e: {  	[tilespmem:s31], [sflag:$0x2] =	stream.indirect_vreg.gather [hbm4b:s1+s3], $0x80, v3, vm0, $0xb8;
	[tilespmem:$0x10800] =	vst v63  }
0x13f: {  	s31 =	simm.s32 $0xD000  }
0x140: {  	[tilespmem:s31], [sflag:$0x2] =	stream.indirect_vreg.gather [hbm4b:s4+s3], $0x80, v3, vm0, $0xb8;
	[tilespmem:$0x10800] =	vst v63  }
0x141: {  	s31 =	simm.s32 $0xD800  }
0x142: {  	[tilespmem:s31], [sflag:$0x2] =	stream.indirect_vreg.gather [hbm4b:s5+s3], $0x80, v3, vm0, $0xb8;
	[tilespmem:$0x10800] =	vst v63  }
0x143: {  	s31 =	simm.s32 $0xE000  }
0x144: {  	[tilespmem:s31], [sflag:$0x2] =	stream.indirect_vreg.gather [hbm4b:s6+s3], $0x80, v3, vm0, $0xb8;
	[tilespmem:$0x10800] =	vst v63  }
0x145: {  	s31 =	simm.s32 $0xE800  }
0x146: {  	[tilespmem:s31], [sflag:$0x2] =	stream.indirect_vreg.gather [hbm4b:s7+s3], $0x80, v3, vm0, $0xb8;
	[tilespmem:$0x10800] =	vst v63  }
0x147: {  	s31 =	simm.s32 $0xF000  }
0x148: {  	[tilespmem:s31], [sflag:$0x2] =	stream.indirect_vreg.gather [hbm4b:s8+s3], $0x80, v3, vm0, $0xb8;
	[tilespmem:$0x10800] =	vst v63  }
0x149: {  	s31 =	simm.s32 $0xF800  }
0x14a: {  	[tilespmem:s31], [sflag:$0x2] =	stream.indirect_vreg.gather [hbm4b:s9+s3], $0x80, v3, vm0, $0xb8;
	[tilespmem:$0x10800] =	vst v63  }
0x14b: {  	s25 =	simm.s32 $0x10000  }
0x14c: {  	[tilespmem:s25], [sflag:$0x2] =	stream.indirect_vreg.gather [hbm4b:s10+s3], $0x80, v3, vm0, $0xb8;
	[tilespmem:$0x10800] =	vst v63  }
0x14d: {  	_ =	swait.ge [sflag:s26], $0x8000  }
0x14e: {  	[sflag:s26] =	ssyncset.done $0x0  }
0x14f: {  	s25 =	rddreg [dreg:$0x12];
	[sflag:s26] =	ssyncadd.s32 $0xFFFF8000  }
0x150: {  	[hbm4b:s25+s3] =	stream.linear.scatter [tilespmem:s0], [sflag:$0x3], $0x8000, $0x38;
	[tilespmem:$0x10800] =	vst v63  }
0x151: {  	_ =	swait.ge [sflag:s12], $0x8000  }
0x152: {  	[sflag:s12] =	ssyncset.done $0x0  }
0x153: {  	[sflag:s12] =	ssyncadd.s32 $0xFFFF8000  }
0x154: {  	v3 =	vld [tilespmem:$0x300];
	_ =	sdelay $0x4  }
0x155: {  	v60 =	vshll.u32 v3, $0x4  }
0x156: {  	v3 =	vand.u32 $0x7, v3;
	v4 =	vand.u32 $0xFFFFFF80, v60  }
0x157: {  	v3 =	vor.u32 v3, v4  }
0x158: {  	v4 =	vperm.xlane v3, v0;
	_ =	sdelay $0x1  }
0x159: {  	v4 =	vadd.s32 v1, v4;
	_ =	sdelay $0x4  }
0x15a: {  	[tilespmem:s0], [sflag:$0x1] =	stream.indirect_vreg.gather [hbm4b:s1+s3], $0x80, v4, vm0, $0xb8;
	[tilespmem:$0x10800] =	vst v63  }
0x15b: {  	s31 =	simm.s32 $0x1000  }
0x15c: {  	[tilespmem:s31], [sflag:$0x1] =	stream.indirect_vreg.gather [hbm4b:s4+s3], $0x80, v4, vm0, $0xb8;
	[tilespmem:$0x10800] =	vst v63  }
0x15d: {  	s13 =	simm.s32 $0x1800  }
0x15e: {  	[tilespmem:s13], [sflag:$0x1] =	stream.indirect_vreg.gather [hbm4b:s5+s3], $0x80, v4, vm0, $0xb8;
	[tilespmem:$0x10800] =	vst v63  }
0x15f: {  	s14 =	simm.s32 $0x2000  }
0x160: {  	[tilespmem:s14], [sflag:$0x1] =	stream.indirect_vreg.gather [hbm4b:s6+s3], $0x80, v4, vm0, $0xb8;
	[tilespmem:$0x10800] =	vst v63  }
0x161: {  	s29 =	simm.s32 $0x2800  }
0x162: {  	[tilespmem:s29], [sflag:$0x1] =	stream.indirect_vreg.gather [hbm4b:s7+s3], $0x80, v4, vm0, $0xb8;
	[tilespmem:$0x10800] =	vst v63  }
0x163: {  	v3 =	vperm.xlane v3, v2;
	s29 =	simm.s32 $0x3000  }
0x164: {  	[tilespmem:s29], [sflag:$0x1] =	stream.indirect_vreg.gather [hbm4b:s8+s3], $0x80, v4, vm0, $0xb8;
	[tilespmem:$0x10800] =	vst v63  }
0x165: {  	s15 =	simm.s32 $0x3800;
	v3 =	vadd.s32 v1, v3  }
0x166: {  	[tilespmem:s15], [sflag:$0x1] =	stream.indirect_vreg.gather [hbm4b:s9+s3], $0x80, v4, vm0, $0xb8;
	[tilespmem:$0x10800] =	vst v63  }
0x167: {  	s16 =	simm.s32 $0x4000  }
0x168: {  	[tilespmem:s16], [sflag:$0x1] =	stream.indirect_vreg.gather [hbm4b:s10+s3], $0x80, v4, vm0, $0xb8;
	[tilespmem:$0x10800] =	vst v63  }
0x169: {  	s17 =	simm.s32 $0x4800  }
0x16a: {  	[tilespmem:s17], [sflag:$0x1] =	stream.indirect_vreg.gather [hbm4b:s1+s3], $0x80, v3, vm0, $0xb8;
	[tilespmem:$0x10800] =	vst v63  }
0x16b: {  	s18 =	simm.s32 $0x5000  }
0x16c: {  	[tilespmem:s18], [sflag:$0x1] =	stream.indirect_vreg.gather [hbm4b:s4+s3], $0x80, v3, vm0, $0xb8;
	[tilespmem:$0x10800] =	vst v63  }
0x16d: {  	s19 =	simm.s32 $0x5800  }
0x16e: {  	[tilespmem:s19], [sflag:$0x1] =	stream.indirect_vreg.gather [hbm4b:s5+s3], $0x80, v3, vm0, $0xb8;
	[tilespmem:$0x10800] =	vst v63  }
0x16f: {  	s20 =	simm.s32 $0x6000  }
0x170: {  	[tilespmem:s20], [sflag:$0x1] =	stream.indirect_vreg.gather [hbm4b:s6+s3], $0x80, v3, vm0, $0xb8;
	[tilespmem:$0x10800] =	vst v63  }
0x171: {  	s21 =	simm.s32 $0x6800  }
0x172: {  	[tilespmem:s21], [sflag:$0x1] =	stream.indirect_vreg.gather [hbm4b:s7+s3], $0x80, v3, vm0, $0xb8;
	[tilespmem:$0x10800] =	vst v63  }
0x173: {  	s22 =	simm.s32 $0x7000  }
0x174: {  	[tilespmem:s22], [sflag:$0x1] =	stream.indirect_vreg.gather [hbm4b:s8+s3], $0x80, v3, vm0, $0xb8;
	[tilespmem:$0x10800] =	vst v63  }
0x175: {  	s30 =	simm.s32 $0x7800  }
0x176: {  	[tilespmem:s30], [sflag:$0x1] =	stream.indirect_vreg.gather [hbm4b:s9+s3], $0x80, v3, vm0, $0xb8;
	[tilespmem:$0x10800] =	vst v63  }
0x177: {  	s29 =	simm.s32 $0x8000  }
0x178: {  	[tilespmem:s29], [sflag:$0x1] =	stream.indirect_vreg.gather [hbm4b:s10+s3], $0x80, v3, vm0, $0xb8;
	[tilespmem:$0x10800] =	vst v63  }
0x179: {  	_ =	swait.ge [sflag:s28], $0x8000  }
0x17a: {  	[sflag:s28] =	ssyncset.done $0x0  }
0x17b: {  	s22 =	rddreg [dreg:$0x13];
	[sflag:s28] =	ssyncadd.s32 $0xFFFF8000  }
0x17c: {  	[hbm4b:s22+s3] =	stream.linear.scatter [tilespmem:s24], [sflag:$0x3], $0x8000, $0x38;
	[tilespmem:$0x10800] =	vst v63  }
0x17d: {  	_ =	swait.ge [sflag:s12], $0x8000  }
0x17e: {  	[sflag:s12] =	ssyncset.done $0x0  }
0x17f: {  	[sflag:s12] =	ssyncadd.s32 $0xFFFF8000  }
0x180: {  	v3 =	vld [tilespmem:$0x380];
	_ =	sdelay $0x4  }
0x181: {  	v61 =	vshll.u32 v3, $0x4  }
0x182: {  	v3 =	vand.u32 $0x7, v3;
	v4 =	vand.u32 $0xFFFFFF80, v61  }
0x183: {  	v3 =	vor.u32 v3, v4  }
0x184: {  	v4 =	vperm.xlane v3, v0;
	_ =	sdelay $0x1  }
0x185: {  	v4 =	vadd.s32 v1, v4;
	_ =	sdelay $0x4  }
0x186: {  	[tilespmem:s24], [sflag:$0x2] =	stream.indirect_vreg.gather [hbm4b:s1+s3], $0x80, v4, vm0, $0xb8;
	[tilespmem:$0x10800] =	vst v63  }
0x187: {  	s2 =	simm.s32 $0x9000  }
0x188: {  	[tilespmem:s2], [sflag:$0x2] =	stream.indirect_vreg.gather [hbm4b:s4+s3], $0x80, v4, vm0, $0xb8;
	[tilespmem:$0x10800] =	vst v63  }
0x189: {  	s23 =	simm.s32 $0x9800  }
0x18a: {  	[tilespmem:s23], [sflag:$0x2] =	stream.indirect_vreg.gather [hbm4b:s5+s3], $0x80, v4, vm0, $0xb8;
	[tilespmem:$0x10800] =	vst v63  }
0x18b: {  	s29 =	simm.s32 $0xA000  }
0x18c: {  	[tilespmem:s29], [sflag:$0x2] =	stream.indirect_vreg.gather [hbm4b:s6+s3], $0x80, v4, vm0, $0xb8;
	[tilespmem:$0x10800] =	vst v63  }
0x18d: {  	s29 =	simm.s32 $0xA800  }
0x18e: {  	[tilespmem:s29], [sflag:$0x2] =	stream.indirect_vreg.gather [hbm4b:s7+s3], $0x80, v4, vm0, $0xb8;
	[tilespmem:$0x10800] =	vst v63  }
0x18f: {  	v3 =	vperm.xlane v3, v2;
	s29 =	simm.s32 $0xB000  }
0x190: {  	[tilespmem:s29], [sflag:$0x2] =	stream.indirect_vreg.gather [hbm4b:s8+s3], $0x80, v4, vm0, $0xb8;
	[tilespmem:$0x10800] =	vst v63  }
0x191: {  	v3 =	vadd.s32 v1, v3;
	s29 =	simm.s32 $0xB800  }
0x192: {  	[tilespmem:s29], [sflag:$0x2] =	stream.indirect_vreg.gather [hbm4b:s9+s3], $0x80, v4, vm0, $0xb8;
	[tilespmem:$0x10800] =	vst v63  }
0x193: {  	s29 =	simm.s32 $0xC000  }
0x194: {  	[tilespmem:s29], [sflag:$0x2] =	stream.indirect_vreg.gather [hbm4b:s10+s3], $0x80, v4, vm0, $0xb8;
	[tilespmem:$0x10800] =	vst v63  }
0x195: {  	s29 =	simm.s32 $0xC800  }
0x196: {  	[tilespmem:s29], [sflag:$0x2] =	stream.indirect_vreg.gather [hbm4b:s1+s3], $0x80, v3, vm0, $0xb8;
	[tilespmem:$0x10800] =	vst v63  }
0x197: {  	s29 =	simm.s32 $0xD000  }
0x198: {  	[tilespmem:s29], [sflag:$0x2] =	stream.indirect_vreg.gather [hbm4b:s4+s3], $0x80, v3, vm0, $0xb8;
	[tilespmem:$0x10800] =	vst v63  }
0x199: {  	s29 =	simm.s32 $0xD800  }
0x19a: {  	[tilespmem:s29], [sflag:$0x2] =	stream.indirect_vreg.gather [hbm4b:s5+s3], $0x80, v3, vm0, $0xb8;
	[tilespmem:$0x10800] =	vst v63  }
0x19b: {  	s29 =	simm.s32 $0xE000  }
0x19c: {  	[tilespmem:s29], [sflag:$0x2] =	stream.indirect_vreg.gather [hbm4b:s6+s3], $0x80, v3, vm0, $0xb8;
	[tilespmem:$0x10800] =	vst v63  }
0x19d: {  	s29 =	simm.s32 $0xE800  }
0x19e: {  	[tilespmem:s29], [sflag:$0x2] =	stream.indirect_vreg.gather [hbm4b:s7+s3], $0x80, v3, vm0, $0xb8;
	[tilespmem:$0x10800] =	vst v63  }
0x19f: {  	s29 =	simm.s32 $0xF000  }
0x1a0: {  	[tilespmem:s29], [sflag:$0x2] =	stream.indirect_vreg.gather [hbm4b:s8+s3], $0x80, v3, vm0, $0xb8;
	[tilespmem:$0x10800] =	vst v63  }
0x1a1: {  	s29 =	simm.s32 $0xF800  }
0x1a2: {  	[tilespmem:s29], [sflag:$0x2] =	stream.indirect_vreg.gather [hbm4b:s9+s3], $0x80, v3, vm0, $0xb8;
	[tilespmem:$0x10800] =	vst v63  }
0x1a3: {  	s29 =	simm.s32 $0x10000  }
0x1a4: {  	[tilespmem:s29], [sflag:$0x2] =	stream.indirect_vreg.gather [hbm4b:s10+s3], $0x80, v3, vm0, $0xb8;
	[tilespmem:$0x10800] =	vst v63  }
0x1a5: {  	_ =	swait.ge [sflag:s26], $0x8000  }
0x1a6: {  	[sflag:s26] =	ssyncset.done $0x0  }
0x1a7: {  	s29 =	rddreg [dreg:$0x14];
	[sflag:s26] =	ssyncadd.s32 $0xFFFF8000  }
0x1a8: {  	[hbm4b:s29+s3] =	stream.linear.scatter [tilespmem:s0], [sflag:$0x3], $0x8000, $0x38;
	[tilespmem:$0x10800] =	vst v63  }
0x1a9: {  	_ =	swait.ge [sflag:s12], $0x8000  }
0x1aa: {  	[sflag:s12] =	ssyncset.done $0x0  }
0x1ab: {  	[sflag:s12] =	ssyncadd.s32 $0xFFFF8000  }
0x1ac: {  	v3 =	vld [tilespmem:$0x400];
	_ =	sdelay $0x4  }
0x1ad: {  	v62 =	vshll.u32 v3, $0x4  }
0x1ae: {  	v3 =	vand.u32 $0x7, v3;
	v4 =	vand.u32 $0xFFFFFF80, v62  }
0x1af: {  	v3 =	vor.u32 v3, v4  }
0x1b0: {  	v4 =	vperm.xlane v3, v0;
	_ =	sdelay $0x1  }
0x1b1: {  	v4 =	vadd.s32 v1, v4;
	_ =	sdelay $0x4  }
0x1b2: {  	[tilespmem:s0], [sflag:$0x1] =	stream.indirect_vreg.gather [hbm4b:s1+s3], $0x80, v4, vm0, $0xb8;
	[tilespmem:$0x10800] =	vst v63  }
0x1b3: {  	s31 =	simm.s32 $0x1000  }
0x1b4: {  	[tilespmem:s31], [sflag:$0x1] =	stream.indirect_vreg.gather [hbm4b:s4+s3], $0x80, v4, vm0, $0xb8;
	[tilespmem:$0x10800] =	vst v63  }
0x1b5: {  	s25 =	simm.s32 $0x1800  }
0x1b6: {  	[tilespmem:s25], [sflag:$0x1] =	stream.indirect_vreg.gather [hbm4b:s5+s3], $0x80, v4, vm0, $0xb8;
	[tilespmem:$0x10800] =	vst v63  }
0x1b7: {  	s13 =	simm.s32 $0x2000  }
0x1b8: {  	[tilespmem:s13], [sflag:$0x1] =	stream.indirect_vreg.gather [hbm4b:s6+s3], $0x80, v4, vm0, $0xb8;
	[tilespmem:$0x10800] =	vst v63  }
0x1b9: {  	s25 =	simm.s32 $0x2800  }
0x1ba: {  	[tilespmem:s25], [sflag:$0x1] =	stream.indirect_vreg.gather [hbm4b:s7+s3], $0x80, v4, vm0, $0xb8;
	[tilespmem:$0x10800] =	vst v63  }
0x1bb: {  	s29 =	simm.s32 $0x3000;
	v3 =	vperm.xlane v3, v2  }
0x1bc: {  	[tilespmem:s29], [sflag:$0x1] =	stream.indirect_vreg.gather [hbm4b:s8+s3], $0x80, v4, vm0, $0xb8;
	[tilespmem:$0x10800] =	vst v63  }
0x1bd: {  	s14 =	simm.s32 $0x3800;
	v3 =	vadd.s32 v1, v3  }
0x1be: {  	[tilespmem:s14], [sflag:$0x1] =	stream.indirect_vreg.gather [hbm4b:s9+s3], $0x80, v4, vm0, $0xb8;
	[tilespmem:$0x10800] =	vst v63  }
0x1bf: {  	s15 =	simm.s32 $0x4000  }
0x1c0: {  	[tilespmem:s15], [sflag:$0x1] =	stream.indirect_vreg.gather [hbm4b:s10+s3], $0x80, v4, vm0, $0xb8;
	[tilespmem:$0x10800] =	vst v63  }
0x1c1: {  	s16 =	simm.s32 $0x4800  }
0x1c2: {  	[tilespmem:s16], [sflag:$0x1] =	stream.indirect_vreg.gather [hbm4b:s1+s3], $0x80, v3, vm0, $0xb8;
	[tilespmem:$0x10800] =	vst v63  }
0x1c3: {  	s17 =	simm.s32 $0x5000  }
0x1c4: {  	[tilespmem:s17], [sflag:$0x1] =	stream.indirect_vreg.gather [hbm4b:s4+s3], $0x80, v3, vm0, $0xb8;
	[tilespmem:$0x10800] =	vst v63  }
0x1c5: {  	s18 =	simm.s32 $0x5800  }
0x1c6: {  	[tilespmem:s18], [sflag:$0x1] =	stream.indirect_vreg.gather [hbm4b:s5+s3], $0x80, v3, vm0, $0xb8;
	[tilespmem:$0x10800] =	vst v63  }
0x1c7: {  	s19 =	simm.s32 $0x6000  }
0x1c8: {  	[tilespmem:s19], [sflag:$0x1] =	stream.indirect_vreg.gather [hbm4b:s6+s3], $0x80, v3, vm0, $0xb8;
	[tilespmem:$0x10800] =	vst v63  }
0x1c9: {  	s20 =	simm.s32 $0x6800  }
0x1ca: {  	[tilespmem:s20], [sflag:$0x1] =	stream.indirect_vreg.gather [hbm4b:s7+s3], $0x80, v3, vm0, $0xb8;
	[tilespmem:$0x10800] =	vst v63  }
0x1cb: {  	s21 =	simm.s32 $0x7000  }
0x1cc: {  	[tilespmem:s21], [sflag:$0x1] =	stream.indirect_vreg.gather [hbm4b:s8+s3], $0x80, v3, vm0, $0xb8;
	[tilespmem:$0x10800] =	vst v63  }
0x1cd: {  	s30 =	simm.s32 $0x7800  }
0x1ce: {  	[tilespmem:s30], [sflag:$0x1] =	stream.indirect_vreg.gather [hbm4b:s9+s3], $0x80, v3, vm0, $0xb8;
	[tilespmem:$0x10800] =	vst v63  }
0x1cf: {  	s31 =	simm.s32 $0x8000  }
0x1d0: {  	[tilespmem:s31], [sflag:$0x1] =	stream.indirect_vreg.gather [hbm4b:s10+s3], $0x80, v3, vm0, $0xb8;
	[tilespmem:$0x10800] =	vst v63  }
0x1d1: {  	_ =	swait.ge [sflag:s28], $0x8000  }
0x1d2: {  	[sflag:s28] =	ssyncset.done $0x0  }
0x1d3: {  	s13 =	rddreg [dreg:$0x15];
	[sflag:s28] =	ssyncadd.s32 $0xFFFF8000  }
0x1d4: {  	[hbm4b:s13+s3] =	stream.linear.scatter [tilespmem:s24], [sflag:$0x3], $0x8000, $0x38;
	[tilespmem:$0x10800] =	vst v63  }
0x1d5: {  	_ =	swait.ge [sflag:s12], $0x8000  }
0x1d6: {  	[sflag:s12] =	ssyncset.done $0x0  }
0x1d7: {  	[sflag:s12] =	ssyncadd.s32 $0xFFFF8000  }
0x1d8: {  	v3 =	vld [tilespmem:$0x480];
	_ =	sdelay $0x4  }
0x1d9: {  	v63 =	vshll.u32 v3, $0x4  }
0x1da: {  	v3 =	vand.u32 $0x7, v3;
	v4 =	vand.u32 $0xFFFFFF80, v63  }
0x1db: {  	v3 =	vor.u32 v3, v4  }
0x1dc: {  	v4 =	vperm.xlane v3, v0;
	_ =	sdelay $0x1  }
0x1dd: {  	v4 =	vadd.s32 v1, v4;
	_ =	sdelay $0x4  }
0x1de: {  	[tilespmem:s24], [sflag:$0x2] =	stream.indirect_vreg.gather [hbm4b:s1+s3], $0x80, v4, vm0, $0xb8;
	[tilespmem:$0x10800] =	vst v63  }
0x1df: {  	s22 =	simm.s32 $0x9000  }
0x1e0: {  	[tilespmem:s22], [sflag:$0x2] =	stream.indirect_vreg.gather [hbm4b:s4+s3], $0x80, v4, vm0, $0xb8;
	[tilespmem:$0x10800] =	vst v63  }
0x1e1: {  	s2 =	simm.s32 $0x9800  }
0x1e2: {  	[tilespmem:s2], [sflag:$0x2] =	stream.indirect_vreg.gather [hbm4b:s5+s3], $0x80, v4, vm0, $0xb8;
	[tilespmem:$0x10800] =	vst v63  }
0x1e3: {  	s23 =	simm.s32 $0xA000  }
0x1e4: {  	[tilespmem:s23], [sflag:$0x2] =	stream.indirect_vreg.gather [hbm4b:s6+s3], $0x80, v4, vm0, $0xb8;
	[tilespmem:$0x10800] =	vst v63  }
0x1e5: {  	s14 =	simm.s32 $0xA800  }
0x1e6: {  	[tilespmem:s14], [sflag:$0x2] =	stream.indirect_vreg.gather [hbm4b:s7+s3], $0x80, v4, vm0, $0xb8;
	[tilespmem:$0x10800] =	vst v63  }
0x1e7: {  	s15 =	simm.s32 $0xB000;
	v3 =	vperm.xlane v3, v2  }
0x1e8: {  	[tilespmem:s15], [sflag:$0x2] =	stream.indirect_vreg.gather [hbm4b:s8+s3], $0x80, v4, vm0, $0xb8;
	[tilespmem:$0x10800] =	vst v63  }
0x1e9: {  	s16 =	simm.s32 $0xB800;
	v3 =	vadd.s32 v1, v3  }
0x1ea: {  	[tilespmem:s16], [sflag:$0x2] =	stream.indirect_vreg.gather [hbm4b:s9+s3], $0x80, v4, vm0, $0xb8;
	[tilespmem:$0x10800] =	vst v63  }
0x1eb: {  	s17 =	simm.s32 $0xC000  }
0x1ec: {  	[tilespmem:s17], [sflag:$0x2] =	stream.indirect_vreg.gather [hbm4b:s10+s3], $0x80, v4, vm0, $0xb8;
	[tilespmem:$0x10800] =	vst v63  }
0x1ed: {  	s18 =	simm.s32 $0xC800  }
0x1ee: {  	[tilespmem:s18], [sflag:$0x2] =	stream.indirect_vreg.gather [hbm4b:s1+s3], $0x80, v3, vm0, $0xb8;
	[tilespmem:$0x10800] =	vst v63  }
0x1ef: {  	s19 =	simm.s32 $0xD000  }
0x1f0: {  	[tilespmem:s19], [sflag:$0x2] =	stream.indirect_vreg.gather [hbm4b:s4+s3], $0x80, v3, vm0, $0xb8;
	[tilespmem:$0x10800] =	vst v63  }
0x1f1: {  	s20 =	simm.s32 $0xD800  }
0x1f2: {  	[tilespmem:s20], [sflag:$0x2] =	stream.indirect_vreg.gather [hbm4b:s5+s3], $0x80, v3, vm0, $0xb8;
	[tilespmem:$0x10800] =	vst v63  }
0x1f3: {  	s21 =	simm.s32 $0xE000  }
0x1f4: {  	[tilespmem:s21], [sflag:$0x2] =	stream.indirect_vreg.gather [hbm4b:s6+s3], $0x80, v3, vm0, $0xb8;
	[tilespmem:$0x10800] =	vst v63  }
0x1f5: {  	s22 =	simm.s32 $0xE800  }
0x1f6: {  	[tilespmem:s22], [sflag:$0x2] =	stream.indirect_vreg.gather [hbm4b:s7+s3], $0x80, v3, vm0, $0xb8;
	[tilespmem:$0x10800] =	vst v63  }
0x1f7: {  	s23 =	simm.s32 $0xF000  }
0x1f8: {  	[tilespmem:s23], [sflag:$0x2] =	stream.indirect_vreg.gather [hbm4b:s8+s3], $0x80, v3, vm0, $0xb8;
	[tilespmem:$0x10800] =	vst v63  }
0x1f9: {  	s25 =	simm.s32 $0xF800  }
0x1fa: {  	[tilespmem:s25], [sflag:$0x2] =	stream.indirect_vreg.gather [hbm4b:s9+s3], $0x80, v3, vm0, $0xb8;
	[tilespmem:$0x10800] =	vst v63  }
0x1fb: {  	s29 =	simm.s32 $0x10000  }
0x1fc: {  	[tilespmem:s29], [sflag:$0x2] =	stream.indirect_vreg.gather [hbm4b:s10+s3], $0x80, v3, vm0, $0xb8;
	[tilespmem:$0x10800] =	vst v63  }
0x1fd: {  	_ =	swait.ge [sflag:s26], $0x8000  }
0x1fe: {  	[sflag:s26] =	ssyncset.done $0x0  }
0x1ff: {  	s30 =	rddreg [dreg:$0x16];
	[sflag:s26] =	ssyncadd.s32 $0xFFFF8000  }
0x200: {  	[hbm4b:s30+s3] =	stream.linear.scatter [tilespmem:s0], [sflag:$0x3], $0x8000, $0x38;
	[tilespmem:$0x10800] =	vst v63  }
0x201: {  	_ =	swait.ge [sflag:s12], $0x8000  }
0x202: {  	[sflag:s12] =	ssyncset.done $0x0  }
0x203: {  	[sflag:s12] =	ssyncadd.s32 $0xFFFF8000  }
0x204: {  	_ =	swait.ge [sflag:s28], $0x8000  }
0x205: {  	p0 =	sne.s32 s11, $0x1;
	[sflag:s28] =	ssyncset.done $0x0  }
.Ltmp0:
0x206: {  	s31 =	rddreg [dreg:$0x17];
	[sflag:s28] =	ssyncadd.s32 $0xFFFF8000;
	(pc) =	sbr.rel @p0 .LBB2_1-.Ltmp0, $4  }
0x207: {  	[hbm4b:s31+s3] =	stream.linear.scatter [tilespmem:s24], [sflag:$0x3], $0x8000, $0x38;
	[tilespmem:$0x10800] =	vst v63  }
0x208: {  	_ =	swait.ge [sflag:s12], $0x8000  }
0x209: {  	[sflag:s12] =	ssyncset.done $0x0  }
0x20a: {  	s11 =	sadd.s32 $0xFFFFFFFF, s11;
	[sflag:s12] =	ssyncadd.s32 $0xFFFF8000  }
0x20b: {  	_ =	sfence.sel $0x180000  }
0x20c: {  	[bflag:$0x0] =	sbarrier.arrive $0xFFFF  }
0x20d: {  	_ =	strace $0x9000004A  }
0x20e: {  	s0 =	stileid.u32;
	[bflag:$0x2] =	sbarrier.arrive $0xFFFF  }
0x20f: {  	p0 =	sne.s32 s0, $0x0;
	s0 =	rddreg [dreg:$0x3]  }
0x210: {  	s0 =	sadd.s32 @!p0 $0x100000, s0  }
0x211: {  	[sflag:s0] =	ssyncadd.tile.s32 @!p0 $0x1;
	_ =	shalt  }
.Lfunc_end2:
_tile_overlayer_lowered:
.L_overlay_start_2:
0x212: {  	(tag) =	ssettag $0x2  }
0x213: {  	s0 =	rddreg [dreg:$0x0];
	s2 =	stileid.u32  }
0x214: {  	s1 =	rddreg [dreg:$0x1];
	p0 =	sne.s32 s2, $0x0  }
0x215: {  	s3 =	rddreg [dreg:$0x2];
	[bflag:$0x3] =	sbarrier.arrive $0xFFFF;
	s2 =	simm.s32 @!p0 $0x1C03  }
0x216: {  	[timem:s3], [sflag:s2] =	dma.local @!p0 [hbm:s0], s1  }
0x217: {  	s0 =	simm.s32 @!p0 $0x3  }
0x218: {  	_ =	swait.ge @!p0 [sflag:s0], s1  }
0x219: {  	s1 =	ssub.s32 @!p0 $0x0, s1;
	[sflag:s0] =	ssyncset.done @!p0 $0x0  }
0x21a: {  	[sflag:s0] =	ssyncadd.s32 @!p0 s1  }
0x21b: {  	[bflag:$0x3] =	sbarrier.arrive $0xFFFF  }
0x21c: {  	_ =	shalt  }

// kernel: kernel.8.cloned.1.call-start
scs
__scs_entry_jumppad:
0x0: {  	(pc) =	sbr.rel $0x88, $3  }
0x1: {  	(tag) =	ssettag $0x0;
	lr =	simm.s32 $0x1  }
0x2: {  	[smem:$0x3F99] =	sst lr;
	_ =	strace $0xD0000000  }
0x3: {  	_ = 	snop  }
0x4: {  	_ = 	snop  }
0x5: {  	_ = 	snop  }
0x6: {  	_ = 	snop  }
0x7: {  	_ = 	snop  }
__scs_overlays_trampoline_lowered:
0x8: {  	[smem:$0x3FA8] =	sst s0  }
0x9: {  	[smem:$0x3FA9] =	sst s1  }
0xa: {  	[smem:$0x3FAA] =	sst s2  }
0xb: {  	[smem:$0x3FAB] =	sst s3  }
0xc: {  	[smem:$0x3FAC] =	sst s4  }
0xd: {  	[smem:$0x3FAD] =	sst s5  }
0xe: {  	[smem:$0x3FAE] =	sst s6  }
0xf: {  	[smem:$0x3FAF] =	sst s7  }
0x10: {  	[smem:$0x3FB0] =	sst s8  }
0x11: {  	[smem:$0x3FB1] =	sst s9;
	s0 =	simm.s32 @!p0 $0x0  }
0x12: {  	s1 =	sld [smem:$0x3F97];
	s0 =	simm.s32 @p0 $0x1  }
0x13: {  	[smem:$0x3FB2] =	sst s0;
	s0 =	simm.s32 @!p1 $0x0  }
0x14: {  	s2 =	sld [smem:$0x3F96];
	s0 =	simm.s32 @p1 $0x1  }
0x15: {  	[smem:$0x3FB3] =	sst s0;
	s0 =	simm.s32 @!p2 $0x0  }
0x16: {  	s3 =	sld [smem:$0x3FDB];
	s0 =	simm.s32 @p2 $0x1  }
0x17: {  	s4 =	simm.s32 $0x1BF5;
	[smem:$0x3FB5] =	sst s0  }
0x18: {  	s0 =	sld [smem:$0x3F98];
	_ =	swait.ge [sflag:s4], $0x0  }
0x19: {  	s7 =	sld [smem:$0x3F99]  }
0x1a: {  	s8 =	sadd.s32 $0xFFFFE003, lr  }
0x1b: {  	s9 =	sadd.s32 $0xFFFFFEF7, lr;
	s5 =	simm.s32 $0xFFFFFFFF;
	p2 =	slt.u32 s8, $0xFFFFF086  }
0x1c: {  	p1 =	slt.u32 s9, $0xF7A;
	s5 =	simm.s32 @!p2 $0x0  }
0x1d: {  	s5 =	simm.s32 @p1 $0x1;
	p0 =	seq.s32 s7, s2  }
0x1e: {  	s7 =	smul.u32 @!p0 $0xF7A, s2;
	p2 =	seq.s32 @!p0 s5, $0x0  }
0x1f: {  	s9 =	smul.u32 $0xF7A, s1;
	s8 =	simm.s32 @!p0 $0x1BF5;
	p2 =	por !p2, p0  }
0x20: {  	[sflag:s8] =	ssyncset.s32 @!p0 $0xFFFFF086;
	s6 =	sadd.s32 @!p0 s3, s7;
	s7 =	simm.s32 @!p0 $0x108  }
0x21: {  	s3 =	sadd.s32 s3, s9;
	s6 =	sadd.s32 @!p0 $0x88, s6;
	s7 =	simm.s32 @p2 $0x1082  }
0x22: {  	[simem:s7], [sflag:s8] =	dma.local @!p0 [hbm:s6], $0xF7A  }
0x23: {  	s9 =	sor.u32 $0xD0000000, s2;
	s6 =	simm.s32 $0x108;
	_ =	swait.ge @!p0 [sflag:s8], $0x0  }
0x24: {  	s3 =	sadd.s32 $0x88, s3;
	s6 =	simm.s32 @!p1 $0x1082;
	[sflag:s4] =	ssyncset.s32 $0xFFFFF086  }
0x25: {  	[simem:s6], [sflag:s4] =	dma.local [hbm:s3], $0xF7A  }
0x26: {  	[smem:$0x3F99] =	sst s1;
	(tag) =	ssettag s2;
	_ =	strace s9  }
0x27: {  	s1 =	sld [smem:$0x3FA9]  }
0x28: {  	s2 =	sld [smem:$0x3FAA]  }
0x29: {  	s4 =	sld [smem:$0x3FAC]  }
0x2a: {  	p0 =	seq.s32 s5, $0x0;
	s5 =	sld [smem:$0x3FAD]  }
0x2b: {  	s6 =	sld [smem:$0x3FAE]  }
0x2c: {  	s7 =	sld [smem:$0x3FAF]  }
0x2d: {  	s3 =	simm.s32 $0x108;
	s8 =	sld [smem:$0x3FB0]  }
0x2e: {  	s3 =	simm.s32 @!p0 $0x1082;
	s9 =	sld [smem:$0x3FB1]  }
0x2f: {  	lr =	sadd.s32 s0, s3;
	s0 =	sld [smem:$0x3FA8]  }
0x30: {  	s3 =	sld [smem:$0x3FAB]  }
0x31: {  	[smem:$0x3FB4] =	sst s10  }
0x32: {  	s10 =	sld [smem:$0x3FB2];
	_ =	sdelay $0x3  }
0x33: {  	p0 =	seq.s32 s10, $0x1;
	s10 =	sld [smem:$0x3FB4];
	_ =	sdelay $0x3  }
0x34: {  	[smem:$0x3FB4] =	sst s10  }
0x35: {  	s10 =	sld [smem:$0x3FB3];
	_ =	sdelay $0x3  }
0x36: {  	p1 =	seq.s32 s10, $0x1;
	s10 =	sld [smem:$0x3FB4];
	_ =	sdelay $0x3  }
0x37: {  	[smem:$0x3FB4] =	sst s10  }
0x38: {  	s10 =	sld [smem:$0x3FB5]  }
0x39: {  	_ = 	snop;
	(pc) =	sbr.ind lr, $3  }
0x3a: {  	_ = 	snop  }
0x3b: {  	_ = 	snop  }
0x3c: {  	p2 =	seq.s32 s10, $0x1;
	s10 =	sld [smem:$0x3FB4]  }
0x3d: {  	_ =	shalt  }
0x3e: {  	_ =	shalt  }
0x3f: {  	_ =	shalt  }
0x40: {  	_ =	shalt  }
0x41: {  	_ =	shalt  }
0x42: {  	_ =	shalt  }
0x43: {  	_ =	shalt  }
0x44: {  	_ =	shalt  }
0x45: {  	_ =	shalt  }
0x46: {  	_ =	shalt  }
0x47: {  	_ =	shalt  }
0x48: {  	_ =	shalt  }
0x49: {  	_ =	shalt  }
0x4a: {  	_ =	shalt  }
0x4b: {  	_ =	shalt  }
0x4c: {  	_ =	shalt  }
0x4d: {  	_ =	shalt  }
0x4e: {  	_ =	shalt  }
0x4f: {  	_ =	shalt  }
0x50: {  	_ =	shalt  }
0x51: {  	_ =	shalt  }
0x52: {  	_ =	shalt  }
0x53: {  	_ =	shalt  }
0x54: {  	_ =	shalt  }
0x55: {  	_ =	shalt  }
0x56: {  	_ =	shalt  }
0x57: {  	_ =	shalt  }
0x58: {  	_ =	shalt  }
0x59: {  	_ =	shalt  }
0x5a: {  	_ =	shalt  }
0x5b: {  	_ =	shalt  }
0x5c: {  	_ =	shalt  }
0x5d: {  	_ =	shalt  }
0x5e: {  	_ =	shalt  }
0x5f: {  	_ =	shalt  }
0x60: {  	_ =	shalt  }
0x61: {  	_ =	shalt  }
0x62: {  	_ =	shalt  }
0x63: {  	_ =	shalt  }
0x64: {  	_ =	shalt  }
0x65: {  	_ =	shalt  }
0x66: {  	_ =	shalt  }
0x67: {  	_ =	shalt  }
0x68: {  	_ =	shalt  }
0x69: {  	_ =	shalt  }
0x6a: {  	_ =	shalt  }
0x6b: {  	_ =	shalt  }
0x6c: {  	_ =	shalt  }
0x6d: {  	_ =	shalt  }
0x6e: {  	_ =	shalt  }
0x6f: {  	_ =	shalt  }
0x70: {  	_ =	shalt  }
0x71: {  	_ =	shalt  }
0x72: {  	_ =	shalt  }
0x73: {  	_ =	shalt  }
0x74: {  	_ =	shalt  }
0x75: {  	_ =	shalt  }
0x76: {  	_ =	shalt  }
0x77: {  	_ =	shalt  }
0x78: {  	_ =	shalt  }
0x79: {  	_ =	shalt  }
0x7a: {  	_ =	shalt  }
0x7b: {  	_ =	shalt  }
0x7c: {  	_ =	shalt  }
0x7d: {  	_ =	shalt  }
0x7e: {  	_ =	shalt  }
0x7f: {  	_ =	shalt  }
0x80: {  	_ =	shalt  }
0x81: {  	_ =	shalt  }
0x82: {  	_ =	shalt  }
0x83: {  	_ =	shalt  }
0x84: {  	_ =	shalt  }
0x85: {  	_ =	shalt  }
0x86: {  	_ =	shalt  }
0x87: {  	_ =	shalt  }
.Lfunc_end0:
.L_simem_size_0:
called_computation_lowered:
.L_overlay_start_0:
0x88: {  	s2 =	sld [smem:$0x3FD9]  }
0x89: {  	s3 =	sld [smem:$0x3FFE];
	_ =	sdelay $0x1  }
0x8a: {  	s1 =	srdreg.scid  }
0x8b: {  	s0 =	sand.u32 $0x1, s1  }
0x8c: {  	s14 =	sshll.u32 s0, $0xA;
	s2 =	sadd.s32 s3, s2  }
0x8d: {  	s2 =	sadd.s32 s2, s14  }
0x8e: {  	[smem:$0x3FC0] =	sst s2  }
0x8f: {  	_ = 	snop  }
0x90: {  	s2 =	sld [smem:$0x3FD0];
	_ =	sdelay $0x2  }
0x91: {  	s15 =	simm.s32 $0xA;
	s4 =	simm.s32 $0x10  }
0x92: {  	[smem:s4], [sflag:s15] =	dma.local [hbm:s2], $0x1  }
0x93: {  	_ =	swait.eq [sflag:s15], $0x1  }
0x94: {  	[sflag:s15] =	ssyncset.done $0x0  }
0x95: {  	[sflag:s15] =	ssyncadd.s32 $0xFFFFFFFF  }
0x96: {  	s16 =	sld [smem:$0x10];
	(tm) =	ssettm $0x1  }
0x97: {  	s17 =	sld [smem:$0x3FFB];
	_ =	sdelay $0x3  }
0x98: {  	_ =	strace s17  }
0x99: {  	s3 =	sld [smem:$0x3FFC];
	_ =	sdelay $0x3  }
0x9a: {  	_ =	strace s3  }
0x9b: {  	s3 =	sld [smem:$0x3FFD];
	_ =	sdelay $0x3  }
0x9c: {  	_ =	strace s3  }
0x9d: {  	_ =	strace $0x8FFFFFFF  }
0x9e: {  	s18 =	sld [smem:$0x3FDB];
	_ =	sdelay $0x1  }
0x9f: {  	s19 =	simm.s32 $_scs_section_size  }
0xa0: {  	s5 =	simm.s32 $_size__tile_overlayer_lowered;
	s6 =	simm.s32 $_tile_overlayer_lowered  }
0xa1: {  	s22 =	simm.s32 $0x1BFF;
	s21 =	sshll.u32 s6, $0x1;
	s3 =	sadd.s32 s19, s18  }
0xa2: {  	s7 =	simm.s32 $0x0;
	s20 =	sshll.u32 s5, $0x1;
	s5 =	sadd.s32 s21, s3  }
0xa3: {  	[timem:s7], [sflag:s22] =	dma.local [hbm:s5], s20  }
0xa4: {  	_ =	swait.ge [sflag:s22], s20  }
0xa5: {  	s4 =	ssub.s32 $0x0, s20;
	[sflag:s22] =	ssyncset.done $0x0  }
0xa6: {  	[sflag:s22] =	ssyncadd.s32 s4;
	_ =	sdelay $0x1  }
0xa7: {  	s23 =	simm.s32 $0x1B8B  }
0xa8: {  	_ =	swait.ge [sflag:s23], $0x1  }
0xa9: {  	[sflag:s23] =	ssyncset.done $0x0  }
0xaa: {  	s25 =	simm.s32 $0x1B8E;
	s24 =	sld [smem:$0x3FFE];
	[sflag:s23] =	ssyncadd.s32 $0xFFFFFFFF  }
0xab: {  	s26 =	simm.s32 $execute0_lowered;
	[smem:$0x3FD2] =	sst s25  }
0xac: {  	s5 =	sshll.u32 s26, $0x1;
	_ =	strace $0x80000046;
	[dreg:$0x1] =	wrdreg $0xFFFFFFFF  }
0xad: {  	s28 =	simm.s32 $_size_execute0_lowered;
	s3 =	sadd.s32 s3, s5;
	[dreg:$0x0] =	wrdreg $0x0  }
0xae: {  	s5 =	sshll.u32 s28, $0x1;
	[dreg:$0x2] =	wrdreg s3  }
0xaf: {  	[dreg:$0x3] =	wrdreg s5  }
0xb0: {  	[dreg:$0x4] =	wrdreg $0xC0  }
0xb1: {  	_ =	task [dreg:s7], $0x5FFFF  }
0xb2: {  	[dreg:$0x1] =	wrdreg $0xFFFFFFFF  }
0xb3: {  	[dreg:$0x0] =	wrdreg $0x60  }
0xb4: {  	[dreg:$0x2] =	wrdreg s24  }
0xb5: {  	[dreg:$0x3] =	wrdreg s16  }
0xb6: {  	[dreg:$0x4] =	wrdreg $0x9  }
0xb7: {  	_ =	task.clear_ibuf [dreg:s7], $0x5FFFF;
	_ =	strace $0x90000046  }
0xb8: {  	s29 =	simm.s32 $0x9;
	_ =	strace $0x80000048  }
0xb9: {  	_ =	swait.ge [sflag:s29], $0x1  }
0xba: {  	[sflag:s29] =	ssyncadd.s32 $0xFFFFFFFF  }
0xbb: {  	_ =	strace $0x90000048  }
0xbc: {  	_ =	sfence  }
0xbd: {  	s30 =	sld [smem:$0x0];
	_ =	sdelay $0x2  }
0xbe: {  	s31 =	sshll.u32 s1, $0xD;
	s1 =	sshrl.u32 s1, $0x2  }
0xbf: {  	s3 =	sand.u32 $0x4000, s31;
	s1 =	sadd.s32 s1, s30  }
0xc0: {  	s0 =	sor.u32 s3, s0;
	s1 =	sshll.u32 s1, $0x11  }
0xc1: {  	s0 =	sor.u32 s1, s0  }
0xc2: {  	s0 =	sadd.s32 $0x8F2B, s0  }
0xc3: {  	[sflag:s0] =	ssyncadd.remote.s32 $0x1  }
0xc4: {  	_ =	sfence.sel $0xFFFF  }
0xc5: {  	[dreg:$0x0] =	wrdreg $0xFFFFFFFF;
	(pc) =	sbr.abs _section_cstart, $3  }
0xc6: {  	[dreg:$0x1] =	wrdreg $0xFFFFFFFF  }
0xc7: {  	_ =	task.clear_ibuf [dreg:s7], $0x2FFFF;
	_ =	strace $0x9FFFFFFF  }
0xc8: {  	(tm) =	ssettm $0x7FFFFFFF  }
0xc9: {  	_ =	shalt  }
tec
execute0_lowered:
.L_overlay_start_1:
0x0: {  	(tag) =	ssettag $0x1  }
0x1: {  	s0 =	srdreg.scid  }
0x2: {  	s4 =	sand.u32 $0x1, s0;
	s0 =	stileid.u32  }
0x3: {  	s5 =	sshll.u32 s0, $0x1;
	s6 =	ssub.s32 $0x0, s4  }
0x4: {  	p0 =	sne.s32 s5, s6  }
.Ltmp0:
0x5: {  	_ = 	snop;
	(pc) =	sbr.rel @p0 .LBB2_9-.Ltmp0, $4  }
0x6: {  	_ = 	snop  }
0x7: {  	s3 =	rddreg [dreg:$0x0]  }
0x8: {  	s2 =	rddreg [dreg:$0x1]  }
0x9: {  	s1 =	rddreg [dreg:$0x2];
	_ =	strace $0x80000047  }
0xa: {  	s4 =	ssub.s32 $0x2, s4  }
0xb: {  	s3 =	sadd.s32 $0x11000, s3;
	s5 =	sshrl.u32 s4, $0x1  }
0xc: {  	s6 =	simm.s32 $0x1;
	s7 =	simm.s32 $0x1000;
	s4 =	ssub.s32 s4, s5  }
0xd: {  	v0 =	vimm.s32 $0x0;
	v1 =	vlaneseq.u32;
	s8 =	simm.s32 $0x0;
	s5 =	simm.s32 $0x0;
	s4 =	smax.u32 s4, $0x1  }
.LBB2_2:
0xe: {  	[tilespmem:s5], [sflag:$0x1] =	stream.linear.gather [hbm4b:s3+s5], $0x1000, $0x38;
	[tilespmem:$0x2400] =	vst v63  }
0xf: {  	_ =	swait.ge [sflag:s6], $0x1000  }
0x10: {  	[sflag:s6] =	ssyncset.done $0x0  }
0x11: {  	s9 =	simm.s32 $0x40;
	s11 =	simm.s32 $0x0;
	[sflag:s6] =	ssyncadd.s32 $0xFFFFF000  }
.LBB2_3:
0x12: {  	p0 =	sne.s32 s9, $0x4FC0;
	[tilespmem:s11+$0x1000] =	vst v0;
	s10 =	smov.u32 s9;
	s9 =	sadd.s32 $0x40, s9  }
.Ltmp1:
0x13: {  	(pc) =	sbr.rel @p0 .LBB2_3-.Ltmp1, $2  }
0x14: {  	_ =	sdelay $0x2  }
0x15: {  	s11 =	sshra.s32 s10, $0x2  }
0x16: {  	s10 =	simm.s32 $0x0  }
0x17: {  	s9 =	sand.u32 $0x70, s10;
	s12 =	sand.u32 $0xF00, s10  }
0x18: {  	[tilespmem:s11+$0x1000] =	vst v0;
	s11 =	sor.u32 s9, s12  }
0x19: {  	v2 =	vld [tilespmem:s11+$0x0];
	_ =	sdelay $0x4  }
0x1a: {  	vm0 =	vlt.s32 v2, $0x1400;
	_ =	sdelay $0x3  }
0x1b: {  	s14 =	simm.s32 $0x20;
	s9 =	simm.s32 $0x10;
	s12 =	simm.s32 $0x20  }
0x1c: {  	s13 =	simm.s32 $0x10;
	v3 =	vor.u32 s10, v1;
	s15 =	sand.u32 $0x70, s9;
	s16 =	sand.u32 $0xF00, s12  }
.LBB2_5:
0x1d: {  	p0 =	sne.s32 s14, $0x7F0;
	s15 =	sor.u32 s15, s16;
	[tilespmem:v2+s7+$0x0] =	vst.idx.msk vm0, v3;
	s17 =	smov.u32 s13  }
0x1e: {  	s13 =	smov.u32 s14;
	v2 =	vld [tilespmem:s15+$0x0];
	_ =	sdelay $0x4  }
0x1f: {  	vm0 =	vlt.s32 v2, $0x1400  }
.Ltmp2:
0x20: {  	(pc) =	sbr.rel @p0 .LBB2_5-.Ltmp2, $3  }
0x21: {  	_ =	sdelay $0x1  }
0x22: {  	s12 =	sadd.s32 $0x20, s12  }
0x23: {  	s14 =	sadd.s32 $0x10, s14;
	s15 =	sand.u32 $0x70, s13;
	s16 =	sand.u32 $0xF00, s12;
	v3 =	vor.u32 s17, v1  }
0x24: {  	_ =	sdelay $0x4  }
0x25: {  	s12 =	sor.u32 s15, s16;
	[tilespmem:v2+s7+$0x0] =	vst.idx.msk vm0, v3  }
0x26: {  	v2 =	vld [tilespmem:s12+$0x0];
	_ =	sdelay $0x4  }
0x27: {  	vm0 =	vlt.s32 v2, $0x1400;
	_ =	sdelay $0x4  }
0x28: {  	v3 =	vor.u32 s13, v1  }
0x29: {  	[tilespmem:v2+s7+$0x0] =	vst.idx.msk vm0, v3  }
0x2a: {  	v2 =	vld [tilespmem:s11+$0x80];
	_ =	sdelay $0x4  }
0x2b: {  	vm0 =	vlt.s32 v2, $0x1400;
	_ =	sdelay $0x3  }
0x2c: {  	s11 =	simm.s32 $0x20  }
0x2d: {  	s13 =	sand.u32 $0x70, s9;
	s12 =	simm.s32 $0x20;
	v3 =	vor.u32 s10, v1;
	s14 =	sand.u32 $0xF00, s11  }
.LBB2_7:
0x2e: {  	p0 =	sne.s32 s12, $0x7F0;
	s10 =	sor.u32 s13, s14;
	[tilespmem:v2+s7+$0x0] =	vst.idx.msk vm0, v3;
	s15 =	smov.u32 s9  }
0x2f: {  	s9 =	smov.u32 s12;
	v2 =	vld [tilespmem:s10+$0x80];
	_ =	sdelay $0x4  }
0x30: {  	vm0 =	vlt.s32 v2, $0x1400  }
.Ltmp3:
0x31: {  	(pc) =	sbr.rel @p0 .LBB2_7-.Ltmp3, $3  }
0x32: {  	_ =	sdelay $0x1  }
0x33: {  	s11 =	sadd.s32 $0x20, s11  }
0x34: {  	s12 =	sadd.s32 $0x10, s12;
	s13 =	sand.u32 $0x70, s9;
	s14 =	sand.u32 $0xF00, s11;
	v3 =	vor.u32 s15, v1  }
0x35: {  	_ =	sdelay $0x4  }
0x36: {  	s10 =	sor.u32 s13, s14;
	[tilespmem:v2+s7+$0x0] =	vst.idx.msk vm0, v3  }
0x37: {  	v2 =	vld [tilespmem:s10+$0x80];
	_ =	sdelay $0x4  }
0x38: {  	vm15 =	vlt.s32 v2, $0x1400;
	_ =	sdelay $0x3  }
0x39: {  	s8 =	sadd.s32 $0x1, s8  }
0x3a: {  	v3 =	vor.u32 s9, v1;
	p0 =	sne.s32 s8, s4  }
.Ltmp4:
0x3b: {  	[tilespmem:v2+s7+$0x0] =	vst.idx.msk vm15, v3;
	(pc) =	sbr.rel @p0 .LBB2_2-.Ltmp4, $4  }
0x3c: {  	[hbm4b:s2+s5] =	stream.linear.scatter [tilespmem:s7], [sflag:$0x1], $0x1400, $0x38;
	[tilespmem:$0x2400] =	vst v63  }
0x3d: {  	_ =	swait.ge [sflag:s6], $0x1400  }
0x3e: {  	[sflag:s6] =	ssyncset.done $0x0  }
0x3f: {  	[sflag:s6] =	ssyncadd.s32 $0xFFFFEC00  }
.LBB2_9:
0x40: {  	_ =	sfence.sel $0x180000  }
0x41: {  	[bflag:$0x0] =	sbarrier.arrive $0xFFFF  }
0x42: {  	p0 =	sne.s32 s0, $0x0;
	_ =	strace $0x90000047  }
0x43: {  	s0 =	sadd.s32 @!p0 $0x100000, s1;
	[bflag:$0x2] =	sbarrier.arrive $0xFFFF  }
0x44: {  	[sflag:s0] =	ssyncadd.tile.s32 @!p0 $0x1;
	_ =	shalt  }
.Lfunc_end2:
_tile_overlayer_lowered:
.L_overlay_start_2:
0x45: {  	(tag) =	ssettag $0x2  }
0x46: {  	s0 =	rddreg [dreg:$0x0];
	s2 =	stileid.u32  }
0x47: {  	s1 =	rddreg [dreg:$0x1];
	p0 =	sne.s32 s2, $0x0  }
0x48: {  	s3 =	rddreg [dreg:$0x2];
	[bflag:$0x3] =	sbarrier.arrive $0xFFFF;
	s2 =	simm.s32 @!p0 $0x1C01  }
0x49: {  	[timem:s3], [sflag:s2] =	dma.local @!p0 [hbm:s0], s1  }
0x4a: {  	s0 =	simm.s32 @!p0 $0x1  }
0x4b: {  	_ =	swait.ge @!p0 [sflag:s0], s1  }
0x4c: {  	s1 =	ssub.s32 @!p0 $0x0, s1;
	[sflag:s0] =	ssyncset.done @!p0 $0x0  }
0x4d: {  	[sflag:s0] =	ssyncadd.s32 @!p0 s1  }
0x4e: {  	[bflag:$0x3] =	sbarrier.arrive $0xFFFF  }
0x4f: {  	_ =	shalt  }

</sc_bundles>
